<compile_context>
chip_gen: v7x
topology: tpu7x:2x2x1
jax: 0.10.2.dev20260603
libtpu: 0.0.44.dev20260713+nightly
codegen_flags: <defaults>
</compile_context>

<pallas_src>
import functools

import jax
import jax.numpy as jnp
from jax import lax
from jax.experimental import pallas as pl
from jax.experimental.pallas import tpu as pltpu
from jax.experimental.pallas import tpu_sc as plsc

B, T, F, D = 4096, 50, 4, 32
NC, NS = 2, 16
NW = NC * NS
PB = B // NW
NB = 4
NCHUNK = PB // NB
NPAIR = NCHUNK // 2
FH_PER = NB * T * F
TK_PER = NB * T
IH = PB // 2


def _chunks(total):
  out, off = [], 0
  while off < total:
    sz = min(128, total - off)
    out.append((off, sz))
    off += sz
  return out

_mesh = plsc.VectorSubcoreMesh(core_axis_name="c", subcore_axis_name="s")


@functools.partial(
    pl.kernel,
    out_type=[
        jax.ShapeDtypeStruct((B, 3 * D), jnp.float32),
        jax.ShapeDtypeStruct((B, T, 2 * D), jnp.float32),
        jax.ShapeDtypeStruct((B, 2 * D), jnp.float32),
    ],
    mesh=_mesh,
    compiler_params=pltpu.CompilerParams(use_tc_tiling_on_sc=False),
    scratch_types=[
        pltpu.VMEM((FH_PER,), jnp.int32),
        pltpu.VMEM((FH_PER,), jnp.int32),
        pltpu.VMEM((TK_PER,), jnp.int32),
        pltpu.VMEM((TK_PER,), jnp.int32),
        pltpu.VMEM((PB,), jnp.int32),
        pltpu.VMEM((PB,), jnp.int32),
        pltpu.VMEM((PB * F,), jnp.int32),
        pltpu.VMEM((FH_PER, D), jnp.float32),
        pltpu.VMEM((FH_PER, D), jnp.float32),
        pltpu.VMEM((TK_PER, D), jnp.float32),
        pltpu.VMEM((TK_PER, D), jnp.float32),
        pltpu.VMEM((NB, T, 2 * D), jnp.float32),
        pltpu.VMEM((NB, T, 2 * D), jnp.float32),
        pltpu.VMEM((2 * NB, 2 * D), jnp.float32),
        pltpu.VMEM((PB, D), jnp.float32),
        pltpu.VMEM((PB, D), jnp.float32),
        pltpu.VMEM((PB * F, D), jnp.float32),
        pltpu.VMEM((IH, 3 * D), jnp.float32),
        pltpu.SemaphoreType.DMA,
        pltpu.SemaphoreType.DMA,
        pltpu.SemaphoreType.DMA,
        pltpu.SemaphoreType.DMA,
        pltpu.SemaphoreType.DMA,
        pltpu.SemaphoreType.DMA,
    ],
)
def _sc_body(fh_idx, tk_idx, nm_idx, nmh_idx, fb_idx, ftab, ttab, ntab,
             ieb_out, his_out, hsum_out,
             fidx0, fidx1, tidx0, tidx1, nidx_v, nhidx_v, fbidx_v,
             fg0, fg1, tg0, tg1, hisb0, hisb1, hsumb,
             n1, n2, fbg, iebb,
             semA, semB, semWA, semWB, semH, semE):
  wid = lax.axis_index("s") * NC + lax.axis_index("c")
  wbase = wid * PB
  fidx = (fidx0, fidx1)
  tidx = (tidx0, tidx1)
  fg = (fg0, fg1)
  tg = (tg0, tg1)
  hisb = (hisb0, hisb1)
  semG = (semA, semB)
  semW = (semWA, semWB)
  zero = jnp.zeros((16,), jnp.float32)

  def fire(si, buf):
    base = wbase + si * NB
    pltpu.sync_copy(fh_idx.at[pl.ds(base * T * F, FH_PER)], fidx[buf])
    pltpu.sync_copy(tk_idx.at[pl.ds(base * T, TK_PER)], tidx[buf])
    for off, sz in _chunks(FH_PER):
      pltpu.async_copy(ftab.at[fidx[buf].at[pl.ds(off, sz)]],
                       fg[buf].at[pl.ds(off, sz)], semG[buf])
    for off, sz in _chunks(TK_PER):
      pltpu.async_copy(ttab.at[tidx[buf].at[pl.ds(off, sz)]],
                       tg[buf].at[pl.ds(off, sz)], semG[buf])

  def drain_gathers(buf):
    pltpu.make_async_copy(ftab.at[pl.ds(0, FH_PER)], fg[buf], semG[buf]).wait()
    pltpu.make_async_copy(ttab.at[pl.ds(0, TK_PER)], tg[buf], semG[buf]).wait()

  def compute_chunk(si, buf, hrow):
    fgb, tgb, hb = fg[buf], tg[buf], hisb[buf]

    for b in range(NB):
      def tbody(t, acc):
        a0, a1, a2, a3 = acc
        p = b * T + t
        v0 = (fgb[4 * p, pl.ds(0, 16)] + fgb[4 * p + 1, pl.ds(0, 16)] +
              fgb[4 * p + 2, pl.ds(0, 16)] + fgb[4 * p + 3, pl.ds(0, 16)])
        v1 = (fgb[4 * p, pl.ds(16, 16)] + fgb[4 * p + 1, pl.ds(16, 16)] +
              fgb[4 * p + 2, pl.ds(16, 16)] + fgb[4 * p + 3, pl.ds(16, 16)])
        w0 = tgb[p, pl.ds(0, 16)]
        w1 = tgb[p, pl.ds(16, 16)]
        hb[b, t, pl.ds(0, 16)] = v0
        hb[b, t, pl.ds(16, 16)] = v1
        hb[b, t, pl.ds(32, 16)] = w0
        hb[b, t, pl.ds(48, 16)] = w1
        return (a0 + v0, a1 + v1, a2 + w0, a3 + w1)
      a0, a1, a2, a3 = lax.fori_loop(0, T, tbody, (zero, zero, zero, zero))
      hsumb[hrow + b, pl.ds(0, 16)] = a0
      hsumb[hrow + b, pl.ds(16, 16)] = a1
      hsumb[hrow + b, pl.ds(32, 16)] = a2
      hsumb[hrow + b, pl.ds(48, 16)] = a3

    pltpu.async_copy(hb, his_out.at[pl.ds(wbase + si * NB, NB)], semW[buf])

  pltpu.sync_copy(nm_idx.at[pl.ds(wbase, PB)], nidx_v)
  pltpu.sync_copy(nmh_idx.at[pl.ds(wbase, PB)], nhidx_v)
  pltpu.sync_copy(fb_idx.at[pl.ds(wbase * F, PB * F)], fbidx_v)
  pltpu.async_copy(ntab.at[nidx_v], n1, semE)
  pltpu.async_copy(ntab.at[nhidx_v], n2, semE)
  for off, sz in _chunks(PB * F):
    pltpu.async_copy(ftab.at[fbidx_v.at[pl.ds(off, sz)]],
                     fbg.at[pl.ds(off, sz)], semE)
  fire(0, 0)
  fire(1, 1)

  pltpu.make_async_copy(ntab.at[pl.ds(0, PB)], n1, semE).wait()
  pltpu.make_async_copy(ntab.at[pl.ds(0, PB)], n2, semE).wait()
  pltpu.make_async_copy(ftab.at[pl.ds(0, PB * F)], fbg, semE).wait()
  for j in range(2):
    def ibody(r, c):
      b = j * IH + r
      for h in (0, 16):
        iebb[r, pl.ds(h, 16)] = n1[b, pl.ds(h, 16)]
        iebb[r, pl.ds(D + h, 16)] = n2[b, pl.ds(h, 16)]
        fv = (fbg[4 * b, pl.ds(h, 16)] + fbg[4 * b + 1, pl.ds(h, 16)] +
              fbg[4 * b + 2, pl.ds(h, 16)] + fbg[4 * b + 3, pl.ds(h, 16)])
        iebb[r, pl.ds(2 * D + h, 16)] = fv
      return c
    lax.fori_loop(0, IH, ibody, 0)
    pltpu.sync_copy(iebb, ieb_out.at[pl.ds(wbase + j * IH, IH)])

  def pairbody(pi, carry):
    @pl.when(pi > 0)
    def _():
      pltpu.make_async_copy(hisb[0],
                            his_out.at[pl.ds(wbase, NB)],
                            semW[0]).wait()
      pltpu.make_async_copy(hsumb,
                            hsum_out.at[pl.ds(wbase, 2 * NB)],
                            semH).wait()
    drain_gathers(0)
    compute_chunk(2 * pi, 0, 0)

    @pl.when(pi < NPAIR - 1)
    def _():
      fire(2 * pi + 2, 0)

    @pl.when(pi > 0)
    def _():
      pltpu.make_async_copy(hisb[1],
                            his_out.at[pl.ds(wbase, NB)],
                            semW[1]).wait()
    drain_gathers(1)
    compute_chunk(2 * pi + 1, 1, NB)
    pltpu.async_copy(hsumb, hsum_out.at[pl.ds(wbase + pi * 2 * NB, 2 * NB)],
                     semH)

    @pl.when(pi < NPAIR - 1)
    def _():
      fire(2 * pi + 3, 1)
    return carry

  lax.fori_loop(0, NPAIR, pairbody, 0)

  pltpu.make_async_copy(hisb[0], his_out.at[pl.ds(wbase, NB)],
                        semW[0]).wait()
  pltpu.make_async_copy(hisb[1], his_out.at[pl.ds(wbase, NB)],
                        semW[1]).wait()
  pltpu.make_async_copy(hsumb, hsum_out.at[pl.ds(wbase, 2 * NB)],
                        semH).wait()


@jax.jit
def kernel(nameid_batch, funcid_batch, nameid_his_batch, funcid_his_batch,
           trackid_his_batch, nameid_emb, funcid_emb, trackid_emb):
  ieb, his, hsum = _sc_body(
      funcid_his_batch.reshape(B * T * F),
      trackid_his_batch.reshape(B * T),
      nameid_batch,
      nameid_his_batch,
      funcid_batch.reshape(B * F),
      funcid_emb, trackid_emb, nameid_emb)
  return ieb, his, hsum

# --- scband reference (transcript-rebuilt; emitter-appended) ---
"""Pipeline reference for scband-model-din-v2-gru-vec-att-gru-neg-82635170775485 (READ-ONLY COPY).

The authoritative reference and input builder live on the scoring server;
editing this copy changes nothing except your own understanding.
"""

import jax, jax.numpy as jnp
import numpy as np

B, T, F, D = 4096, 50, 4, 32
N_NAME, N_FUNC, N_TRACK = 100000, 100000, 1000000


def setup_inputs(seed: int = 0) -> dict:
    key = jax.random.key(seed)
    ks = jax.random.split(key, 8)
    return {
        "nameid_batch": jax.random.randint(ks[0], (B,), 0, N_NAME, dtype=jnp.int32),
        "funcid_batch": jax.random.randint(ks[1], (B, F), 0, N_FUNC, dtype=jnp.int32),
        "nameid_his_batch": jax.random.randint(ks[2], (B,), 0, N_NAME, dtype=jnp.int32),
        "funcid_his_batch": jax.random.randint(ks[3], (B, T, F), 0, N_FUNC, dtype=jnp.int32),
        "trackid_his_batch": jax.random.randint(ks[4], (B, T), 0, N_TRACK, dtype=jnp.int32),
        "nameid_emb": jax.random.normal(ks[5], (N_NAME, D), dtype=jnp.float32) * 0.05,
        "funcid_emb": jax.random.normal(ks[6], (N_FUNC, D), dtype=jnp.float32) * 0.05,
        "trackid_emb": jax.random.normal(ks[7], (N_TRACK, D), dtype=jnp.float32) * 0.05,
    }


def reference(nameid_batch, funcid_batch, nameid_his_batch, funcid_his_batch,
              trackid_his_batch, nameid_emb, funcid_emb, trackid_emb):
    # Embedding_layer (use_negsampling=False path)
    nameid_batch_embedded = jnp.take(nameid_emb, nameid_batch, axis=0)            # [B, D]
    nameid_his_batch_embedded = jnp.take(nameid_emb, nameid_his_batch, axis=0)    # [B, D]
    funcid_batch_embedded = jnp.take(funcid_emb, funcid_batch, axis=0)            # [B, F, D]
    funcid_his_batch_embedded = jnp.take(funcid_emb, funcid_his_batch, axis=0)    # [B, T, F, D]
    trackid_his_batch_embedded = jnp.take(trackid_emb, trackid_his_batch, axis=0) # [B, T, D]

    funcid_batch_summed = jnp.sum(funcid_batch_embedded, axis=1)                  # [B, D]
    item_eb = jnp.concatenate([nameid_batch_embedded, nameid_his_batch_embedded,
                               funcid_batch_summed], axis=1)                      # [B, 3D]

    funcid_his_summed = jnp.sum(funcid_his_batch_embedded, axis=2)                # [B, T, D]
    item_his_eb = jnp.concatenate([funcid_his_summed, trackid_his_batch_embedded],
                                  axis=2)                                         # [B, T, 2D]
    item_his_eb_sum = jnp.sum(item_his_eb, axis=1)                                # [B, 2D]
    return item_eb, item_his_eb, item_his_eb_sum

if __name__ == "__main__":
    import jax
    _d = setup_inputs()
    print(jax.jit(kernel)(*tuple(_d.values())))

</pallas_src>

<mosaic_0001>
#map = affine_map<(d0, d1) -> (0)>
#map1 = affine_map<(d0, d1) -> (0, 0)>
#map2 = affine_map<(d0, d1) -> (0, 0, 0)>
module attributes {stable_mosaic.version = 14 : i64} {
  func.func @_sc_body(%arg0: i32, %arg1: i32, %arg2: memref<819200xi32, #tpu.memory_space<hbm>>, %arg3: memref<204800xi32, #tpu.memory_space<hbm>>, %arg4: memref<4096xi32, #tpu.memory_space<hbm>>, %arg5: memref<4096xi32, #tpu.memory_space<hbm>>, %arg6: memref<16384xi32, #tpu.memory_space<hbm>>, %arg7: memref<100000x32xf32, #tpu.memory_space<hbm>>, %arg8: memref<1000000x32xf32, #tpu.memory_space<hbm>>, %arg9: memref<100000x32xf32, #tpu.memory_space<hbm>>, %arg10: memref<4096x96xf32, #tpu.memory_space<hbm>>, %arg11: memref<4096x50x64xf32, #tpu.memory_space<hbm>>, %arg12: memref<4096x64xf32, #tpu.memory_space<hbm>>, %arg13: memref<800xi32, #tpu.memory_space<vmem>>, %arg14: memref<800xi32, #tpu.memory_space<vmem>>, %arg15: memref<200xi32, #tpu.memory_space<vmem>>, %arg16: memref<200xi32, #tpu.memory_space<vmem>>, %arg17: memref<128xi32, #tpu.memory_space<vmem>>, %arg18: memref<128xi32, #tpu.memory_space<vmem>>, %arg19: memref<512xi32, #tpu.memory_space<vmem>>, %arg20: memref<800x32xf32, #tpu.memory_space<vmem>>, %arg21: memref<800x32xf32, #tpu.memory_space<vmem>>, %arg22: memref<200x32xf32, #tpu.memory_space<vmem>>, %arg23: memref<200x32xf32, #tpu.memory_space<vmem>>, %arg24: memref<4x50x64xf32, #tpu.memory_space<vmem>>, %arg25: memref<4x50x64xf32, #tpu.memory_space<vmem>>, %arg26: memref<8x64xf32, #tpu.memory_space<vmem>>, %arg27: memref<128x32xf32, #tpu.memory_space<vmem>>, %arg28: memref<128x32xf32, #tpu.memory_space<vmem>>, %arg29: memref<512x32xf32, #tpu.memory_space<vmem>>, %arg30: memref<64x96xf32, #tpu.memory_space<vmem>>, %arg31: memref<!tpu.dma_semaphore, #tpu.memory_space<semaphore_mem>>, %arg32: memref<!tpu.dma_semaphore, #tpu.memory_space<semaphore_mem>>, %arg33: memref<!tpu.dma_semaphore, #tpu.memory_space<semaphore_mem>>, %arg34: memref<!tpu.dma_semaphore, #tpu.memory_space<semaphore_mem>>, %arg35: memref<!tpu.dma_semaphore, #tpu.memory_space<semaphore_mem>>, %arg36: memref<!tpu.dma_semaphore, #tpu.memory_space<semaphore_mem>>) attributes {dimension_semantics = [#tpu.dimension_semantics<core_parallel>, #tpu.dimension_semantics<subcore_parallel>], iteration_bounds = array<i64: 2, 16>, scalar_prefetch = 0 : i64, scratch_operands = 24 : i64, tpu.core_type = #tpu.core_type<sc_vector_subcore>, window_params = [{transform_indices = #map}, {transform_indices = #map}, {transform_indices = #map}, {transform_indices = #map}, {transform_indices = #map}, {transform_indices = #map1}, {transform_indices = #map1}, {transform_indices = #map1}, {transform_indices = #map1}, {transform_indices = #map2}, {transform_indices = #map1}]} {
    %mul3A = arith.constant 2 : i32
    %mul3A_0 = arith.muli %arg1, %mul3A : i32
    %add3A = arith.addi %mul3A_0, %arg0 : i32
    %mul3A_1 = arith.constant 128 : i32
    %mul3A_2 = arith.muli %add3A, %mul3A_1 : i32
    %broadcast_in_dim3A = arith.constant 0.000000e+00 : f32
    %broadcast_in_dim3A_3 = vector.broadcast %broadcast_in_dim3A : f32 to vector<16xf32>
    "tpu.region"() ({
      %run_scoped3A = tpu.sem_alloc : memref<!tpu.dma_semaphore, #tpu.memory_space<semaphore_mem>>
      %dma_start3A_257 = tpu.memref_slice %arg4[%mul3A_2] : memref<4096xi32, #tpu.memory_space<hbm>> -> memref<128xi32, #tpu.memory_space<hbm>>
      %dma_start3A_258 = tpu.memref_slice %arg4[%mul3A_2] : memref<4096xi32, #tpu.memory_space<hbm>> -> memref<128xi32, #tpu.memory_space<hbm>>
      tpu.enqueue_dma source(%dma_start3A_258 : memref<128xi32, #tpu.memory_space<hbm>>) target(%arg17 : memref<128xi32, #tpu.memory_space<vmem>>) target_semaphore(%run_scoped3A : memref<!tpu.dma_semaphore, #tpu.memory_space<semaphore_mem>>)
      %dma_wait3A_259 = tpu.memref_slice %arg4[%mul3A_2] : memref<4096xi32, #tpu.memory_space<hbm>> -> memref<128xi32, #tpu.memory_space<hbm>>
      %dma_wait3A_260 = tpu.memref_slice %arg4[%mul3A_2] : memref<4096xi32, #tpu.memory_space<hbm>> -> memref<128xi32, #tpu.memory_space<hbm>>
      tpu.wait_dma2 semaphore(%run_scoped3A : memref<!tpu.dma_semaphore, #tpu.memory_space<semaphore_mem>>) src(%dma_wait3A_260 : memref<128xi32, #tpu.memory_space<hbm>>) dst(%arg17 : memref<128xi32, #tpu.memory_space<vmem>>)
      tpu.yield
    }) : () -> ()
    "tpu.region"() ({
      %run_scoped3A = tpu.sem_alloc : memref<!tpu.dma_semaphore, #tpu.memory_space<semaphore_mem>>
      %dma_start3A_257 = tpu.memref_slice %arg5[%mul3A_2] : memref<4096xi32, #tpu.memory_space<hbm>> -> memref<128xi32, #tpu.memory_space<hbm>>
      %dma_start3A_258 = tpu.memref_slice %arg5[%mul3A_2] : memref<4096xi32, #tpu.memory_space<hbm>> -> memref<128xi32, #tpu.memory_space<hbm>>
      tpu.enqueue_dma source(%dma_start3A_258 : memref<128xi32, #tpu.memory_space<hbm>>) target(%arg18 : memref<128xi32, #tpu.memory_space<vmem>>) target_semaphore(%run_scoped3A : memref<!tpu.dma_semaphore, #tpu.memory_space<semaphore_mem>>)
      %dma_wait3A_259 = tpu.memref_slice %arg5[%mul3A_2] : memref<4096xi32, #tpu.memory_space<hbm>> -> memref<128xi32, #tpu.memory_space<hbm>>
      %dma_wait3A_260 = tpu.memref_slice %arg5[%mul3A_2] : memref<4096xi32, #tpu.memory_space<hbm>> -> memref<128xi32, #tpu.memory_space<hbm>>
      tpu.wait_dma2 semaphore(%run_scoped3A : memref<!tpu.dma_semaphore, #tpu.memory_space<semaphore_mem>>) src(%dma_wait3A_260 : memref<128xi32, #tpu.memory_space<hbm>>) dst(%arg18 : memref<128xi32, #tpu.memory_space<vmem>>)
      tpu.yield
    }) : () -> ()
    %mul3A_4 = arith.constant 4 : i32
    %mul3A_5 = arith.muli %mul3A_2, %mul3A_4 : i32
    "tpu.region"() ({
      %run_scoped3A = tpu.sem_alloc : memref<!tpu.dma_semaphore, #tpu.memory_space<semaphore_mem>>
      %dma_start3A_257 = tpu.memref_slice %arg6[%mul3A_5] : memref<16384xi32, #tpu.memory_space<hbm>> -> memref<512xi32, #tpu.memory_space<hbm>>
      %dma_start3A_258 = tpu.memref_slice %arg6[%mul3A_5] : memref<16384xi32, #tpu.memory_space<hbm>> -> memref<512xi32, #tpu.memory_space<hbm>>
      tpu.enqueue_dma source(%dma_start3A_258 : memref<512xi32, #tpu.memory_space<hbm>>) target(%arg19 : memref<512xi32, #tpu.memory_space<vmem>>) target_semaphore(%run_scoped3A : memref<!tpu.dma_semaphore, #tpu.memory_space<semaphore_mem>>)
      %dma_wait3A_259 = tpu.memref_slice %arg6[%mul3A_5] : memref<16384xi32, #tpu.memory_space<hbm>> -> memref<512xi32, #tpu.memory_space<hbm>>
      %dma_wait3A_260 = tpu.memref_slice %arg6[%mul3A_5] : memref<16384xi32, #tpu.memory_space<hbm>> -> memref<512xi32, #tpu.memory_space<hbm>>
      tpu.wait_dma2 semaphore(%run_scoped3A : memref<!tpu.dma_semaphore, #tpu.memory_space<semaphore_mem>>) src(%dma_wait3A_260 : memref<512xi32, #tpu.memory_space<hbm>>) dst(%arg19 : memref<512xi32, #tpu.memory_space<vmem>>)
      tpu.yield
    }) : () -> ()
    %dma_start3A = arith.constant 0 : i32
    %dma_start3A_6 = arith.constant 0 : i32
    %dma_start3A_7 = tpu.memref_slice %arg9[%dma_start3A, %dma_start3A_6] : memref<100000x32xf32, #tpu.memory_space<hbm>> -> memref<100000x32xf32, #tpu.memory_space<hbm>>
    tpu.enqueue_indirect_dma source(%dma_start3A_7 : memref<100000x32xf32, #tpu.memory_space<hbm>>) target(%arg27 : memref<128x32xf32, #tpu.memory_space<vmem>>) offsets(%arg17 : memref<128xi32, #tpu.memory_space<vmem>>) semaphore(%arg36 : memref<!tpu.dma_semaphore, #tpu.memory_space<semaphore_mem>>)
    %dma_start3A_8 = arith.constant 0 : i32
    %dma_start3A_9 = arith.constant 0 : i32
    %dma_start3A_10 = tpu.memref_slice %arg9[%dma_start3A_8, %dma_start3A_9] : memref<100000x32xf32, #tpu.memory_space<hbm>> -> memref<100000x32xf32, #tpu.memory_space<hbm>>
    tpu.enqueue_indirect_dma source(%dma_start3A_10 : memref<100000x32xf32, #tpu.memory_space<hbm>>) target(%arg28 : memref<128x32xf32, #tpu.memory_space<vmem>>) offsets(%arg18 : memref<128xi32, #tpu.memory_space<vmem>>) semaphore(%arg36 : memref<!tpu.dma_semaphore, #tpu.memory_space<semaphore_mem>>)
    %dma_start3A_11 = arith.constant 0 : i32
    %dma_start3A_12 = arith.constant 0 : i32
    %dma_start3A_13 = tpu.memref_slice %arg29[%dma_start3A_11, %dma_start3A_12] : memref<512x32xf32, #tpu.memory_space<vmem>> -> memref<128x32xf32, #tpu.memory_space<vmem>>
    %dma_start3A_14 = arith.constant 0 : i32
    %dma_start3A_15 = tpu.memref_slice %arg19[%dma_start3A_14] : memref<512xi32, #tpu.memory_space<vmem>> -> memref<128xi32, #tpu.memory_space<vmem>>
    %dma_start3A_16 = arith.constant 0 : i32
    %dma_start3A_17 = arith.constant 0 : i32
    %dma_start3A_18 = tpu.memref_slice %arg7[%dma_start3A_16, %dma_start3A_17] : memref<100000x32xf32, #tpu.memory_space<hbm>> -> memref<100000x32xf32, #tpu.memory_space<hbm>>
    tpu.enqueue_indirect_dma source(%dma_start3A_18 : memref<100000x32xf32, #tpu.memory_space<hbm>>) target(%dma_start3A_13 : memref<128x32xf32, #tpu.memory_space<vmem>>) offsets(%dma_start3A_15 : memref<128xi32, #tpu.memory_space<vmem>>) semaphore(%arg36 : memref<!tpu.dma_semaphore, #tpu.memory_space<semaphore_mem>>)
    %dma_start3A_19 = arith.constant 128 : i32
    %dma_start3A_20 = arith.constant 0 : i32
    %dma_start3A_21 = tpu.memref_slice %arg29[%dma_start3A_19, %dma_start3A_20] : memref<512x32xf32, #tpu.memory_space<vmem>> -> memref<128x32xf32, #tpu.memory_space<vmem>>
    %dma_start3A_22 = arith.constant 128 : i32
    %dma_start3A_23 = tpu.memref_slice %arg19[%dma_start3A_22] : memref<512xi32, #tpu.memory_space<vmem>> -> memref<128xi32, #tpu.memory_space<vmem>>
    %dma_start3A_24 = arith.constant 0 : i32
    %dma_start3A_25 = arith.constant 0 : i32
    %dma_start3A_26 = tpu.memref_slice %arg7[%dma_start3A_24, %dma_start3A_25] : memref<100000x32xf32, #tpu.memory_space<hbm>> -> memref<100000x32xf32, #tpu.memory_space<hbm>>
    tpu.enqueue_indirect_dma source(%dma_start3A_26 : memref<100000x32xf32, #tpu.memory_space<hbm>>) target(%dma_start3A_21 : memref<128x32xf32, #tpu.memory_space<vmem>>) offsets(%dma_start3A_23 : memref<128xi32, #tpu.memory_space<vmem>>) semaphore(%arg36 : memref<!tpu.dma_semaphore, #tpu.memory_space<semaphore_mem>>)
    %dma_start3A_27 = arith.constant 256 : i32
    %dma_start3A_28 = arith.constant 0 : i32
    %dma_start3A_29 = tpu.memref_slice %arg29[%dma_start3A_27, %dma_start3A_28] : memref<512x32xf32, #tpu.memory_space<vmem>> -> memref<128x32xf32, #tpu.memory_space<vmem>>
    %dma_start3A_30 = arith.constant 256 : i32
    %dma_start3A_31 = tpu.memref_slice %arg19[%dma_start3A_30] : memref<512xi32, #tpu.memory_space<vmem>> -> memref<128xi32, #tpu.memory_space<vmem>>
    %dma_start3A_32 = arith.constant 0 : i32
    %dma_start3A_33 = arith.constant 0 : i32
    %dma_start3A_34 = tpu.memref_slice %arg7[%dma_start3A_32, %dma_start3A_33] : memref<100000x32xf32, #tpu.memory_space<hbm>> -> memref<100000x32xf32, #tpu.memory_space<hbm>>
    tpu.enqueue_indirect_dma source(%dma_start3A_34 : memref<100000x32xf32, #tpu.memory_space<hbm>>) target(%dma_start3A_29 : memref<128x32xf32, #tpu.memory_space<vmem>>) offsets(%dma_start3A_31 : memref<128xi32, #tpu.memory_space<vmem>>) semaphore(%arg36 : memref<!tpu.dma_semaphore, #tpu.memory_space<semaphore_mem>>)
    %dma_start3A_35 = arith.constant 384 : i32
    %dma_start3A_36 = arith.constant 0 : i32
    %dma_start3A_37 = tpu.memref_slice %arg29[%dma_start3A_35, %dma_start3A_36] : memref<512x32xf32, #tpu.memory_space<vmem>> -> memref<128x32xf32, #tpu.memory_space<vmem>>
    %dma_start3A_38 = arith.constant 384 : i32
    %dma_start3A_39 = tpu.memref_slice %arg19[%dma_start3A_38] : memref<512xi32, #tpu.memory_space<vmem>> -> memref<128xi32, #tpu.memory_space<vmem>>
    %dma_start3A_40 = arith.constant 0 : i32
    %dma_start3A_41 = arith.constant 0 : i32
    %dma_start3A_42 = tpu.memref_slice %arg7[%dma_start3A_40, %dma_start3A_41] : memref<100000x32xf32, #tpu.memory_space<hbm>> -> memref<100000x32xf32, #tpu.memory_space<hbm>>
    tpu.enqueue_indirect_dma source(%dma_start3A_42 : memref<100000x32xf32, #tpu.memory_space<hbm>>) target(%dma_start3A_37 : memref<128x32xf32, #tpu.memory_space<vmem>>) offsets(%dma_start3A_39 : memref<128xi32, #tpu.memory_space<vmem>>) semaphore(%arg36 : memref<!tpu.dma_semaphore, #tpu.memory_space<semaphore_mem>>)
    %add3A_43 = arith.constant 0 : i32
    %add3A_44 = arith.addi %mul3A_2, %add3A_43 : i32
    %mul3A_45 = arith.constant 50 : i32
    %mul3A_46 = arith.muli %add3A_44, %mul3A_45 : i32
    %mul3A_47 = arith.constant 4 : i32
    %mul3A_48 = arith.muli %mul3A_46, %mul3A_47 : i32
    "tpu.region"() ({
      %run_scoped3A = tpu.sem_alloc : memref<!tpu.dma_semaphore, #tpu.memory_space<semaphore_mem>>
      %dma_start3A_257 = tpu.memref_slice %arg2[%mul3A_48] : memref<819200xi32, #tpu.memory_space<hbm>> -> memref<800xi32, #tpu.memory_space<hbm>>
      %dma_start3A_258 = tpu.memref_slice %arg2[%mul3A_48] : memref<819200xi32, #tpu.memory_space<hbm>> -> memref<800xi32, #tpu.memory_space<hbm>>
      tpu.enqueue_dma source(%dma_start3A_258 : memref<800xi32, #tpu.memory_space<hbm>>) target(%arg13 : memref<800xi32, #tpu.memory_space<vmem>>) target_semaphore(%run_scoped3A : memref<!tpu.dma_semaphore, #tpu.memory_space<semaphore_mem>>)
      %dma_wait3A_259 = tpu.memref_slice %arg2[%mul3A_48] : memref<819200xi32, #tpu.memory_space<hbm>> -> memref<800xi32, #tpu.memory_space<hbm>>
      %dma_wait3A_260 = tpu.memref_slice %arg2[%mul3A_48] : memref<819200xi32, #tpu.memory_space<hbm>> -> memref<800xi32, #tpu.memory_space<hbm>>
      tpu.wait_dma2 semaphore(%run_scoped3A : memref<!tpu.dma_semaphore, #tpu.memory_space<semaphore_mem>>) src(%dma_wait3A_260 : memref<800xi32, #tpu.memory_space<hbm>>) dst(%arg13 : memref<800xi32, #tpu.memory_space<vmem>>)
      tpu.yield
    }) : () -> ()
    %mul3A_49 = arith.constant 50 : i32
    %mul3A_50 = arith.muli %add3A_44, %mul3A_49 : i32
    "tpu.region"() ({
      %run_scoped3A = tpu.sem_alloc : memref<!tpu.dma_semaphore, #tpu.memory_space<semaphore_mem>>
      %dma_start3A_257 = tpu.memref_slice %arg3[%mul3A_50] : memref<204800xi32, #tpu.memory_space<hbm>> -> memref<200xi32, #tpu.memory_space<hbm>>
      %dma_start3A_258 = tpu.memref_slice %arg3[%mul3A_50] : memref<204800xi32, #tpu.memory_space<hbm>> -> memref<200xi32, #tpu.memory_space<hbm>>
      tpu.enqueue_dma source(%dma_start3A_258 : memref<200xi32, #tpu.memory_space<hbm>>) target(%arg15 : memref<200xi32, #tpu.memory_space<vmem>>) target_semaphore(%run_scoped3A : memref<!tpu.dma_semaphore, #tpu.memory_space<semaphore_mem>>)
      %dma_wait3A_259 = tpu.memref_slice %arg3[%mul3A_50] : memref<204800xi32, #tpu.memory_space<hbm>> -> memref<200xi32, #tpu.memory_space<hbm>>
      %dma_wait3A_260 = tpu.memref_slice %arg3[%mul3A_50] : memref<204800xi32, #tpu.memory_space<hbm>> -> memref<200xi32, #tpu.memory_space<hbm>>
      tpu.wait_dma2 semaphore(%run_scoped3A : memref<!tpu.dma_semaphore, #tpu.memory_space<semaphore_mem>>) src(%dma_wait3A_260 : memref<200xi32, #tpu.memory_space<hbm>>) dst(%arg15 : memref<200xi32, #tpu.memory_space<vmem>>)
      tpu.yield
    }) : () -> ()
    %dma_start3A_51 = arith.constant 0 : i32
    %dma_start3A_52 = arith.constant 0 : i32
    %dma_start3A_53 = tpu.memref_slice %arg20[%dma_start3A_51, %dma_start3A_52] : memref<800x32xf32, #tpu.memory_space<vmem>> -> memref<128x32xf32, #tpu.memory_space<vmem>>
    %dma_start3A_54 = arith.constant 0 : i32
    %dma_start3A_55 = tpu.memref_slice %arg13[%dma_start3A_54] : memref<800xi32, #tpu.memory_space<vmem>> -> memref<128xi32, #tpu.memory_space<vmem>>
    %dma_start3A_56 = arith.constant 0 : i32
    %dma_start3A_57 = arith.constant 0 : i32
    %dma_start3A_58 = tpu.memref_slice %arg7[%dma_start3A_56, %dma_start3A_57] : memref<100000x32xf32, #tpu.memory_space<hbm>> -> memref<100000x32xf32, #tpu.memory_space<hbm>>
    tpu.enqueue_indirect_dma source(%dma_start3A_58 : memref<100000x32xf32, #tpu.memory_space<hbm>>) target(%dma_start3A_53 : memref<128x32xf32, #tpu.memory_space<vmem>>) offsets(%dma_start3A_55 : memref<128xi32, #tpu.memory_space<vmem>>) semaphore(%arg31 : memref<!tpu.dma_semaphore, #tpu.memory_space<semaphore_mem>>)
    %dma_start3A_59 = arith.constant 128 : i32
    %dma_start3A_60 = arith.constant 0 : i32
    %dma_start3A_61 = tpu.memref_slice %arg20[%dma_start3A_59, %dma_start3A_60] : memref<800x32xf32, #tpu.memory_space<vmem>> -> memref<128x32xf32, #tpu.memory_space<vmem>>
    %dma_start3A_62 = arith.constant 128 : i32
    %dma_start3A_63 = tpu.memref_slice %arg13[%dma_start3A_62] : memref<800xi32, #tpu.memory_space<vmem>> -> memref<128xi32, #tpu.memory_space<vmem>>
    %dma_start3A_64 = arith.constant 0 : i32
    %dma_start3A_65 = arith.constant 0 : i32
    %dma_start3A_66 = tpu.memref_slice %arg7[%dma_start3A_64, %dma_start3A_65] : memref<100000x32xf32, #tpu.memory_space<hbm>> -> memref<100000x32xf32, #tpu.memory_space<hbm>>
    tpu.enqueue_indirect_dma source(%dma_start3A_66 : memref<100000x32xf32, #tpu.memory_space<hbm>>) target(%dma_start3A_61 : memref<128x32xf32, #tpu.memory_space<vmem>>) offsets(%dma_start3A_63 : memref<128xi32, #tpu.memory_space<vmem>>) semaphore(%arg31 : memref<!tpu.dma_semaphore, #tpu.memory_space<semaphore_mem>>)
    %dma_start3A_67 = arith.constant 256 : i32
    %dma_start3A_68 = arith.constant 0 : i32
    %dma_start3A_69 = tpu.memref_slice %arg20[%dma_start3A_67, %dma_start3A_68] : memref<800x32xf32, #tpu.memory_space<vmem>> -> memref<128x32xf32, #tpu.memory_space<vmem>>
    %dma_start3A_70 = arith.constant 256 : i32
    %dma_start3A_71 = tpu.memref_slice %arg13[%dma_start3A_70] : memref<800xi32, #tpu.memory_space<vmem>> -> memref<128xi32, #tpu.memory_space<vmem>>
    %dma_start3A_72 = arith.constant 0 : i32
    %dma_start3A_73 = arith.constant 0 : i32
    %dma_start3A_74 = tpu.memref_slice %arg7[%dma_start3A_72, %dma_start3A_73] : memref<100000x32xf32, #tpu.memory_space<hbm>> -> memref<100000x32xf32, #tpu.memory_space<hbm>>
    tpu.enqueue_indirect_dma source(%dma_start3A_74 : memref<100000x32xf32, #tpu.memory_space<hbm>>) target(%dma_start3A_69 : memref<128x32xf32, #tpu.memory_space<vmem>>) offsets(%dma_start3A_71 : memref<128xi32, #tpu.memory_space<vmem>>) semaphore(%arg31 : memref<!tpu.dma_semaphore, #tpu.memory_space<semaphore_mem>>)
    %dma_start3A_75 = arith.constant 384 : i32
    %dma_start3A_76 = arith.constant 0 : i32
    %dma_start3A_77 = tpu.memref_slice %arg20[%dma_start3A_75, %dma_start3A_76] : memref<800x32xf32, #tpu.memory_space<vmem>> -> memref<128x32xf32, #tpu.memory_space<vmem>>
    %dma_start3A_78 = arith.constant 384 : i32
    %dma_start3A_79 = tpu.memref_slice %arg13[%dma_start3A_78] : memref<800xi32, #tpu.memory_space<vmem>> -> memref<128xi32, #tpu.memory_space<vmem>>
    %dma_start3A_80 = arith.constant 0 : i32
    %dma_start3A_81 = arith.constant 0 : i32
    %dma_start3A_82 = tpu.memref_slice %arg7[%dma_start3A_80, %dma_start3A_81] : memref<100000x32xf32, #tpu.memory_space<hbm>> -> memref<100000x32xf32, #tpu.memory_space<hbm>>
    tpu.enqueue_indirect_dma source(%dma_start3A_82 : memref<100000x32xf32, #tpu.memory_space<hbm>>) target(%dma_start3A_77 : memref<128x32xf32, #tpu.memory_space<vmem>>) offsets(%dma_start3A_79 : memref<128xi32, #tpu.memory_space<vmem>>) semaphore(%arg31 : memref<!tpu.dma_semaphore, #tpu.memory_space<semaphore_mem>>)
    %dma_start3A_83 = arith.constant 512 : i32
    %dma_start3A_84 = arith.constant 0 : i32
    %dma_start3A_85 = tpu.memref_slice %arg20[%dma_start3A_83, %dma_start3A_84] : memref<800x32xf32, #tpu.memory_space<vmem>> -> memref<128x32xf32, #tpu.memory_space<vmem>>
    %dma_start3A_86 = arith.constant 512 : i32
    %dma_start3A_87 = tpu.memref_slice %arg13[%dma_start3A_86] : memref<800xi32, #tpu.memory_space<vmem>> -> memref<128xi32, #tpu.memory_space<vmem>>
    %dma_start3A_88 = arith.constant 0 : i32
    %dma_start3A_89 = arith.constant 0 : i32
    %dma_start3A_90 = tpu.memref_slice %arg7[%dma_start3A_88, %dma_start3A_89] : memref<100000x32xf32, #tpu.memory_space<hbm>> -> memref<100000x32xf32, #tpu.memory_space<hbm>>
    tpu.enqueue_indirect_dma source(%dma_start3A_90 : memref<100000x32xf32, #tpu.memory_space<hbm>>) target(%dma_start3A_85 : memref<128x32xf32, #tpu.memory_space<vmem>>) offsets(%dma_start3A_87 : memref<128xi32, #tpu.memory_space<vmem>>) semaphore(%arg31 : memref<!tpu.dma_semaphore, #tpu.memory_space<semaphore_mem>>)
    %dma_start3A_91 = arith.constant 640 : i32
    %dma_start3A_92 = arith.constant 0 : i32
    %dma_start3A_93 = tpu.memref_slice %arg20[%dma_start3A_91, %dma_start3A_92] : memref<800x32xf32, #tpu.memory_space<vmem>> -> memref<128x32xf32, #tpu.memory_space<vmem>>
    %dma_start3A_94 = arith.constant 640 : i32
    %dma_start3A_95 = tpu.memref_slice %arg13[%dma_start3A_94] : memref<800xi32, #tpu.memory_space<vmem>> -> memref<128xi32, #tpu.memory_space<vmem>>
    %dma_start3A_96 = arith.constant 0 : i32
    %dma_start3A_97 = arith.constant 0 : i32
    %dma_start3A_98 = tpu.memref_slice %arg7[%dma_start3A_96, %dma_start3A_97] : memref<100000x32xf32, #tpu.memory_space<hbm>> -> memref<100000x32xf32, #tpu.memory_space<hbm>>
    tpu.enqueue_indirect_dma source(%dma_start3A_98 : memref<100000x32xf32, #tpu.memory_space<hbm>>) target(%dma_start3A_93 : memref<128x32xf32, #tpu.memory_space<vmem>>) offsets(%dma_start3A_95 : memref<128xi32, #tpu.memory_space<vmem>>) semaphore(%arg31 : memref<!tpu.dma_semaphore, #tpu.memory_space<semaphore_mem>>)
    %dma_start3A_99 = arith.constant 768 : i32
    %dma_start3A_100 = arith.constant 0 : i32
    %dma_start3A_101 = tpu.memref_slice %arg20[%dma_start3A_99, %dma_start3A_100] : memref<800x32xf32, #tpu.memory_space<vmem>> -> memref<32x32xf32, #tpu.memory_space<vmem>>
    %dma_start3A_102 = arith.constant 768 : i32
    %dma_start3A_103 = tpu.memref_slice %arg13[%dma_start3A_102] : memref<800xi32, #tpu.memory_space<vmem>> -> memref<32xi32, #tpu.memory_space<vmem>>
    %dma_start3A_104 = arith.constant 0 : i32
    %dma_start3A_105 = arith.constant 0 : i32
    %dma_start3A_106 = tpu.memref_slice %arg7[%dma_start3A_104, %dma_start3A_105] : memref<100000x32xf32, #tpu.memory_space<hbm>> -> memref<100000x32xf32, #tpu.memory_space<hbm>>
    tpu.enqueue_indirect_dma source(%dma_start3A_106 : memref<100000x32xf32, #tpu.memory_space<hbm>>) target(%dma_start3A_101 : memref<32x32xf32, #tpu.memory_space<vmem>>) offsets(%dma_start3A_103 : memref<32xi32, #tpu.memory_space<vmem>>) semaphore(%arg31 : memref<!tpu.dma_semaphore, #tpu.memory_space<semaphore_mem>>)
    %dma_start3A_107 = arith.constant 0 : i32
    %dma_start3A_108 = arith.constant 0 : i32
    %dma_start3A_109 = tpu.memref_slice %arg22[%dma_start3A_107, %dma_start3A_108] : memref<200x32xf32, #tpu.memory_space<vmem>> -> memref<128x32xf32, #tpu.memory_space<vmem>>
    %dma_start3A_110 = arith.constant 0 : i32
    %dma_start3A_111 = tpu.memref_slice %arg15[%dma_start3A_110] : memref<200xi32, #tpu.memory_space<vmem>> -> memref<128xi32, #tpu.memory_space<vmem>>
    %dma_start3A_112 = arith.constant 0 : i32
    %dma_start3A_113 = arith.constant 0 : i32
    %dma_start3A_114 = tpu.memref_slice %arg8[%dma_start3A_112, %dma_start3A_113] : memref<1000000x32xf32, #tpu.memory_space<hbm>> -> memref<1000000x32xf32, #tpu.memory_space<hbm>>
    tpu.enqueue_indirect_dma source(%dma_start3A_114 : memref<1000000x32xf32, #tpu.memory_space<hbm>>) target(%dma_start3A_109 : memref<128x32xf32, #tpu.memory_space<vmem>>) offsets(%dma_start3A_111 : memref<128xi32, #tpu.memory_space<vmem>>) semaphore(%arg31 : memref<!tpu.dma_semaphore, #tpu.memory_space<semaphore_mem>>)
    %dma_start3A_115 = arith.constant 128 : i32
    %dma_start3A_116 = arith.constant 0 : i32
    %dma_start3A_117 = tpu.memref_slice %arg22[%dma_start3A_115, %dma_start3A_116] : memref<200x32xf32, #tpu.memory_space<vmem>> -> memref<72x32xf32, #tpu.memory_space<vmem>>
    %dma_start3A_118 = arith.constant 128 : i32
    %dma_start3A_119 = tpu.memref_slice %arg15[%dma_start3A_118] : memref<200xi32, #tpu.memory_space<vmem>> -> memref<72xi32, #tpu.memory_space<vmem>>
    %dma_start3A_120 = arith.constant 0 : i32
    %dma_start3A_121 = arith.constant 0 : i32
    %dma_start3A_122 = tpu.memref_slice %arg8[%dma_start3A_120, %dma_start3A_121] : memref<1000000x32xf32, #tpu.memory_space<hbm>> -> memref<1000000x32xf32, #tpu.memory_space<hbm>>
    tpu.enqueue_indirect_dma source(%dma_start3A_122 : memref<1000000x32xf32, #tpu.memory_space<hbm>>) target(%dma_start3A_117 : memref<72x32xf32, #tpu.memory_space<vmem>>) offsets(%dma_start3A_119 : memref<72xi32, #tpu.memory_space<vmem>>) semaphore(%arg31 : memref<!tpu.dma_semaphore, #tpu.memory_space<semaphore_mem>>)
    %add3A_123 = arith.constant 4 : i32
    %add3A_124 = arith.addi %mul3A_2, %add3A_123 : i32
    %mul3A_125 = arith.constant 50 : i32
    %mul3A_126 = arith.muli %add3A_124, %mul3A_125 : i32
    %mul3A_127 = arith.constant 4 : i32
    %mul3A_128 = arith.muli %mul3A_126, %mul3A_127 : i32
    "tpu.region"() ({
      %run_scoped3A = tpu.sem_alloc : memref<!tpu.dma_semaphore, #tpu.memory_space<semaphore_mem>>
      %dma_start3A_257 = tpu.memref_slice %arg2[%mul3A_128] : memref<819200xi32, #tpu.memory_space<hbm>> -> memref<800xi32, #tpu.memory_space<hbm>>
      %dma_start3A_258 = tpu.memref_slice %arg2[%mul3A_128] : memref<819200xi32, #tpu.memory_space<hbm>> -> memref<800xi32, #tpu.memory_space<hbm>>
      tpu.enqueue_dma source(%dma_start3A_258 : memref<800xi32, #tpu.memory_space<hbm>>) target(%arg14 : memref<800xi32, #tpu.memory_space<vmem>>) target_semaphore(%run_scoped3A : memref<!tpu.dma_semaphore, #tpu.memory_space<semaphore_mem>>)
      %dma_wait3A_259 = tpu.memref_slice %arg2[%mul3A_128] : memref<819200xi32, #tpu.memory_space<hbm>> -> memref<800xi32, #tpu.memory_space<hbm>>
      %dma_wait3A_260 = tpu.memref_slice %arg2[%mul3A_128] : memref<819200xi32, #tpu.memory_space<hbm>> -> memref<800xi32, #tpu.memory_space<hbm>>
      tpu.wait_dma2 semaphore(%run_scoped3A : memref<!tpu.dma_semaphore, #tpu.memory_space<semaphore_mem>>) src(%dma_wait3A_260 : memref<800xi32, #tpu.memory_space<hbm>>) dst(%arg14 : memref<800xi32, #tpu.memory_space<vmem>>)
      tpu.yield
    }) : () -> ()
    %mul3A_129 = arith.constant 50 : i32
    %mul3A_130 = arith.muli %add3A_124, %mul3A_129 : i32
    "tpu.region"() ({
      %run_scoped3A = tpu.sem_alloc : memref<!tpu.dma_semaphore, #tpu.memory_space<semaphore_mem>>
      %dma_start3A_257 = tpu.memref_slice %arg3[%mul3A_130] : memref<204800xi32, #tpu.memory_space<hbm>> -> memref<200xi32, #tpu.memory_space<hbm>>
      %dma_start3A_258 = tpu.memref_slice %arg3[%mul3A_130] : memref<204800xi32, #tpu.memory_space<hbm>> -> memref<200xi32, #tpu.memory_space<hbm>>
      tpu.enqueue_dma source(%dma_start3A_258 : memref<200xi32, #tpu.memory_space<hbm>>) target(%arg16 : memref<200xi32, #tpu.memory_space<vmem>>) target_semaphore(%run_scoped3A : memref<!tpu.dma_semaphore, #tpu.memory_space<semaphore_mem>>)
      %dma_wait3A_259 = tpu.memref_slice %arg3[%mul3A_130] : memref<204800xi32, #tpu.memory_space<hbm>> -> memref<200xi32, #tpu.memory_space<hbm>>
      %dma_wait3A_260 = tpu.memref_slice %arg3[%mul3A_130] : memref<204800xi32, #tpu.memory_space<hbm>> -> memref<200xi32, #tpu.memory_space<hbm>>
      tpu.wait_dma2 semaphore(%run_scoped3A : memref<!tpu.dma_semaphore, #tpu.memory_space<semaphore_mem>>) src(%dma_wait3A_260 : memref<200xi32, #tpu.memory_space<hbm>>) dst(%arg16 : memref<200xi32, #tpu.memory_space<vmem>>)
      tpu.yield
    }) : () -> ()
    %dma_start3A_131 = arith.constant 0 : i32
    %dma_start3A_132 = arith.constant 0 : i32
    %dma_start3A_133 = tpu.memref_slice %arg21[%dma_start3A_131, %dma_start3A_132] : memref<800x32xf32, #tpu.memory_space<vmem>> -> memref<128x32xf32, #tpu.memory_space<vmem>>
    %dma_start3A_134 = arith.constant 0 : i32
    %dma_start3A_135 = tpu.memref_slice %arg14[%dma_start3A_134] : memref<800xi32, #tpu.memory_space<vmem>> -> memref<128xi32, #tpu.memory_space<vmem>>
    %dma_start3A_136 = arith.constant 0 : i32
    %dma_start3A_137 = arith.constant 0 : i32
    %dma_start3A_138 = tpu.memref_slice %arg7[%dma_start3A_136, %dma_start3A_137] : memref<100000x32xf32, #tpu.memory_space<hbm>> -> memref<100000x32xf32, #tpu.memory_space<hbm>>
    tpu.enqueue_indirect_dma source(%dma_start3A_138 : memref<100000x32xf32, #tpu.memory_space<hbm>>) target(%dma_start3A_133 : memref<128x32xf32, #tpu.memory_space<vmem>>) offsets(%dma_start3A_135 : memref<128xi32, #tpu.memory_space<vmem>>) semaphore(%arg32 : memref<!tpu.dma_semaphore, #tpu.memory_space<semaphore_mem>>)
    %dma_start3A_139 = arith.constant 128 : i32
    %dma_start3A_140 = arith.constant 0 : i32
    %dma_start3A_141 = tpu.memref_slice %arg21[%dma_start3A_139, %dma_start3A_140] : memref<800x32xf32, #tpu.memory_space<vmem>> -> memref<128x32xf32, #tpu.memory_space<vmem>>
    %dma_start3A_142 = arith.constant 128 : i32
    %dma_start3A_143 = tpu.memref_slice %arg14[%dma_start3A_142] : memref<800xi32, #tpu.memory_space<vmem>> -> memref<128xi32, #tpu.memory_space<vmem>>
    %dma_start3A_144 = arith.constant 0 : i32
    %dma_start3A_145 = arith.constant 0 : i32
    %dma_start3A_146 = tpu.memref_slice %arg7[%dma_start3A_144, %dma_start3A_145] : memref<100000x32xf32, #tpu.memory_space<hbm>> -> memref<100000x32xf32, #tpu.memory_space<hbm>>
    tpu.enqueue_indirect_dma source(%dma_start3A_146 : memref<100000x32xf32, #tpu.memory_space<hbm>>) target(%dma_start3A_141 : memref<128x32xf32, #tpu.memory_space<vmem>>) offsets(%dma_start3A_143 : memref<128xi32, #tpu.memory_space<vmem>>) semaphore(%arg32 : memref<!tpu.dma_semaphore, #tpu.memory_space<semaphore_mem>>)
    %dma_start3A_147 = arith.constant 256 : i32
    %dma_start3A_148 = arith.constant 0 : i32
    %dma_start3A_149 = tpu.memref_slice %arg21[%dma_start3A_147, %dma_start3A_148] : memref<800x32xf32, #tpu.memory_space<vmem>> -> memref<128x32xf32, #tpu.memory_space<vmem>>
    %dma_start3A_150 = arith.constant 256 : i32
    %dma_start3A_151 = tpu.memref_slice %arg14[%dma_start3A_150] : memref<800xi32, #tpu.memory_space<vmem>> -> memref<128xi32, #tpu.memory_space<vmem>>
    %dma_start3A_152 = arith.constant 0 : i32
    %dma_start3A_153 = arith.constant 0 : i32
    %dma_start3A_154 = tpu.memref_slice %arg7[%dma_start3A_152, %dma_start3A_153] : memref<100000x32xf32, #tpu.memory_space<hbm>> -> memref<100000x32xf32, #tpu.memory_space<hbm>>
    tpu.enqueue_indirect_dma source(%dma_start3A_154 : memref<100000x32xf32, #tpu.memory_space<hbm>>) target(%dma_start3A_149 : memref<128x32xf32, #tpu.memory_space<vmem>>) offsets(%dma_start3A_151 : memref<128xi32, #tpu.memory_space<vmem>>) semaphore(%arg32 : memref<!tpu.dma_semaphore, #tpu.memory_space<semaphore_mem>>)
    %dma_start3A_155 = arith.constant 384 : i32
    %dma_start3A_156 = arith.constant 0 : i32
    %dma_start3A_157 = tpu.memref_slice %arg21[%dma_start3A_155, %dma_start3A_156] : memref<800x32xf32, #tpu.memory_space<vmem>> -> memref<128x32xf32, #tpu.memory_space<vmem>>
    %dma_start3A_158 = arith.constant 384 : i32
    %dma_start3A_159 = tpu.memref_slice %arg14[%dma_start3A_158] : memref<800xi32, #tpu.memory_space<vmem>> -> memref<128xi32, #tpu.memory_space<vmem>>
    %dma_start3A_160 = arith.constant 0 : i32
    %dma_start3A_161 = arith.constant 0 : i32
    %dma_start3A_162 = tpu.memref_slice %arg7[%dma_start3A_160, %dma_start3A_161] : memref<100000x32xf32, #tpu.memory_space<hbm>> -> memref<100000x32xf32, #tpu.memory_space<hbm>>
    tpu.enqueue_indirect_dma source(%dma_start3A_162 : memref<100000x32xf32, #tpu.memory_space<hbm>>) target(%dma_start3A_157 : memref<128x32xf32, #tpu.memory_space<vmem>>) offsets(%dma_start3A_159 : memref<128xi32, #tpu.memory_space<vmem>>) semaphore(%arg32 : memref<!tpu.dma_semaphore, #tpu.memory_space<semaphore_mem>>)
    %dma_start3A_163 = arith.constant 512 : i32
    %dma_start3A_164 = arith.constant 0 : i32
    %dma_start3A_165 = tpu.memref_slice %arg21[%dma_start3A_163, %dma_start3A_164] : memref<800x32xf32, #tpu.memory_space<vmem>> -> memref<128x32xf32, #tpu.memory_space<vmem>>
    %dma_start3A_166 = arith.constant 512 : i32
    %dma_start3A_167 = tpu.memref_slice %arg14[%dma_start3A_166] : memref<800xi32, #tpu.memory_space<vmem>> -> memref<128xi32, #tpu.memory_space<vmem>>
    %dma_start3A_168 = arith.constant 0 : i32
    %dma_start3A_169 = arith.constant 0 : i32
    %dma_start3A_170 = tpu.memref_slice %arg7[%dma_start3A_168, %dma_start3A_169] : memref<100000x32xf32, #tpu.memory_space<hbm>> -> memref<100000x32xf32, #tpu.memory_space<hbm>>
    tpu.enqueue_indirect_dma source(%dma_start3A_170 : memref<100000x32xf32, #tpu.memory_space<hbm>>) target(%dma_start3A_165 : memref<128x32xf32, #tpu.memory_space<vmem>>) offsets(%dma_start3A_167 : memref<128xi32, #tpu.memory_space<vmem>>) semaphore(%arg32 : memref<!tpu.dma_semaphore, #tpu.memory_space<semaphore_mem>>)
    %dma_start3A_171 = arith.constant 640 : i32
    %dma_start3A_172 = arith.constant 0 : i32
    %dma_start3A_173 = tpu.memref_slice %arg21[%dma_start3A_171, %dma_start3A_172] : memref<800x32xf32, #tpu.memory_space<vmem>> -> memref<128x32xf32, #tpu.memory_space<vmem>>
    %dma_start3A_174 = arith.constant 640 : i32
    %dma_start3A_175 = tpu.memref_slice %arg14[%dma_start3A_174] : memref<800xi32, #tpu.memory_space<vmem>> -> memref<128xi32, #tpu.memory_space<vmem>>
    %dma_start3A_176 = arith.constant 0 : i32
    %dma_start3A_177 = arith.constant 0 : i32
    %dma_start3A_178 = tpu.memref_slice %arg7[%dma_start3A_176, %dma_start3A_177] : memref<100000x32xf32, #tpu.memory_space<hbm>> -> memref<100000x32xf32, #tpu.memory_space<hbm>>
    tpu.enqueue_indirect_dma source(%dma_start3A_178 : memref<100000x32xf32, #tpu.memory_space<hbm>>) target(%dma_start3A_173 : memref<128x32xf32, #tpu.memory_space<vmem>>) offsets(%dma_start3A_175 : memref<128xi32, #tpu.memory_space<vmem>>) semaphore(%arg32 : memref<!tpu.dma_semaphore, #tpu.memory_space<semaphore_mem>>)
    %dma_start3A_179 = arith.constant 768 : i32
    %dma_start3A_180 = arith.constant 0 : i32
    %dma_start3A_181 = tpu.memref_slice %arg21[%dma_start3A_179, %dma_start3A_180] : memref<800x32xf32, #tpu.memory_space<vmem>> -> memref<32x32xf32, #tpu.memory_space<vmem>>
    %dma_start3A_182 = arith.constant 768 : i32
    %dma_start3A_183 = tpu.memref_slice %arg14[%dma_start3A_182] : memref<800xi32, #tpu.memory_space<vmem>> -> memref<32xi32, #tpu.memory_space<vmem>>
    %dma_start3A_184 = arith.constant 0 : i32
    %dma_start3A_185 = arith.constant 0 : i32
    %dma_start3A_186 = tpu.memref_slice %arg7[%dma_start3A_184, %dma_start3A_185] : memref<100000x32xf32, #tpu.memory_space<hbm>> -> memref<100000x32xf32, #tpu.memory_space<hbm>>
    tpu.enqueue_indirect_dma source(%dma_start3A_186 : memref<100000x32xf32, #tpu.memory_space<hbm>>) target(%dma_start3A_181 : memref<32x32xf32, #tpu.memory_space<vmem>>) offsets(%dma_start3A_183 : memref<32xi32, #tpu.memory_space<vmem>>) semaphore(%arg32 : memref<!tpu.dma_semaphore, #tpu.memory_space<semaphore_mem>>)
    %dma_start3A_187 = arith.constant 0 : i32
    %dma_start3A_188 = arith.constant 0 : i32
    %dma_start3A_189 = tpu.memref_slice %arg23[%dma_start3A_187, %dma_start3A_188] : memref<200x32xf32, #tpu.memory_space<vmem>> -> memref<128x32xf32, #tpu.memory_space<vmem>>
    %dma_start3A_190 = arith.constant 0 : i32
    %dma_start3A_191 = tpu.memref_slice %arg16[%dma_start3A_190] : memref<200xi32, #tpu.memory_space<vmem>> -> memref<128xi32, #tpu.memory_space<vmem>>
    %dma_start3A_192 = arith.constant 0 : i32
    %dma_start3A_193 = arith.constant 0 : i32
    %dma_start3A_194 = tpu.memref_slice %arg8[%dma_start3A_192, %dma_start3A_193] : memref<1000000x32xf32, #tpu.memory_space<hbm>> -> memref<1000000x32xf32, #tpu.memory_space<hbm>>
    tpu.enqueue_indirect_dma source(%dma_start3A_194 : memref<1000000x32xf32, #tpu.memory_space<hbm>>) target(%dma_start3A_189 : memref<128x32xf32, #tpu.memory_space<vmem>>) offsets(%dma_start3A_191 : memref<128xi32, #tpu.memory_space<vmem>>) semaphore(%arg32 : memref<!tpu.dma_semaphore, #tpu.memory_space<semaphore_mem>>)
    %dma_start3A_195 = arith.constant 128 : i32
    %dma_start3A_196 = arith.constant 0 : i32
    %dma_start3A_197 = tpu.memref_slice %arg23[%dma_start3A_195, %dma_start3A_196] : memref<200x32xf32, #tpu.memory_space<vmem>> -> memref<72x32xf32, #tpu.memory_space<vmem>>
    %dma_start3A_198 = arith.constant 128 : i32
    %dma_start3A_199 = tpu.memref_slice %arg16[%dma_start3A_198] : memref<200xi32, #tpu.memory_space<vmem>> -> memref<72xi32, #tpu.memory_space<vmem>>
    %dma_start3A_200 = arith.constant 0 : i32
    %dma_start3A_201 = arith.constant 0 : i32
    %dma_start3A_202 = tpu.memref_slice %arg8[%dma_start3A_200, %dma_start3A_201] : memref<1000000x32xf32, #tpu.memory_space<hbm>> -> memref<1000000x32xf32, #tpu.memory_space<hbm>>
    tpu.enqueue_indirect_dma source(%dma_start3A_202 : memref<1000000x32xf32, #tpu.memory_space<hbm>>) target(%dma_start3A_197 : memref<72x32xf32, #tpu.memory_space<vmem>>) offsets(%dma_start3A_199 : memref<72xi32, #tpu.memory_space<vmem>>) semaphore(%arg32 : memref<!tpu.dma_semaphore, #tpu.memory_space<semaphore_mem>>)
    %dma_wait3A = arith.constant 0 : i32
    %dma_wait3A_203 = arith.constant 0 : i32
    %dma_wait3A_204 = tpu.memref_slice %arg9[%dma_wait3A, %dma_wait3A_203] : memref<100000x32xf32, #tpu.memory_space<hbm>> -> memref<128x32xf32, #tpu.memory_space<hbm>>
    %dma_wait3A_205 = arith.constant 0 : i32
    %dma_wait3A_206 = arith.constant 0 : i32
    %dma_wait3A_207 = tpu.memref_slice %arg9[%dma_wait3A_205, %dma_wait3A_206] : memref<100000x32xf32, #tpu.memory_space<hbm>> -> memref<128x32xf32, #tpu.memory_space<hbm>>
    tpu.wait_dma2 semaphore(%arg36 : memref<!tpu.dma_semaphore, #tpu.memory_space<semaphore_mem>>) src(%dma_wait3A_207 : memref<128x32xf32, #tpu.memory_space<hbm>>) dst(%arg27 : memref<128x32xf32, #tpu.memory_space<vmem>>)
    %dma_wait3A_208 = arith.constant 0 : i32
    %dma_wait3A_209 = arith.constant 0 : i32
    %dma_wait3A_210 = tpu.memref_slice %arg9[%dma_wait3A_208, %dma_wait3A_209] : memref<100000x32xf32, #tpu.memory_space<hbm>> -> memref<128x32xf32, #tpu.memory_space<hbm>>
    %dma_wait3A_211 = arith.constant 0 : i32
    %dma_wait3A_212 = arith.constant 0 : i32
    %dma_wait3A_213 = tpu.memref_slice %arg9[%dma_wait3A_211, %dma_wait3A_212] : memref<100000x32xf32, #tpu.memory_space<hbm>> -> memref<128x32xf32, #tpu.memory_space<hbm>>
    tpu.wait_dma2 semaphore(%arg36 : memref<!tpu.dma_semaphore, #tpu.memory_space<semaphore_mem>>) src(%dma_wait3A_213 : memref<128x32xf32, #tpu.memory_space<hbm>>) dst(%arg28 : memref<128x32xf32, #tpu.memory_space<vmem>>)
    %dma_wait3A_214 = arith.constant 0 : i32
    %dma_wait3A_215 = arith.constant 0 : i32
    %dma_wait3A_216 = tpu.memref_slice %arg7[%dma_wait3A_214, %dma_wait3A_215] : memref<100000x32xf32, #tpu.memory_space<hbm>> -> memref<512x32xf32, #tpu.memory_space<hbm>>
    %dma_wait3A_217 = arith.constant 0 : i32
    %dma_wait3A_218 = arith.constant 0 : i32
    %dma_wait3A_219 = tpu.memref_slice %arg7[%dma_wait3A_217, %dma_wait3A_218] : memref<100000x32xf32, #tpu.memory_space<hbm>> -> memref<512x32xf32, #tpu.memory_space<hbm>>
    tpu.wait_dma2 semaphore(%arg36 : memref<!tpu.dma_semaphore, #tpu.memory_space<semaphore_mem>>) src(%dma_wait3A_219 : memref<512x32xf32, #tpu.memory_space<hbm>>) dst(%arg29 : memref<512x32xf32, #tpu.memory_space<vmem>>)
    %scan3A = arith.constant 0 : i32
    %scan3A_220 = arith.constant 0 : i32
    %scan3A_221 = arith.constant 64 : i32
    %scan3A_222 = arith.addi %scan3A_220, %scan3A_221 : i32
    %scan3A_223 = arith.constant 1 : i32
    scf.for %scan3A_257 = %scan3A_220 to %scan3A_222 step %scan3A_223  : i32 {
      %add3A_258 = arith.constant 0 : i32
      %add3A_259 = arith.addi %add3A_258, %scan3A_257 : i32
      %get3A = arith.index_cast %add3A_259 : i32 to index
      %get3A_260 = arith.constant 0 : index
      %get3A_261 = tpu.vector_load %arg27[%get3A, %get3A_260] {strides = array<i32>} : memref<128x32xf32, #tpu.memory_space<vmem>>, vector<1x16xf32>,
      %get3A_262 = vector.shape_cast %get3A_261 : vector<1x16xf32> to vector<16xf32>
      %swap3A = arith.index_cast %scan3A_257 : i32 to index
      %swap3A_263 = arith.constant 0 : index
      %swap3A_264 = tpu.vector_load %arg30[%swap3A, %swap3A_263] {strides = array<i32>} : memref<64x96xf32, #tpu.memory_space<vmem>>, vector<1x16xf32>,
      %swap3A_265 = vector.shape_cast %swap3A_264 : vector<1x16xf32> to vector<16xf32>
      %swap3A_266 = vector.shape_cast %get3A_262 : vector<16xf32> to vector<1x16xf32>
      tpu.vector_store %arg30[%swap3A, %swap3A_263], %swap3A_266 {strides = array<i32>} : memref<64x96xf32, #tpu.memory_space<vmem>>, vector<1x16xf32>,
      %get3A_267 = arith.index_cast %add3A_259 : i32 to index
      %get3A_268 = arith.constant 0 : index
      %get3A_269 = tpu.vector_load %arg28[%get3A_267, %get3A_268] {strides = array<i32>} : memref<128x32xf32, #tpu.memory_space<vmem>>, vector<1x16xf32>,
      %get3A_270 = vector.shape_cast %get3A_269 : vector<1x16xf32> to vector<16xf32>
      %swap3A_271 = arith.index_cast %scan3A_257 : i32 to index
      %swap3A_272 = arith.constant 32 : index
      %swap3A_273 = tpu.vector_load %arg30[%swap3A_271, %swap3A_272] {strides = array<i32>} : memref<64x96xf32, #tpu.memory_space<vmem>>, vector<1x16xf32>,
      %swap3A_274 = vector.shape_cast %swap3A_273 : vector<1x16xf32> to vector<16xf32>
      %swap3A_275 = vector.shape_cast %get3A_270 : vector<16xf32> to vector<1x16xf32>
      tpu.vector_store %arg30[%swap3A_271, %swap3A_272], %swap3A_275 {strides = array<i32>} : memref<64x96xf32, #tpu.memory_space<vmem>>, vector<1x16xf32>,
      %mul3A_276 = arith.constant 4 : i32
      %mul3A_277 = arith.muli %mul3A_276, %add3A_259 : i32
      %get3A_278 = arith.index_cast %mul3A_277 : i32 to index
      %get3A_279 = arith.constant 0 : index
      %get3A_280 = tpu.vector_load %arg29[%get3A_278, %get3A_279] {strides = array<i32>} : memref<512x32xf32, #tpu.memory_space<vmem>>, vector<1x16xf32>,
      %get3A_281 = vector.shape_cast %get3A_280 : vector<1x16xf32> to vector<16xf32>
      %mul3A_282 = arith.constant 4 : i32
      %mul3A_283 = arith.muli %mul3A_282, %add3A_259 : i32
      %add3A_284 = arith.constant 1 : i32
      %add3A_285 = arith.addi %mul3A_283, %add3A_284 : i32
      %get3A_286 = arith.index_cast %add3A_285 : i32 to index
      %get3A_287 = arith.constant 0 : index
      %get3A_288 = tpu.vector_load %arg29[%get3A_286, %get3A_287] {strides = array<i32>} : memref<512x32xf32, #tpu.memory_space<vmem>>, vector<1x16xf32>,
      %get3A_289 = vector.shape_cast %get3A_288 : vector<1x16xf32> to vector<16xf32>
      %add3A_290 = arith.addf %get3A_281, %get3A_289 : vector<16xf32>
      %mul3A_291 = arith.constant 4 : i32
      %mul3A_292 = arith.muli %mul3A_291, %add3A_259 : i32
      %add3A_293 = arith.constant 2 : i32
      %add3A_294 = arith.addi %mul3A_292, %add3A_293 : i32
      %get3A_295 = arith.index_cast %add3A_294 : i32 to index
      %get3A_296 = arith.constant 0 : index
      %get3A_297 = tpu.vector_load %arg29[%get3A_295, %get3A_296] {strides = array<i32>} : memref<512x32xf32, #tpu.memory_space<vmem>>, vector<1x16xf32>,
      %get3A_298 = vector.shape_cast %get3A_297 : vector<1x16xf32> to vector<16xf32>
      %add3A_299 = arith.addf %add3A_290, %get3A_298 : vector<16xf32>
      %mul3A_300 = arith.constant 4 : i32
      %mul3A_301 = arith.muli %mul3A_300, %add3A_259 : i32
      %add3A_302 = arith.constant 3 : i32
      %add3A_303 = arith.addi %mul3A_301, %add3A_302 : i32
      %get3A_304 = arith.index_cast %add3A_303 : i32 to index
      %get3A_305 = arith.constant 0 : index
      %get3A_306 = tpu.vector_load %arg29[%get3A_304, %get3A_305] {strides = array<i32>} : memref<512x32xf32, #tpu.memory_space<vmem>>, vector<1x16xf32>,
      %get3A_307 = vector.shape_cast %get3A_306 : vector<1x16xf32> to vector<16xf32>
      %add3A_308 = arith.addf %add3A_299, %get3A_307 : vector<16xf32>
      %swap3A_309 = arith.index_cast %scan3A_257 : i32 to index
      %swap3A_310 = arith.constant 64 : index
      %swap3A_311 = tpu.vector_load %arg30[%swap3A_309, %swap3A_310] {strides = array<i32>} : memref<64x96xf32, #tpu.memory_space<vmem>>, vector<1x16xf32>,
      %swap3A_312 = vector.shape_cast %swap3A_311 : vector<1x16xf32> to vector<16xf32>
      %swap3A_313 = vector.shape_cast %add3A_308 : vector<16xf32> to vector<1x16xf32>
      tpu.vector_store %arg30[%swap3A_309, %swap3A_310], %swap3A_313 {strides = array<i32>} : memref<64x96xf32, #tpu.memory_space<vmem>>, vector<1x16xf32>,
      %get3A_314 = arith.index_cast %add3A_259 : i32 to index
      %get3A_315 = arith.constant 16 : index
      %get3A_316 = tpu.vector_load %arg27[%get3A_314, %get3A_315] {strides = array<i32>} : memref<128x32xf32, #tpu.memory_space<vmem>>, vector<1x16xf32>,
      %get3A_317 = vector.shape_cast %get3A_316 : vector<1x16xf32> to vector<16xf32>
      %swap3A_318 = arith.index_cast %scan3A_257 : i32 to index
      %swap3A_319 = arith.constant 16 : index
      %swap3A_320 = tpu.vector_load %arg30[%swap3A_318, %swap3A_319] {strides = array<i32>} : memref<64x96xf32, #tpu.memory_space<vmem>>, vector<1x16xf32>,
      %swap3A_321 = vector.shape_cast %swap3A_320 : vector<1x16xf32> to vector<16xf32>
      %swap3A_322 = vector.shape_cast %get3A_317 : vector<16xf32> to vector<1x16xf32>
      tpu.vector_store %arg30[%swap3A_318, %swap3A_319], %swap3A_322 {strides = array<i32>} : memref<64x96xf32, #tpu.memory_space<vmem>>, vector<1x16xf32>,
      %get3A_323 = arith.index_cast %add3A_259 : i32 to index
      %get3A_324 = arith.constant 16 : index
      %get3A_325 = tpu.vector_load %arg28[%get3A_323, %get3A_324] {strides = array<i32>} : memref<128x32xf32, #tpu.memory_space<vmem>>, vector<1x16xf32>,
      %get3A_326 = vector.shape_cast %get3A_325 : vector<1x16xf32> to vector<16xf32>
      %swap3A_327 = arith.index_cast %scan3A_257 : i32 to index
      %swap3A_328 = arith.constant 48 : index
      %swap3A_329 = tpu.vector_load %arg30[%swap3A_327, %swap3A_328] {strides = array<i32>} : memref<64x96xf32, #tpu.memory_space<vmem>>, vector<1x16xf32>,
      %swap3A_330 = vector.shape_cast %swap3A_329 : vector<1x16xf32> to vector<16xf32>
      %swap3A_331 = vector.shape_cast %get3A_326 : vector<16xf32> to vector<1x16xf32>
      tpu.vector_store %arg30[%swap3A_327, %swap3A_328], %swap3A_331 {strides = array<i32>} : memref<64x96xf32, #tpu.memory_space<vmem>>, vector<1x16xf32>,
      %mul3A_332 = arith.constant 4 : i32
      %mul3A_333 = arith.muli %mul3A_332, %add3A_259 : i32
      %get3A_334 = arith.index_cast %mul3A_333 : i32 to index
      %get3A_335 = arith.constant 16 : index
      %get3A_336 = tpu.vector_load %arg29[%get3A_334, %get3A_335] {strides = array<i32>} : memref<512x32xf32, #tpu.memory_space<vmem>>, vector<1x16xf32>,
      %get3A_337 = vector.shape_cast %get3A_336 : vector<1x16xf32> to vector<16xf32>
      %mul3A_338 = arith.constant 4 : i32
      %mul3A_339 = arith.muli %mul3A_338, %add3A_259 : i32
      %add3A_340 = arith.constant 1 : i32
      %add3A_341 = arith.addi %mul3A_339, %add3A_340 : i32
      %get3A_342 = arith.index_cast %add3A_341 : i32 to index
      %get3A_343 = arith.constant 16 : index
      %get3A_344 = tpu.vector_load %arg29[%get3A_342, %get3A_343] {strides = array<i32>} : memref<512x32xf32, #tpu.memory_space<vmem>>, vector<1x16xf32>,
      %get3A_345 = vector.shape_cast %get3A_344 : vector<1x16xf32> to vector<16xf32>
      %add3A_346 = arith.addf %get3A_337, %get3A_345 : vector<16xf32>
      %mul3A_347 = arith.constant 4 : i32
      %mul3A_348 = arith.muli %mul3A_347, %add3A_259 : i32
      %add3A_349 = arith.constant 2 : i32
      %add3A_350 = arith.addi %mul3A_348, %add3A_349 : i32
      %get3A_351 = arith.index_cast %add3A_350 : i32 to index
      %get3A_352 = arith.constant 16 : index
      %get3A_353 = tpu.vector_load %arg29[%get3A_351, %get3A_352] {strides = array<i32>} : memref<512x32xf32, #tpu.memory_space<vmem>>, vector<1x16xf32>,
      %get3A_354 = vector.shape_cast %get3A_353 : vector<1x16xf32> to vector<16xf32>
      %add3A_355 = arith.addf %add3A_346, %get3A_354 : vector<16xf32>
      %mul3A_356 = arith.constant 4 : i32
      %mul3A_357 = arith.muli %mul3A_356, %add3A_259 : i32
      %add3A_358 = arith.constant 3 : i32
      %add3A_359 = arith.addi %mul3A_357, %add3A_358 : i32
      %get3A_360 = arith.index_cast %add3A_359 : i32 to index
      %get3A_361 = arith.constant 16 : index
      %get3A_362 = tpu.vector_load %arg29[%get3A_360, %get3A_361] {strides = array<i32>} : memref<512x32xf32, #tpu.memory_space<vmem>>, vector<1x16xf32>,
      %get3A_363 = vector.shape_cast %get3A_362 : vector<1x16xf32> to vector<16xf32>
      %add3A_364 = arith.addf %add3A_355, %get3A_363 : vector<16xf32>
      %swap3A_365 = arith.index_cast %scan3A_257 : i32 to index
      %swap3A_366 = arith.constant 80 : index
      %swap3A_367 = tpu.vector_load %arg30[%swap3A_365, %swap3A_366] {strides = array<i32>} : memref<64x96xf32, #tpu.memory_space<vmem>>, vector<1x16xf32>,
      %swap3A_368 = vector.shape_cast %swap3A_367 : vector<1x16xf32> to vector<16xf32>
      %swap3A_369 = vector.shape_cast %add3A_364 : vector<16xf32> to vector<1x16xf32>
      tpu.vector_store %arg30[%swap3A_365, %swap3A_366], %swap3A_369 {strides = array<i32>} : memref<64x96xf32, #tpu.memory_space<vmem>>, vector<1x16xf32>,
    }
    %scan3A_224 = arith.constant 64 : i32
    %add3A_225 = arith.constant 0 : i32
    %add3A_226 = arith.addi %mul3A_2, %add3A_225 : i32
    "tpu.region"() ({
      %run_scoped3A = tpu.sem_alloc : memref<!tpu.dma_semaphore, #tpu.memory_space<semaphore_mem>>
      %dma_start3A_257 = arith.constant 0 : i32
      %dma_start3A_258 = tpu.memref_slice %arg10[%add3A_226, %dma_start3A_257] : memref<4096x96xf32, #tpu.memory_space<hbm>> -> memref<64x96xf32, #tpu.memory_space<hbm>>
      %dma_start3A_259 = arith.constant 0 : i32
      %dma_start3A_260 = tpu.memref_slice %arg10[%add3A_226, %dma_start3A_259] : memref<4096x96xf32, #tpu.memory_space<hbm>> -> memref<64x96xf32, #tpu.memory_space<hbm>>
      tpu.enqueue_dma source(%arg30 : memref<64x96xf32, #tpu.memory_space<vmem>>) target(%dma_start3A_260 : memref<64x96xf32, #tpu.memory_space<hbm>>) target_semaphore(%run_scoped3A : memref<!tpu.dma_semaphore, #tpu.memory_space<semaphore_mem>>)
      %dma_wait3A_261 = arith.constant 0 : i32
      %dma_wait3A_262 = tpu.memref_slice %arg10[%add3A_226, %dma_wait3A_261] : memref<4096x96xf32, #tpu.memory_space<hbm>> -> memref<64x96xf32, #tpu.memory_space<hbm>>
      %dma_wait3A_263 = arith.constant 0 : i32
      %dma_wait3A_264 = tpu.memref_slice %arg10[%add3A_226, %dma_wait3A_263] : memref<4096x96xf32, #tpu.memory_space<hbm>> -> memref<64x96xf32, #tpu.memory_space<hbm>>
      tpu.wait_dma2 semaphore(%run_scoped3A : memref<!tpu.dma_semaphore, #tpu.memory_space<semaphore_mem>>) src(%arg30 : memref<64x96xf32, #tpu.memory_space<vmem>>) dst(%dma_wait3A_264 : memref<64x96xf32, #tpu.memory_space<hbm>>)
      tpu.yield
    }) : () -> ()
    %scan3A_227 = arith.constant 0 : i32
    %scan3A_228 = arith.constant 0 : i32
    %scan3A_229 = arith.constant 64 : i32
    %scan3A_230 = arith.addi %scan3A_228, %scan3A_229 : i32
    %scan3A_231 = arith.constant 1 : i32
    scf.for %scan3A_257 = %scan3A_228 to %scan3A_230 step %scan3A_231  : i32 {
      %add3A_258 = arith.constant 64 : i32
      %add3A_259 = arith.addi %add3A_258, %scan3A_257 : i32
      %get3A = arith.index_cast %add3A_259 : i32 to index
      %get3A_260 = arith.constant 0 : index
      %get3A_261 = tpu.vector_load %arg27[%get3A, %get3A_260] {strides = array<i32>} : memref<128x32xf32, #tpu.memory_space<vmem>>, vector<1x16xf32>,
      %get3A_262 = vector.shape_cast %get3A_261 : vector<1x16xf32> to vector<16xf32>
      %swap3A = arith.index_cast %scan3A_257 : i32 to index
      %swap3A_263 = arith.constant 0 : index
      %swap3A_264 = tpu.vector_load %arg30[%swap3A, %swap3A_263] {strides = array<i32>} : memref<64x96xf32, #tpu.memory_space<vmem>>, vector<1x16xf32>,
      %swap3A_265 = vector.shape_cast %swap3A_264 : vector<1x16xf32> to vector<16xf32>
      %swap3A_266 = vector.shape_cast %get3A_262 : vector<16xf32> to vector<1x16xf32>
      tpu.vector_store %arg30[%swap3A, %swap3A_263], %swap3A_266 {strides = array<i32>} : memref<64x96xf32, #tpu.memory_space<vmem>>, vector<1x16xf32>,
      %get3A_267 = arith.index_cast %add3A_259 : i32 to index
      %get3A_268 = arith.constant 0 : index
      %get3A_269 = tpu.vector_load %arg28[%get3A_267, %get3A_268] {strides = array<i32>} : memref<128x32xf32, #tpu.memory_space<vmem>>, vector<1x16xf32>,
      %get3A_270 = vector.shape_cast %get3A_269 : vector<1x16xf32> to vector<16xf32>
      %swap3A_271 = arith.index_cast %scan3A_257 : i32 to index
      %swap3A_272 = arith.constant 32 : index
      %swap3A_273 = tpu.vector_load %arg30[%swap3A_271, %swap3A_272] {strides = array<i32>} : memref<64x96xf32, #tpu.memory_space<vmem>>, vector<1x16xf32>,
      %swap3A_274 = vector.shape_cast %swap3A_273 : vector<1x16xf32> to vector<16xf32>
      %swap3A_275 = vector.shape_cast %get3A_270 : vector<16xf32> to vector<1x16xf32>
      tpu.vector_store %arg30[%swap3A_271, %swap3A_272], %swap3A_275 {strides = array<i32>} : memref<64x96xf32, #tpu.memory_space<vmem>>, vector<1x16xf32>,
      %mul3A_276 = arith.constant 4 : i32
      %mul3A_277 = arith.muli %mul3A_276, %add3A_259 : i32
      %get3A_278 = arith.index_cast %mul3A_277 : i32 to index
      %get3A_279 = arith.constant 0 : index
      %get3A_280 = tpu.vector_load %arg29[%get3A_278, %get3A_279] {strides = array<i32>} : memref<512x32xf32, #tpu.memory_space<vmem>>, vector<1x16xf32>,
      %get3A_281 = vector.shape_cast %get3A_280 : vector<1x16xf32> to vector<16xf32>
      %mul3A_282 = arith.constant 4 : i32
      %mul3A_283 = arith.muli %mul3A_282, %add3A_259 : i32
      %add3A_284 = arith.constant 1 : i32
      %add3A_285 = arith.addi %mul3A_283, %add3A_284 : i32
      %get3A_286 = arith.index_cast %add3A_285 : i32 to index
      %get3A_287 = arith.constant 0 : index
      %get3A_288 = tpu.vector_load %arg29[%get3A_286, %get3A_287] {strides = array<i32>} : memref<512x32xf32, #tpu.memory_space<vmem>>, vector<1x16xf32>,
      %get3A_289 = vector.shape_cast %get3A_288 : vector<1x16xf32> to vector<16xf32>
      %add3A_290 = arith.addf %get3A_281, %get3A_289 : vector<16xf32>
      %mul3A_291 = arith.constant 4 : i32
      %mul3A_292 = arith.muli %mul3A_291, %add3A_259 : i32
      %add3A_293 = arith.constant 2 : i32
      %add3A_294 = arith.addi %mul3A_292, %add3A_293 : i32
      %get3A_295 = arith.index_cast %add3A_294 : i32 to index
      %get3A_296 = arith.constant 0 : index
      %get3A_297 = tpu.vector_load %arg29[%get3A_295, %get3A_296] {strides = array<i32>} : memref<512x32xf32, #tpu.memory_space<vmem>>, vector<1x16xf32>,
      %get3A_298 = vector.shape_cast %get3A_297 : vector<1x16xf32> to vector<16xf32>
      %add3A_299 = arith.addf %add3A_290, %get3A_298 : vector<16xf32>
      %mul3A_300 = arith.constant 4 : i32
      %mul3A_301 = arith.muli %mul3A_300, %add3A_259 : i32
      %add3A_302 = arith.constant 3 : i32
      %add3A_303 = arith.addi %mul3A_301, %add3A_302 : i32
      %get3A_304 = arith.index_cast %add3A_303 : i32 to index
      %get3A_305 = arith.constant 0 : index
      %get3A_306 = tpu.vector_load %arg29[%get3A_304, %get3A_305] {strides = array<i32>} : memref<512x32xf32, #tpu.memory_space<vmem>>, vector<1x16xf32>,
      %get3A_307 = vector.shape_cast %get3A_306 : vector<1x16xf32> to vector<16xf32>
      %add3A_308 = arith.addf %add3A_299, %get3A_307 : vector<16xf32>
      %swap3A_309 = arith.index_cast %scan3A_257 : i32 to index
      %swap3A_310 = arith.constant 64 : index
      %swap3A_311 = tpu.vector_load %arg30[%swap3A_309, %swap3A_310] {strides = array<i32>} : memref<64x96xf32, #tpu.memory_space<vmem>>, vector<1x16xf32>,
      %swap3A_312 = vector.shape_cast %swap3A_311 : vector<1x16xf32> to vector<16xf32>
      %swap3A_313 = vector.shape_cast %add3A_308 : vector<16xf32> to vector<1x16xf32>
      tpu.vector_store %arg30[%swap3A_309, %swap3A_310], %swap3A_313 {strides = array<i32>} : memref<64x96xf32, #tpu.memory_space<vmem>>, vector<1x16xf32>,
      %get3A_314 = arith.index_cast %add3A_259 : i32 to index
      %get3A_315 = arith.constant 16 : index
      %get3A_316 = tpu.vector_load %arg27[%get3A_314, %get3A_315] {strides = array<i32>} : memref<128x32xf32, #tpu.memory_space<vmem>>, vector<1x16xf32>,
      %get3A_317 = vector.shape_cast %get3A_316 : vector<1x16xf32> to vector<16xf32>
      %swap3A_318 = arith.index_cast %scan3A_257 : i32 to index
      %swap3A_319 = arith.constant 16 : index
      %swap3A_320 = tpu.vector_load %arg30[%swap3A_318, %swap3A_319] {strides = array<i32>} : memref<64x96xf32, #tpu.memory_space<vmem>>, vector<1x16xf32>,
      %swap3A_321 = vector.shape_cast %swap3A_320 : vector<1x16xf32> to vector<16xf32>
      %swap3A_322 = vector.shape_cast %get3A_317 : vector<16xf32> to vector<1x16xf32>
      tpu.vector_store %arg30[%swap3A_318, %swap3A_319], %swap3A_322 {strides = array<i32>} : memref<64x96xf32, #tpu.memory_space<vmem>>, vector<1x16xf32>,
      %get3A_323 = arith.index_cast %add3A_259 : i32 to index
      %get3A_324 = arith.constant 16 : index
      %get3A_325 = tpu.vector_load %arg28[%get3A_323, %get3A_324] {strides = array<i32>} : memref<128x32xf32, #tpu.memory_space<vmem>>, vector<1x16xf32>,
      %get3A_326 = vector.shape_cast %get3A_325 : vector<1x16xf32> to vector<16xf32>
      %swap3A_327 = arith.index_cast %scan3A_257 : i32 to index
      %swap3A_328 = arith.constant 48 : index
      %swap3A_329 = tpu.vector_load %arg30[%swap3A_327, %swap3A_328] {strides = array<i32>} : memref<64x96xf32, #tpu.memory_space<vmem>>, vector<1x16xf32>,
      %swap3A_330 = vector.shape_cast %swap3A_329 : vector<1x16xf32> to vector<16xf32>
      %swap3A_331 = vector.shape_cast %get3A_326 : vector<16xf32> to vector<1x16xf32>
      tpu.vector_store %arg30[%swap3A_327, %swap3A_328], %swap3A_331 {strides = array<i32>} : memref<64x96xf32, #tpu.memory_space<vmem>>, vector<1x16xf32>,
      %mul3A_332 = arith.constant 4 : i32
      %mul3A_333 = arith.muli %mul3A_332, %add3A_259 : i32
      %get3A_334 = arith.index_cast %mul3A_333 : i32 to index
      %get3A_335 = arith.constant 16 : index
      %get3A_336 = tpu.vector_load %arg29[%get3A_334, %get3A_335] {strides = array<i32>} : memref<512x32xf32, #tpu.memory_space<vmem>>, vector<1x16xf32>,
      %get3A_337 = vector.shape_cast %get3A_336 : vector<1x16xf32> to vector<16xf32>
      %mul3A_338 = arith.constant 4 : i32
      %mul3A_339 = arith.muli %mul3A_338, %add3A_259 : i32
      %add3A_340 = arith.constant 1 : i32
      %add3A_341 = arith.addi %mul3A_339, %add3A_340 : i32
      %get3A_342 = arith.index_cast %add3A_341 : i32 to index
      %get3A_343 = arith.constant 16 : index
      %get3A_344 = tpu.vector_load %arg29[%get3A_342, %get3A_343] {strides = array<i32>} : memref<512x32xf32, #tpu.memory_space<vmem>>, vector<1x16xf32>,
      %get3A_345 = vector.shape_cast %get3A_344 : vector<1x16xf32> to vector<16xf32>
      %add3A_346 = arith.addf %get3A_337, %get3A_345 : vector<16xf32>
      %mul3A_347 = arith.constant 4 : i32
      %mul3A_348 = arith.muli %mul3A_347, %add3A_259 : i32
      %add3A_349 = arith.constant 2 : i32
      %add3A_350 = arith.addi %mul3A_348, %add3A_349 : i32
      %get3A_351 = arith.index_cast %add3A_350 : i32 to index
      %get3A_352 = arith.constant 16 : index
      %get3A_353 = tpu.vector_load %arg29[%get3A_351, %get3A_352] {strides = array<i32>} : memref<512x32xf32, #tpu.memory_space<vmem>>, vector<1x16xf32>,
      %get3A_354 = vector.shape_cast %get3A_353 : vector<1x16xf32> to vector<16xf32>
      %add3A_355 = arith.addf %add3A_346, %get3A_354 : vector<16xf32>
      %mul3A_356 = arith.constant 4 : i32
      %mul3A_357 = arith.muli %mul3A_356, %add3A_259 : i32
      %add3A_358 = arith.constant 3 : i32
      %add3A_359 = arith.addi %mul3A_357, %add3A_358 : i32
      %get3A_360 = arith.index_cast %add3A_359 : i32 to index
      %get3A_361 = arith.constant 16 : index
      %get3A_362 = tpu.vector_load %arg29[%get3A_360, %get3A_361] {strides = array<i32>} : memref<512x32xf32, #tpu.memory_space<vmem>>, vector<1x16xf32>,
      %get3A_363 = vector.shape_cast %get3A_362 : vector<1x16xf32> to vector<16xf32>
      %add3A_364 = arith.addf %add3A_355, %get3A_363 : vector<16xf32>
      %swap3A_365 = arith.index_cast %scan3A_257 : i32 to index
      %swap3A_366 = arith.constant 80 : index
      %swap3A_367 = tpu.vector_load %arg30[%swap3A_365, %swap3A_366] {strides = array<i32>} : memref<64x96xf32, #tpu.memory_space<vmem>>, vector<1x16xf32>,
      %swap3A_368 = vector.shape_cast %swap3A_367 : vector<1x16xf32> to vector<16xf32>
      %swap3A_369 = vector.shape_cast %add3A_364 : vector<16xf32> to vector<1x16xf32>
      tpu.vector_store %arg30[%swap3A_365, %swap3A_366], %swap3A_369 {strides = array<i32>} : memref<64x96xf32, #tpu.memory_space<vmem>>, vector<1x16xf32>,
    }
    %scan3A_232 = arith.constant 64 : i32
    %add3A_233 = arith.constant 64 : i32
    %add3A_234 = arith.addi %mul3A_2, %add3A_233 : i32
    "tpu.region"() ({
      %run_scoped3A = tpu.sem_alloc : memref<!tpu.dma_semaphore, #tpu.memory_space<semaphore_mem>>
      %dma_start3A_257 = arith.constant 0 : i32
      %dma_start3A_258 = tpu.memref_slice %arg10[%add3A_234, %dma_start3A_257] : memref<4096x96xf32, #tpu.memory_space<hbm>> -> memref<64x96xf32, #tpu.memory_space<hbm>>
      %dma_start3A_259 = arith.constant 0 : i32
      %dma_start3A_260 = tpu.memref_slice %arg10[%add3A_234, %dma_start3A_259] : memref<4096x96xf32, #tpu.memory_space<hbm>> -> memref<64x96xf32, #tpu.memory_space<hbm>>
      tpu.enqueue_dma source(%arg30 : memref<64x96xf32, #tpu.memory_space<vmem>>) target(%dma_start3A_260 : memref<64x96xf32, #tpu.memory_space<hbm>>) target_semaphore(%run_scoped3A : memref<!tpu.dma_semaphore, #tpu.memory_space<semaphore_mem>>)
      %dma_wait3A_261 = arith.constant 0 : i32
      %dma_wait3A_262 = tpu.memref_slice %arg10[%add3A_234, %dma_wait3A_261] : memref<4096x96xf32, #tpu.memory_space<hbm>> -> memref<64x96xf32, #tpu.memory_space<hbm>>
      %dma_wait3A_263 = arith.constant 0 : i32
      %dma_wait3A_264 = tpu.memref_slice %arg10[%add3A_234, %dma_wait3A_263] : memref<4096x96xf32, #tpu.memory_space<hbm>> -> memref<64x96xf32, #tpu.memory_space<hbm>>
      tpu.wait_dma2 semaphore(%run_scoped3A : memref<!tpu.dma_semaphore, #tpu.memory_space<semaphore_mem>>) src(%arg30 : memref<64x96xf32, #tpu.memory_space<vmem>>) dst(%dma_wait3A_264 : memref<64x96xf32, #tpu.memory_space<hbm>>)
      tpu.yield
    }) : () -> ()
    %scan3A_235 = arith.constant 0 : i32
    %scan3A_236 = arith.constant 0 : i32
    %scan3A_237 = arith.constant 16 : i32
    %scan3A_238 = arith.addi %scan3A_236, %scan3A_237 : i32
    %scan3A_239 = arith.constant 1 : i32
    scf.for %scan3A_257 = %scan3A_236 to %scan3A_238 step %scan3A_239  : i32 {
      %gt3A = arith.constant 0 : i32
      %gt3A_258 = arith.cmpi sgt, %scan3A_257, %gt3A : i32
      %convert_element_type3A = arith.extui %gt3A_258 : i1 to i32
      %cond3A = arith.constant 0 : i32
      %cond3A_259 = arith.cmpi ne, %convert_element_type3A, %cond3A : i32
      scf.if %cond3A_259 {
        %dma_wait3A_570 = arith.constant 0 : i32
        %dma_wait3A_571 = arith.constant 0 : i32
        %dma_wait3A_572 = tpu.memref_slice %arg11[%mul3A_2, %dma_wait3A_570, %dma_wait3A_571] : memref<4096x50x64xf32, #tpu.memory_space<hbm>> -> memref<4x50x64xf32, #tpu.memory_space<hbm>>
        %dma_wait3A_573 = arith.constant 0 : i32
        %dma_wait3A_574 = arith.constant 0 : i32
        %dma_wait3A_575 = tpu.memref_slice %arg11[%mul3A_2, %dma_wait3A_573, %dma_wait3A_574] : memref<4096x50x64xf32, #tpu.memory_space<hbm>> -> memref<4x50x64xf32, #tpu.memory_space<hbm>>
        tpu.wait_dma2 semaphore(%arg33 : memref<!tpu.dma_semaphore, #tpu.memory_space<semaphore_mem>>) src(%arg24 : memref<4x50x64xf32, #tpu.memory_space<vmem>>) dst(%dma_wait3A_575 : memref<4x50x64xf32, #tpu.memory_space<hbm>>)
        %dma_wait3A_576 = arith.constant 0 : i32
        %dma_wait3A_577 = tpu.memref_slice %arg12[%mul3A_2, %dma_wait3A_576] : memref<4096x64xf32, #tpu.memory_space<hbm>> -> memref<8x64xf32, #tpu.memory_space<hbm>>
        %dma_wait3A_578 = arith.constant 0 : i32
        %dma_wait3A_579 = tpu.memref_slice %arg12[%mul3A_2, %dma_wait3A_578] : memref<4096x64xf32, #tpu.memory_space<hbm>> -> memref<8x64xf32, #tpu.memory_space<hbm>>
        tpu.wait_dma2 semaphore(%arg35 : memref<!tpu.dma_semaphore, #tpu.memory_space<semaphore_mem>>) src(%arg26 : memref<8x64xf32, #tpu.memory_space<vmem>>) dst(%dma_wait3A_579 : memref<8x64xf32, #tpu.memory_space<hbm>>)
      } else {
      }
      %dma_wait3A_260 = arith.constant 0 : i32
      %dma_wait3A_261 = arith.constant 0 : i32
      %dma_wait3A_262 = tpu.memref_slice %arg7[%dma_wait3A_260, %dma_wait3A_261] : memref<100000x32xf32, #tpu.memory_space<hbm>> -> memref<800x32xf32, #tpu.memory_space<hbm>>
      %dma_wait3A_263 = arith.constant 0 : i32
      %dma_wait3A_264 = arith.constant 0 : i32
      %dma_wait3A_265 = tpu.memref_slice %arg7[%dma_wait3A_263, %dma_wait3A_264] : memref<100000x32xf32, #tpu.memory_space<hbm>> -> memref<800x32xf32, #tpu.memory_space<hbm>>
      tpu.wait_dma2 semaphore(%arg31 : memref<!tpu.dma_semaphore, #tpu.memory_space<semaphore_mem>>) src(%dma_wait3A_265 : memref<800x32xf32, #tpu.memory_space<hbm>>) dst(%arg20 : memref<800x32xf32, #tpu.memory_space<vmem>>)
      %dma_wait3A_266 = arith.constant 0 : i32
      %dma_wait3A_267 = arith.constant 0 : i32
      %dma_wait3A_268 = tpu.memref_slice %arg8[%dma_wait3A_266, %dma_wait3A_267] : memref<1000000x32xf32, #tpu.memory_space<hbm>> -> memref<200x32xf32, #tpu.memory_space<hbm>>
      %dma_wait3A_269 = arith.constant 0 : i32
      %dma_wait3A_270 = arith.constant 0 : i32
      %dma_wait3A_271 = tpu.memref_slice %arg8[%dma_wait3A_269, %dma_wait3A_270] : memref<1000000x32xf32, #tpu.memory_space<hbm>> -> memref<200x32xf32, #tpu.memory_space<hbm>>
      tpu.wait_dma2 semaphore(%arg31 : memref<!tpu.dma_semaphore, #tpu.memory_space<semaphore_mem>>) src(%dma_wait3A_271 : memref<200x32xf32, #tpu.memory_space<hbm>>) dst(%arg22 : memref<200x32xf32, #tpu.memory_space<vmem>>)
      %mul3A_272 = arith.constant 2 : i32
      %mul3A_273 = arith.muli %mul3A_272, %scan3A_257 : i32
      %scan3A_274 = arith.constant 0 : i32
      %scan3A_275 = arith.constant 50 : i32
      %scan3A_276 = arith.addi %scan3A_274, %scan3A_275 : i32
      %scan3A_277 = arith.constant 1 : i32
      %scan3A_278:4 = scf.for %scan3A_570 = %scan3A_274 to %scan3A_276 step %scan3A_277 iter_args(%scan3A_571 = %broadcast_in_dim3A_3, %scan3A_572 = %broadcast_in_dim3A_3, %scan3A_573 = %broadcast_in_dim3A_3, %scan3A_574 = %broadcast_in_dim3A_3) -> (vector<16xf32>, vector<16xf32>, vector<16xf32>, vector<16xf32>)  : i32 {
        %add3A_575 = arith.constant 0 : i32
        %add3A_576 = arith.addi %add3A_575, %scan3A_570 : i32
        %mul3A_577 = arith.constant 4 : i32
        %mul3A_578 = arith.muli %mul3A_577, %add3A_576 : i32
        %get3A = arith.index_cast %mul3A_578 : i32 to index
        %get3A_579 = arith.constant 0 : index
        %get3A_580 = tpu.vector_load %arg20[%get3A, %get3A_579] {strides = array<i32>} : memref<800x32xf32, #tpu.memory_space<vmem>>, vector<1x16xf32>,
        %get3A_581 = vector.shape_cast %get3A_580 : vector<1x16xf32> to vector<16xf32>
        %mul3A_582 = arith.constant 4 : i32
        %mul3A_583 = arith.muli %mul3A_582, %add3A_576 : i32
        %add3A_584 = arith.constant 1 : i32
        %add3A_585 = arith.addi %mul3A_583, %add3A_584 : i32
        %get3A_586 = arith.index_cast %add3A_585 : i32 to index
        %get3A_587 = arith.constant 0 : index
        %get3A_588 = tpu.vector_load %arg20[%get3A_586, %get3A_587] {strides = array<i32>} : memref<800x32xf32, #tpu.memory_space<vmem>>, vector<1x16xf32>,
        %get3A_589 = vector.shape_cast %get3A_588 : vector<1x16xf32> to vector<16xf32>
        %add3A_590 = arith.addf %get3A_581, %get3A_589 : vector<16xf32>
        %mul3A_591 = arith.constant 4 : i32
        %mul3A_592 = arith.muli %mul3A_591, %add3A_576 : i32
        %add3A_593 = arith.constant 2 : i32
        %add3A_594 = arith.addi %mul3A_592, %add3A_593 : i32
        %get3A_595 = arith.index_cast %add3A_594 : i32 to index
        %get3A_596 = arith.constant 0 : index
        %get3A_597 = tpu.vector_load %arg20[%get3A_595, %get3A_596] {strides = array<i32>} : memref<800x32xf32, #tpu.memory_space<vmem>>, vector<1x16xf32>,
        %get3A_598 = vector.shape_cast %get3A_597 : vector<1x16xf32> to vector<16xf32>
        %add3A_599 = arith.addf %add3A_590, %get3A_598 : vector<16xf32>
        %mul3A_600 = arith.constant 4 : i32
        %mul3A_601 = arith.muli %mul3A_600, %add3A_576 : i32
        %add3A_602 = arith.constant 3 : i32
        %add3A_603 = arith.addi %mul3A_601, %add3A_602 : i32
        %get3A_604 = arith.index_cast %add3A_603 : i32 to index
        %get3A_605 = arith.constant 0 : index
        %get3A_606 = tpu.vector_load %arg20[%get3A_604, %get3A_605] {strides = array<i32>} : memref<800x32xf32, #tpu.memory_space<vmem>>, vector<1x16xf32>,
        %get3A_607 = vector.shape_cast %get3A_606 : vector<1x16xf32> to vector<16xf32>
        %add3A_608 = arith.addf %add3A_599, %get3A_607 : vector<16xf32>
        %mul3A_609 = arith.constant 4 : i32
        %mul3A_610 = arith.muli %mul3A_609, %add3A_576 : i32
        %get3A_611 = arith.index_cast %mul3A_610 : i32 to index
        %get3A_612 = arith.constant 16 : index
        %get3A_613 = tpu.vector_load %arg20[%get3A_611, %get3A_612] {strides = array<i32>} : memref<800x32xf32, #tpu.memory_space<vmem>>, vector<1x16xf32>,
        %get3A_614 = vector.shape_cast %get3A_613 : vector<1x16xf32> to vector<16xf32>
        %mul3A_615 = arith.constant 4 : i32
        %mul3A_616 = arith.muli %mul3A_615, %add3A_576 : i32
        %add3A_617 = arith.constant 1 : i32
        %add3A_618 = arith.addi %mul3A_616, %add3A_617 : i32
        %get3A_619 = arith.index_cast %add3A_618 : i32 to index
        %get3A_620 = arith.constant 16 : index
        %get3A_621 = tpu.vector_load %arg20[%get3A_619, %get3A_620] {strides = array<i32>} : memref<800x32xf32, #tpu.memory_space<vmem>>, vector<1x16xf32>,
        %get3A_622 = vector.shape_cast %get3A_621 : vector<1x16xf32> to vector<16xf32>
        %add3A_623 = arith.addf %get3A_614, %get3A_622 : vector<16xf32>
        %mul3A_624 = arith.constant 4 : i32
        %mul3A_625 = arith.muli %mul3A_624, %add3A_576 : i32
        %add3A_626 = arith.constant 2 : i32
        %add3A_627 = arith.addi %mul3A_625, %add3A_626 : i32
        %get3A_628 = arith.index_cast %add3A_627 : i32 to index
        %get3A_629 = arith.constant 16 : index
        %get3A_630 = tpu.vector_load %arg20[%get3A_628, %get3A_629] {strides = array<i32>} : memref<800x32xf32, #tpu.memory_space<vmem>>, vector<1x16xf32>,
        %get3A_631 = vector.shape_cast %get3A_630 : vector<1x16xf32> to vector<16xf32>
        %add3A_632 = arith.addf %add3A_623, %get3A_631 : vector<16xf32>
        %mul3A_633 = arith.constant 4 : i32
        %mul3A_634 = arith.muli %mul3A_633, %add3A_576 : i32
        %add3A_635 = arith.constant 3 : i32
        %add3A_636 = arith.addi %mul3A_634, %add3A_635 : i32
        %get3A_637 = arith.index_cast %add3A_636 : i32 to index
        %get3A_638 = arith.constant 16 : index
        %get3A_639 = tpu.vector_load %arg20[%get3A_637, %get3A_638] {strides = array<i32>} : memref<800x32xf32, #tpu.memory_space<vmem>>, vector<1x16xf32>,
        %get3A_640 = vector.shape_cast %get3A_639 : vector<1x16xf32> to vector<16xf32>
        %add3A_641 = arith.addf %add3A_632, %get3A_640 : vector<16xf32>
        %get3A_642 = arith.index_cast %add3A_576 : i32 to index
        %get3A_643 = arith.constant 0 : index
        %get3A_644 = tpu.vector_load %arg22[%get3A_642, %get3A_643] {strides = array<i32>} : memref<200x32xf32, #tpu.memory_space<vmem>>, vector<1x16xf32>,
        %get3A_645 = vector.shape_cast %get3A_644 : vector<1x16xf32> to vector<16xf32>
        %get3A_646 = arith.index_cast %add3A_576 : i32 to index
        %get3A_647 = arith.constant 16 : index
        %get3A_648 = tpu.vector_load %arg22[%get3A_646, %get3A_647] {strides = array<i32>} : memref<200x32xf32, #tpu.memory_space<vmem>>, vector<1x16xf32>,
        %get3A_649 = vector.shape_cast %get3A_648 : vector<1x16xf32> to vector<16xf32>
        %swap3A_650 = arith.constant 0 : i32
        %swap3A_651 = arith.index_cast %swap3A_650 : i32 to index
        %swap3A_652 = arith.index_cast %scan3A_570 : i32 to index
        %swap3A_653 = arith.constant 0 : index
        %swap3A_654 = tpu.vector_load %arg24[%swap3A_651, %swap3A_652, %swap3A_653] {strides = array<i32>} : memref<4x50x64xf32, #tpu.memory_space<vmem>>, vector<1x1x16xf32>,
        %swap3A_655 = vector.shape_cast %swap3A_654 : vector<1x1x16xf32> to vector<16xf32>
        %swap3A_656 = vector.shape_cast %add3A_608 : vector<16xf32> to vector<1x1x16xf32>
        tpu.vector_store %arg24[%swap3A_651, %swap3A_652, %swap3A_653], %swap3A_656 {strides = array<i32>} : memref<4x50x64xf32, #tpu.memory_space<vmem>>, vector<1x1x16xf32>,
        %swap3A_657 = arith.constant 0 : i32
        %swap3A_658 = arith.index_cast %swap3A_657 : i32 to index
        %swap3A_659 = arith.index_cast %scan3A_570 : i32 to index
        %swap3A_660 = arith.constant 16 : index
        %swap3A_661 = tpu.vector_load %arg24[%swap3A_658, %swap3A_659, %swap3A_660] {strides = array<i32>} : memref<4x50x64xf32, #tpu.memory_space<vmem>>, vector<1x1x16xf32>,
        %swap3A_662 = vector.shape_cast %swap3A_661 : vector<1x1x16xf32> to vector<16xf32>
        %swap3A_663 = vector.shape_cast %add3A_641 : vector<16xf32> to vector<1x1x16xf32>
        tpu.vector_store %arg24[%swap3A_658, %swap3A_659, %swap3A_660], %swap3A_663 {strides = array<i32>} : memref<4x50x64xf32, #tpu.memory_space<vmem>>, vector<1x1x16xf32>,
        %swap3A_664 = arith.constant 0 : i32
        %swap3A_665 = arith.index_cast %swap3A_664 : i32 to index
        %swap3A_666 = arith.index_cast %scan3A_570 : i32 to index
        %swap3A_667 = arith.constant 32 : index
        %swap3A_668 = tpu.vector_load %arg24[%swap3A_665, %swap3A_666, %swap3A_667] {strides = array<i32>} : memref<4x50x64xf32, #tpu.memory_space<vmem>>, vector<1x1x16xf32>,
        %swap3A_669 = vector.shape_cast %swap3A_668 : vector<1x1x16xf32> to vector<16xf32>
        %swap3A_670 = vector.shape_cast %get3A_645 : vector<16xf32> to vector<1x1x16xf32>
        tpu.vector_store %arg24[%swap3A_665, %swap3A_666, %swap3A_667], %swap3A_670 {strides = array<i32>} : memref<4x50x64xf32, #tpu.memory_space<vmem>>, vector<1x1x16xf32>,
        %swap3A_671 = arith.constant 0 : i32
        %swap3A_672 = arith.index_cast %swap3A_671 : i32 to index
        %swap3A_673 = arith.index_cast %scan3A_570 : i32 to index
        %swap3A_674 = arith.constant 48 : index
        %swap3A_675 = tpu.vector_load %arg24[%swap3A_672, %swap3A_673, %swap3A_674] {strides = array<i32>} : memref<4x50x64xf32, #tpu.memory_space<vmem>>, vector<1x1x16xf32>,
        %swap3A_676 = vector.shape_cast %swap3A_675 : vector<1x1x16xf32> to vector<16xf32>
        %swap3A_677 = vector.shape_cast %get3A_649 : vector<16xf32> to vector<1x1x16xf32>
        tpu.vector_store %arg24[%swap3A_672, %swap3A_673, %swap3A_674], %swap3A_677 {strides = array<i32>} : memref<4x50x64xf32, #tpu.memory_space<vmem>>, vector<1x1x16xf32>,
        %add3A_678 = arith.addf %scan3A_571, %add3A_608 : vector<16xf32>
        %add3A_679 = arith.addf %scan3A_572, %add3A_641 : vector<16xf32>
        %add3A_680 = arith.addf %scan3A_573, %get3A_645 : vector<16xf32>
        %add3A_681 = arith.addf %scan3A_574, %get3A_649 : vector<16xf32>
        scf.yield %add3A_678, %add3A_679, %add3A_680, %add3A_681 : vector<16xf32>, vector<16xf32>, vector<16xf32>, vector<16xf32>
      }
      %scan3A_279 = arith.constant 50 : i32
      %swap3A = arith.constant 0 : i32
      %swap3A_280 = arith.index_cast %swap3A : i32 to index
      %swap3A_281 = arith.constant 0 : index
      %swap3A_282 = tpu.vector_load %arg26[%swap3A_280, %swap3A_281] {strides = array<i32>} : memref<8x64xf32, #tpu.memory_space<vmem>>, vector<1x16xf32>,
      %swap3A_283 = vector.shape_cast %swap3A_282 : vector<1x16xf32> to vector<16xf32>
      %swap3A_284 = vector.shape_cast %scan3A_278#0 : vector<16xf32> to vector<1x16xf32>
      tpu.vector_store %arg26[%swap3A_280, %swap3A_281], %swap3A_284 {strides = array<i32>} : memref<8x64xf32, #tpu.memory_space<vmem>>, vector<1x16xf32>,
      %swap3A_285 = arith.constant 0 : i32
      %swap3A_286 = arith.index_cast %swap3A_285 : i32 to index
      %swap3A_287 = arith.constant 16 : index
      %swap3A_288 = tpu.vector_load %arg26[%swap3A_286, %swap3A_287] {strides = array<i32>} : memref<8x64xf32, #tpu.memory_space<vmem>>, vector<1x16xf32>,
      %swap3A_289 = vector.shape_cast %swap3A_288 : vector<1x16xf32> to vector<16xf32>
      %swap3A_290 = vector.shape_cast %scan3A_278#1 : vector<16xf32> to vector<1x16xf32>
      tpu.vector_store %arg26[%swap3A_286, %swap3A_287], %swap3A_290 {strides = array<i32>} : memref<8x64xf32, #tpu.memory_space<vmem>>, vector<1x16xf32>,
      %swap3A_291 = arith.constant 0 : i32
      %swap3A_292 = arith.index_cast %swap3A_291 : i32 to index
      %swap3A_293 = arith.constant 32 : index
      %swap3A_294 = tpu.vector_load %arg26[%swap3A_292, %swap3A_293] {strides = array<i32>} : memref<8x64xf32, #tpu.memory_space<vmem>>, vector<1x16xf32>,
      %swap3A_295 = vector.shape_cast %swap3A_294 : vector<1x16xf32> to vector<16xf32>
      %swap3A_296 = vector.shape_cast %scan3A_278#2 : vector<16xf32> to vector<1x16xf32>
      tpu.vector_store %arg26[%swap3A_292, %swap3A_293], %swap3A_296 {strides = array<i32>} : memref<8x64xf32, #tpu.memory_space<vmem>>, vector<1x16xf32>,
      %swap3A_297 = arith.constant 0 : i32
      %swap3A_298 = arith.index_cast %swap3A_297 : i32 to index
      %swap3A_299 = arith.constant 48 : index
      %swap3A_300 = tpu.vector_load %arg26[%swap3A_298, %swap3A_299] {strides = array<i32>} : memref<8x64xf32, #tpu.memory_space<vmem>>, vector<1x16xf32>,
      %swap3A_301 = vector.shape_cast %swap3A_300 : vector<1x16xf32> to vector<16xf32>
      %swap3A_302 = vector.shape_cast %scan3A_278#3 : vector<16xf32> to vector<1x16xf32>
      tpu.vector_store %arg26[%swap3A_298, %swap3A_299], %swap3A_302 {strides = array<i32>} : memref<8x64xf32, #tpu.memory_space<vmem>>, vector<1x16xf32>,
      %scan3A_303 = arith.constant 0 : i32
      %scan3A_304 = arith.constant 50 : i32
      %scan3A_305 = arith.addi %scan3A_303, %scan3A_304 : i32
      %scan3A_306 = arith.constant 1 : i32
      %scan3A_307:4 = scf.for %scan3A_570 = %scan3A_303 to %scan3A_305 step %scan3A_306 iter_args(%scan3A_571 = %broadcast_in_dim3A_3, %scan3A_572 = %broadcast_in_dim3A_3, %scan3A_573 = %broadcast_in_dim3A_3, %scan3A_574 = %broadcast_in_dim3A_3) -> (vector<16xf32>, vector<16xf32>, vector<16xf32>, vector<16xf32>)  : i32 {
        %add3A_575 = arith.constant 50 : i32
        %add3A_576 = arith.addi %add3A_575, %scan3A_570 : i32
        %mul3A_577 = arith.constant 4 : i32
        %mul3A_578 = arith.muli %mul3A_577, %add3A_576 : i32
        %get3A = arith.index_cast %mul3A_578 : i32 to index
        %get3A_579 = arith.constant 0 : index
        %get3A_580 = tpu.vector_load %arg20[%get3A, %get3A_579] {strides = array<i32>} : memref<800x32xf32, #tpu.memory_space<vmem>>, vector<1x16xf32>,
        %get3A_581 = vector.shape_cast %get3A_580 : vector<1x16xf32> to vector<16xf32>
        %mul3A_582 = arith.constant 4 : i32
        %mul3A_583 = arith.muli %mul3A_582, %add3A_576 : i32
        %add3A_584 = arith.constant 1 : i32
        %add3A_585 = arith.addi %mul3A_583, %add3A_584 : i32
        %get3A_586 = arith.index_cast %add3A_585 : i32 to index
        %get3A_587 = arith.constant 0 : index
        %get3A_588 = tpu.vector_load %arg20[%get3A_586, %get3A_587] {strides = array<i32>} : memref<800x32xf32, #tpu.memory_space<vmem>>, vector<1x16xf32>,
        %get3A_589 = vector.shape_cast %get3A_588 : vector<1x16xf32> to vector<16xf32>
        %add3A_590 = arith.addf %get3A_581, %get3A_589 : vector<16xf32>
        %mul3A_591 = arith.constant 4 : i32
        %mul3A_592 = arith.muli %mul3A_591, %add3A_576 : i32
        %add3A_593 = arith.constant 2 : i32
        %add3A_594 = arith.addi %mul3A_592, %add3A_593 : i32
        %get3A_595 = arith.index_cast %add3A_594 : i32 to index
        %get3A_596 = arith.constant 0 : index
        %get3A_597 = tpu.vector_load %arg20[%get3A_595, %get3A_596] {strides = array<i32>} : memref<800x32xf32, #tpu.memory_space<vmem>>, vector<1x16xf32>,
        %get3A_598 = vector.shape_cast %get3A_597 : vector<1x16xf32> to vector<16xf32>
        %add3A_599 = arith.addf %add3A_590, %get3A_598 : vector<16xf32>
        %mul3A_600 = arith.constant 4 : i32
        %mul3A_601 = arith.muli %mul3A_600, %add3A_576 : i32
        %add3A_602 = arith.constant 3 : i32
        %add3A_603 = arith.addi %mul3A_601, %add3A_602 : i32
        %get3A_604 = arith.index_cast %add3A_603 : i32 to index
        %get3A_605 = arith.constant 0 : index
        %get3A_606 = tpu.vector_load %arg20[%get3A_604, %get3A_605] {strides = array<i32>} : memref<800x32xf32, #tpu.memory_space<vmem>>, vector<1x16xf32>,
        %get3A_607 = vector.shape_cast %get3A_606 : vector<1x16xf32> to vector<16xf32>
        %add3A_608 = arith.addf %add3A_599, %get3A_607 : vector<16xf32>
        %mul3A_609 = arith.constant 4 : i32
        %mul3A_610 = arith.muli %mul3A_609, %add3A_576 : i32
        %get3A_611 = arith.index_cast %mul3A_610 : i32 to index
        %get3A_612 = arith.constant 16 : index
        %get3A_613 = tpu.vector_load %arg20[%get3A_611, %get3A_612] {strides = array<i32>} : memref<800x32xf32, #tpu.memory_space<vmem>>, vector<1x16xf32>,
        %get3A_614 = vector.shape_cast %get3A_613 : vector<1x16xf32> to vector<16xf32>
        %mul3A_615 = arith.constant 4 : i32
        %mul3A_616 = arith.muli %mul3A_615, %add3A_576 : i32
        %add3A_617 = arith.constant 1 : i32
        %add3A_618 = arith.addi %mul3A_616, %add3A_617 : i32
        %get3A_619 = arith.index_cast %add3A_618 : i32 to index
        %get3A_620 = arith.constant 16 : index
        %get3A_621 = tpu.vector_load %arg20[%get3A_619, %get3A_620] {strides = array<i32>} : memref<800x32xf32, #tpu.memory_space<vmem>>, vector<1x16xf32>,
        %get3A_622 = vector.shape_cast %get3A_621 : vector<1x16xf32> to vector<16xf32>
        %add3A_623 = arith.addf %get3A_614, %get3A_622 : vector<16xf32>
        %mul3A_624 = arith.constant 4 : i32
        %mul3A_625 = arith.muli %mul3A_624, %add3A_576 : i32
        %add3A_626 = arith.constant 2 : i32
        %add3A_627 = arith.addi %mul3A_625, %add3A_626 : i32
        %get3A_628 = arith.index_cast %add3A_627 : i32 to index
        %get3A_629 = arith.constant 16 : index
        %get3A_630 = tpu.vector_load %arg20[%get3A_628, %get3A_629] {strides = array<i32>} : memref<800x32xf32, #tpu.memory_space<vmem>>, vector<1x16xf32>,
        %get3A_631 = vector.shape_cast %get3A_630 : vector<1x16xf32> to vector<16xf32>
        %add3A_632 = arith.addf %add3A_623, %get3A_631 : vector<16xf32>
        %mul3A_633 = arith.constant 4 : i32
        %mul3A_634 = arith.muli %mul3A_633, %add3A_576 : i32
        %add3A_635 = arith.constant 3 : i32
        %add3A_636 = arith.addi %mul3A_634, %add3A_635 : i32
        %get3A_637 = arith.index_cast %add3A_636 : i32 to index
        %get3A_638 = arith.constant 16 : index
        %get3A_639 = tpu.vector_load %arg20[%get3A_637, %get3A_638] {strides = array<i32>} : memref<800x32xf32, #tpu.memory_space<vmem>>, vector<1x16xf32>,
        %get3A_640 = vector.shape_cast %get3A_639 : vector<1x16xf32> to vector<16xf32>
        %add3A_641 = arith.addf %add3A_632, %get3A_640 : vector<16xf32>
        %get3A_642 = arith.index_cast %add3A_576 : i32 to index
        %get3A_643 = arith.constant 0 : index
        %get3A_644 = tpu.vector_load %arg22[%get3A_642, %get3A_643] {strides = array<i32>} : memref<200x32xf32, #tpu.memory_space<vmem>>, vector<1x16xf32>,
        %get3A_645 = vector.shape_cast %get3A_644 : vector<1x16xf32> to vector<16xf32>
        %get3A_646 = arith.index_cast %add3A_576 : i32 to index
        %get3A_647 = arith.constant 16 : index
        %get3A_648 = tpu.vector_load %arg22[%get3A_646, %get3A_647] {strides = array<i32>} : memref<200x32xf32, #tpu.memory_space<vmem>>, vector<1x16xf32>,
        %get3A_649 = vector.shape_cast %get3A_648 : vector<1x16xf32> to vector<16xf32>
        %swap3A_650 = arith.constant 1 : i32
        %swap3A_651 = arith.index_cast %swap3A_650 : i32 to index
        %swap3A_652 = arith.index_cast %scan3A_570 : i32 to index
        %swap3A_653 = arith.constant 0 : index
        %swap3A_654 = tpu.vector_load %arg24[%swap3A_651, %swap3A_652, %swap3A_653] {strides = array<i32>} : memref<4x50x64xf32, #tpu.memory_space<vmem>>, vector<1x1x16xf32>,
        %swap3A_655 = vector.shape_cast %swap3A_654 : vector<1x1x16xf32> to vector<16xf32>
        %swap3A_656 = vector.shape_cast %add3A_608 : vector<16xf32> to vector<1x1x16xf32>
        tpu.vector_store %arg24[%swap3A_651, %swap3A_652, %swap3A_653], %swap3A_656 {strides = array<i32>} : memref<4x50x64xf32, #tpu.memory_space<vmem>>, vector<1x1x16xf32>,
        %swap3A_657 = arith.constant 1 : i32
        %swap3A_658 = arith.index_cast %swap3A_657 : i32 to index
        %swap3A_659 = arith.index_cast %scan3A_570 : i32 to index
        %swap3A_660 = arith.constant 16 : index
        %swap3A_661 = tpu.vector_load %arg24[%swap3A_658, %swap3A_659, %swap3A_660] {strides = array<i32>} : memref<4x50x64xf32, #tpu.memory_space<vmem>>, vector<1x1x16xf32>,
        %swap3A_662 = vector.shape_cast %swap3A_661 : vector<1x1x16xf32> to vector<16xf32>
        %swap3A_663 = vector.shape_cast %add3A_641 : vector<16xf32> to vector<1x1x16xf32>
        tpu.vector_store %arg24[%swap3A_658, %swap3A_659, %swap3A_660], %swap3A_663 {strides = array<i32>} : memref<4x50x64xf32, #tpu.memory_space<vmem>>, vector<1x1x16xf32>,
        %swap3A_664 = arith.constant 1 : i32
        %swap3A_665 = arith.index_cast %swap3A_664 : i32 to index
        %swap3A_666 = arith.index_cast %scan3A_570 : i32 to index
        %swap3A_667 = arith.constant 32 : index
        %swap3A_668 = tpu.vector_load %arg24[%swap3A_665, %swap3A_666, %swap3A_667] {strides = array<i32>} : memref<4x50x64xf32, #tpu.memory_space<vmem>>, vector<1x1x16xf32>,
        %swap3A_669 = vector.shape_cast %swap3A_668 : vector<1x1x16xf32> to vector<16xf32>
        %swap3A_670 = vector.shape_cast %get3A_645 : vector<16xf32> to vector<1x1x16xf32>
        tpu.vector_store %arg24[%swap3A_665, %swap3A_666, %swap3A_667], %swap3A_670 {strides = array<i32>} : memref<4x50x64xf32, #tpu.memory_space<vmem>>, vector<1x1x16xf32>,
        %swap3A_671 = arith.constant 1 : i32
        %swap3A_672 = arith.index_cast %swap3A_671 : i32 to index
        %swap3A_673 = arith.index_cast %scan3A_570 : i32 to index
        %swap3A_674 = arith.constant 48 : index
        %swap3A_675 = tpu.vector_load %arg24[%swap3A_672, %swap3A_673, %swap3A_674] {strides = array<i32>} : memref<4x50x64xf32, #tpu.memory_space<vmem>>, vector<1x1x16xf32>,
        %swap3A_676 = vector.shape_cast %swap3A_675 : vector<1x1x16xf32> to vector<16xf32>
        %swap3A_677 = vector.shape_cast %get3A_649 : vector<16xf32> to vector<1x1x16xf32>
        tpu.vector_store %arg24[%swap3A_672, %swap3A_673, %swap3A_674], %swap3A_677 {strides = array<i32>} : memref<4x50x64xf32, #tpu.memory_space<vmem>>, vector<1x1x16xf32>,
        %add3A_678 = arith.addf %scan3A_571, %add3A_608 : vector<16xf32>
        %add3A_679 = arith.addf %scan3A_572, %add3A_641 : vector<16xf32>
        %add3A_680 = arith.addf %scan3A_573, %get3A_645 : vector<16xf32>
        %add3A_681 = arith.addf %scan3A_574, %get3A_649 : vector<16xf32>
        scf.yield %add3A_678, %add3A_679, %add3A_680, %add3A_681 : vector<16xf32>, vector<16xf32>, vector<16xf32>, vector<16xf32>
      }
      %scan3A_308 = arith.constant 50 : i32
      %swap3A_309 = arith.constant 1 : i32
      %swap3A_310 = arith.index_cast %swap3A_309 : i32 to index
      %swap3A_311 = arith.constant 0 : index
      %swap3A_312 = tpu.vector_load %arg26[%swap3A_310, %swap3A_311] {strides = array<i32>} : memref<8x64xf32, #tpu.memory_space<vmem>>, vector<1x16xf32>,
      %swap3A_313 = vector.shape_cast %swap3A_312 : vector<1x16xf32> to vector<16xf32>
      %swap3A_314 = vector.shape_cast %scan3A_307#0 : vector<16xf32> to vector<1x16xf32>
      tpu.vector_store %arg26[%swap3A_310, %swap3A_311], %swap3A_314 {strides = array<i32>} : memref<8x64xf32, #tpu.memory_space<vmem>>, vector<1x16xf32>,
      %swap3A_315 = arith.constant 1 : i32
      %swap3A_316 = arith.index_cast %swap3A_315 : i32 to index
      %swap3A_317 = arith.constant 16 : index
      %swap3A_318 = tpu.vector_load %arg26[%swap3A_316, %swap3A_317] {strides = array<i32>} : memref<8x64xf32, #tpu.memory_space<vmem>>, vector<1x16xf32>,
      %swap3A_319 = vector.shape_cast %swap3A_318 : vector<1x16xf32> to vector<16xf32>
      %swap3A_320 = vector.shape_cast %scan3A_307#1 : vector<16xf32> to vector<1x16xf32>
      tpu.vector_store %arg26[%swap3A_316, %swap3A_317], %swap3A_320 {strides = array<i32>} : memref<8x64xf32, #tpu.memory_space<vmem>>, vector<1x16xf32>,
      %swap3A_321 = arith.constant 1 : i32
      %swap3A_322 = arith.index_cast %swap3A_321 : i32 to index
      %swap3A_323 = arith.constant 32 : index
      %swap3A_324 = tpu.vector_load %arg26[%swap3A_322, %swap3A_323] {strides = array<i32>} : memref<8x64xf32, #tpu.memory_space<vmem>>, vector<1x16xf32>,
      %swap3A_325 = vector.shape_cast %swap3A_324 : vector<1x16xf32> to vector<16xf32>
      %swap3A_326 = vector.shape_cast %scan3A_307#2 : vector<16xf32> to vector<1x16xf32>
      tpu.vector_store %arg26[%swap3A_322, %swap3A_323], %swap3A_326 {strides = array<i32>} : memref<8x64xf32, #tpu.memory_space<vmem>>, vector<1x16xf32>,
      %swap3A_327 = arith.constant 1 : i32
      %swap3A_328 = arith.index_cast %swap3A_327 : i32 to index
      %swap3A_329 = arith.constant 48 : index
      %swap3A_330 = tpu.vector_load %arg26[%swap3A_328, %swap3A_329] {strides = array<i32>} : memref<8x64xf32, #tpu.memory_space<vmem>>, vector<1x16xf32>,
      %swap3A_331 = vector.shape_cast %swap3A_330 : vector<1x16xf32> to vector<16xf32>
      %swap3A_332 = vector.shape_cast %scan3A_307#3 : vector<16xf32> to vector<1x16xf32>
      tpu.vector_store %arg26[%swap3A_328, %swap3A_329], %swap3A_332 {strides = array<i32>} : memref<8x64xf32, #tpu.memory_space<vmem>>, vector<1x16xf32>,
      %scan3A_333 = arith.constant 0 : i32
      %scan3A_334 = arith.constant 50 : i32
      %scan3A_335 = arith.addi %scan3A_333, %scan3A_334 : i32
      %scan3A_336 = arith.constant 1 : i32
      %scan3A_337:4 = scf.for %scan3A_570 = %scan3A_333 to %scan3A_335 step %scan3A_336 iter_args(%scan3A_571 = %broadcast_in_dim3A_3, %scan3A_572 = %broadcast_in_dim3A_3, %scan3A_573 = %broadcast_in_dim3A_3, %scan3A_574 = %broadcast_in_dim3A_3) -> (vector<16xf32>, vector<16xf32>, vector<16xf32>, vector<16xf32>)  : i32 {
        %add3A_575 = arith.constant 100 : i32
        %add3A_576 = arith.addi %add3A_575, %scan3A_570 : i32
        %mul3A_577 = arith.constant 4 : i32
        %mul3A_578 = arith.muli %mul3A_577, %add3A_576 : i32
        %get3A = arith.index_cast %mul3A_578 : i32 to index
        %get3A_579 = arith.constant 0 : index
        %get3A_580 = tpu.vector_load %arg20[%get3A, %get3A_579] {strides = array<i32>} : memref<800x32xf32, #tpu.memory_space<vmem>>, vector<1x16xf32>,
        %get3A_581 = vector.shape_cast %get3A_580 : vector<1x16xf32> to vector<16xf32>
        %mul3A_582 = arith.constant 4 : i32
        %mul3A_583 = arith.muli %mul3A_582, %add3A_576 : i32
        %add3A_584 = arith.constant 1 : i32
        %add3A_585 = arith.addi %mul3A_583, %add3A_584 : i32
        %get3A_586 = arith.index_cast %add3A_585 : i32 to index
        %get3A_587 = arith.constant 0 : index
        %get3A_588 = tpu.vector_load %arg20[%get3A_586, %get3A_587] {strides = array<i32>} : memref<800x32xf32, #tpu.memory_space<vmem>>, vector<1x16xf32>,
        %get3A_589 = vector.shape_cast %get3A_588 : vector<1x16xf32> to vector<16xf32>
        %add3A_590 = arith.addf %get3A_581, %get3A_589 : vector<16xf32>
        %mul3A_591 = arith.constant 4 : i32
        %mul3A_592 = arith.muli %mul3A_591, %add3A_576 : i32
        %add3A_593 = arith.constant 2 : i32
        %add3A_594 = arith.addi %mul3A_592, %add3A_593 : i32
        %get3A_595 = arith.index_cast %add3A_594 : i32 to index
        %get3A_596 = arith.constant 0 : index
        %get3A_597 = tpu.vector_load %arg20[%get3A_595, %get3A_596] {strides = array<i32>} : memref<800x32xf32, #tpu.memory_space<vmem>>, vector<1x16xf32>,
        %get3A_598 = vector.shape_cast %get3A_597 : vector<1x16xf32> to vector<16xf32>
        %add3A_599 = arith.addf %add3A_590, %get3A_598 : vector<16xf32>
        %mul3A_600 = arith.constant 4 : i32
        %mul3A_601 = arith.muli %mul3A_600, %add3A_576 : i32
        %add3A_602 = arith.constant 3 : i32
        %add3A_603 = arith.addi %mul3A_601, %add3A_602 : i32
        %get3A_604 = arith.index_cast %add3A_603 : i32 to index
        %get3A_605 = arith.constant 0 : index
        %get3A_606 = tpu.vector_load %arg20[%get3A_604, %get3A_605] {strides = array<i32>} : memref<800x32xf32, #tpu.memory_space<vmem>>, vector<1x16xf32>,
        %get3A_607 = vector.shape_cast %get3A_606 : vector<1x16xf32> to vector<16xf32>
        %add3A_608 = arith.addf %add3A_599, %get3A_607 : vector<16xf32>
        %mul3A_609 = arith.constant 4 : i32
        %mul3A_610 = arith.muli %mul3A_609, %add3A_576 : i32
        %get3A_611 = arith.index_cast %mul3A_610 : i32 to index
        %get3A_612 = arith.constant 16 : index
        %get3A_613 = tpu.vector_load %arg20[%get3A_611, %get3A_612] {strides = array<i32>} : memref<800x32xf32, #tpu.memory_space<vmem>>, vector<1x16xf32>,
        %get3A_614 = vector.shape_cast %get3A_613 : vector<1x16xf32> to vector<16xf32>
        %mul3A_615 = arith.constant 4 : i32
        %mul3A_616 = arith.muli %mul3A_615, %add3A_576 : i32
        %add3A_617 = arith.constant 1 : i32
        %add3A_618 = arith.addi %mul3A_616, %add3A_617 : i32
        %get3A_619 = arith.index_cast %add3A_618 : i32 to index
        %get3A_620 = arith.constant 16 : index
        %get3A_621 = tpu.vector_load %arg20[%get3A_619, %get3A_620] {strides = array<i32>} : memref<800x32xf32, #tpu.memory_space<vmem>>, vector<1x16xf32>,
        %get3A_622 = vector.shape_cast %get3A_621 : vector<1x16xf32> to vector<16xf32>
        %add3A_623 = arith.addf %get3A_614, %get3A_622 : vector<16xf32>
        %mul3A_624 = arith.constant 4 : i32
        %mul3A_625 = arith.muli %mul3A_624, %add3A_576 : i32
        %add3A_626 = arith.constant 2 : i32
        %add3A_627 = arith.addi %mul3A_625, %add3A_626 : i32
        %get3A_628 = arith.index_cast %add3A_627 : i32 to index
        %get3A_629 = arith.constant 16 : index
        %get3A_630 = tpu.vector_load %arg20[%get3A_628, %get3A_629] {strides = array<i32>} : memref<800x32xf32, #tpu.memory_space<vmem>>, vector<1x16xf32>,
        %get3A_631 = vector.shape_cast %get3A_630 : vector<1x16xf32> to vector<16xf32>
        %add3A_632 = arith.addf %add3A_623, %get3A_631 : vector<16xf32>
        %mul3A_633 = arith.constant 4 : i32
        %mul3A_634 = arith.muli %mul3A_633, %add3A_576 : i32
        %add3A_635 = arith.constant 3 : i32
        %add3A_636 = arith.addi %mul3A_634, %add3A_635 : i32
        %get3A_637 = arith.index_cast %add3A_636 : i32 to index
        %get3A_638 = arith.constant 16 : index
        %get3A_639 = tpu.vector_load %arg20[%get3A_637, %get3A_638] {strides = array<i32>} : memref<800x32xf32, #tpu.memory_space<vmem>>, vector<1x16xf32>,
        %get3A_640 = vector.shape_cast %get3A_639 : vector<1x16xf32> to vector<16xf32>
        %add3A_641 = arith.addf %add3A_632, %get3A_640 : vector<16xf32>
        %get3A_642 = arith.index_cast %add3A_576 : i32 to index
        %get3A_643 = arith.constant 0 : index
        %get3A_644 = tpu.vector_load %arg22[%get3A_642, %get3A_643] {strides = array<i32>} : memref<200x32xf32, #tpu.memory_space<vmem>>, vector<1x16xf32>,
        %get3A_645 = vector.shape_cast %get3A_644 : vector<1x16xf32> to vector<16xf32>
        %get3A_646 = arith.index_cast %add3A_576 : i32 to index
        %get3A_647 = arith.constant 16 : index
        %get3A_648 = tpu.vector_load %arg22[%get3A_646, %get3A_647] {strides = array<i32>} : memref<200x32xf32, #tpu.memory_space<vmem>>, vector<1x16xf32>,
        %get3A_649 = vector.shape_cast %get3A_648 : vector<1x16xf32> to vector<16xf32>
        %swap3A_650 = arith.constant 2 : i32
        %swap3A_651 = arith.index_cast %swap3A_650 : i32 to index
        %swap3A_652 = arith.index_cast %scan3A_570 : i32 to index
        %swap3A_653 = arith.constant 0 : index
        %swap3A_654 = tpu.vector_load %arg24[%swap3A_651, %swap3A_652, %swap3A_653] {strides = array<i32>} : memref<4x50x64xf32, #tpu.memory_space<vmem>>, vector<1x1x16xf32>,
        %swap3A_655 = vector.shape_cast %swap3A_654 : vector<1x1x16xf32> to vector<16xf32>
        %swap3A_656 = vector.shape_cast %add3A_608 : vector<16xf32> to vector<1x1x16xf32>
        tpu.vector_store %arg24[%swap3A_651, %swap3A_652, %swap3A_653], %swap3A_656 {strides = array<i32>} : memref<4x50x64xf32, #tpu.memory_space<vmem>>, vector<1x1x16xf32>,
        %swap3A_657 = arith.constant 2 : i32
        %swap3A_658 = arith.index_cast %swap3A_657 : i32 to index
        %swap3A_659 = arith.index_cast %scan3A_570 : i32 to index
        %swap3A_660 = arith.constant 16 : index
        %swap3A_661 = tpu.vector_load %arg24[%swap3A_658, %swap3A_659, %swap3A_660] {strides = array<i32>} : memref<4x50x64xf32, #tpu.memory_space<vmem>>, vector<1x1x16xf32>,
        %swap3A_662 = vector.shape_cast %swap3A_661 : vector<1x1x16xf32> to vector<16xf32>
        %swap3A_663 = vector.shape_cast %add3A_641 : vector<16xf32> to vector<1x1x16xf32>
        tpu.vector_store %arg24[%swap3A_658, %swap3A_659, %swap3A_660], %swap3A_663 {strides = array<i32>} : memref<4x50x64xf32, #tpu.memory_space<vmem>>, vector<1x1x16xf32>,
        %swap3A_664 = arith.constant 2 : i32
        %swap3A_665 = arith.index_cast %swap3A_664 : i32 to index
        %swap3A_666 = arith.index_cast %scan3A_570 : i32 to index
        %swap3A_667 = arith.constant 32 : index
        %swap3A_668 = tpu.vector_load %arg24[%swap3A_665, %swap3A_666, %swap3A_667] {strides = array<i32>} : memref<4x50x64xf32, #tpu.memory_space<vmem>>, vector<1x1x16xf32>,
        %swap3A_669 = vector.shape_cast %swap3A_668 : vector<1x1x16xf32> to vector<16xf32>
        %swap3A_670 = vector.shape_cast %get3A_645 : vector<16xf32> to vector<1x1x16xf32>
        tpu.vector_store %arg24[%swap3A_665, %swap3A_666, %swap3A_667], %swap3A_670 {strides = array<i32>} : memref<4x50x64xf32, #tpu.memory_space<vmem>>, vector<1x1x16xf32>,
        %swap3A_671 = arith.constant 2 : i32
        %swap3A_672 = arith.index_cast %swap3A_671 : i32 to index
        %swap3A_673 = arith.index_cast %scan3A_570 : i32 to index
        %swap3A_674 = arith.constant 48 : index
        %swap3A_675 = tpu.vector_load %arg24[%swap3A_672, %swap3A_673, %swap3A_674] {strides = array<i32>} : memref<4x50x64xf32, #tpu.memory_space<vmem>>, vector<1x1x16xf32>,
        %swap3A_676 = vector.shape_cast %swap3A_675 : vector<1x1x16xf32> to vector<16xf32>
        %swap3A_677 = vector.shape_cast %get3A_649 : vector<16xf32> to vector<1x1x16xf32>
        tpu.vector_store %arg24[%swap3A_672, %swap3A_673, %swap3A_674], %swap3A_677 {strides = array<i32>} : memref<4x50x64xf32, #tpu.memory_space<vmem>>, vector<1x1x16xf32>,
        %add3A_678 = arith.addf %scan3A_571, %add3A_608 : vector<16xf32>
        %add3A_679 = arith.addf %scan3A_572, %add3A_641 : vector<16xf32>
        %add3A_680 = arith.addf %scan3A_573, %get3A_645 : vector<16xf32>
        %add3A_681 = arith.addf %scan3A_574, %get3A_649 : vector<16xf32>
        scf.yield %add3A_678, %add3A_679, %add3A_680, %add3A_681 : vector<16xf32>, vector<16xf32>, vector<16xf32>, vector<16xf32>
      }
      %scan3A_338 = arith.constant 50 : i32
      %swap3A_339 = arith.constant 2 : i32
      %swap3A_340 = arith.index_cast %swap3A_339 : i32 to index
      %swap3A_341 = arith.constant 0 : index
      %swap3A_342 = tpu.vector_load %arg26[%swap3A_340, %swap3A_341] {strides = array<i32>} : memref<8x64xf32, #tpu.memory_space<vmem>>, vector<1x16xf32>,
      %swap3A_343 = vector.shape_cast %swap3A_342 : vector<1x16xf32> to vector<16xf32>
      %swap3A_344 = vector.shape_cast %scan3A_337#0 : vector<16xf32> to vector<1x16xf32>
      tpu.vector_store %arg26[%swap3A_340, %swap3A_341], %swap3A_344 {strides = array<i32>} : memref<8x64xf32, #tpu.memory_space<vmem>>, vector<1x16xf32>,
      %swap3A_345 = arith.constant 2 : i32
      %swap3A_346 = arith.index_cast %swap3A_345 : i32 to index
      %swap3A_347 = arith.constant 16 : index
      %swap3A_348 = tpu.vector_load %arg26[%swap3A_346, %swap3A_347] {strides = array<i32>} : memref<8x64xf32, #tpu.memory_space<vmem>>, vector<1x16xf32>,
      %swap3A_349 = vector.shape_cast %swap3A_348 : vector<1x16xf32> to vector<16xf32>
      %swap3A_350 = vector.shape_cast %scan3A_337#1 : vector<16xf32> to vector<1x16xf32>
      tpu.vector_store %arg26[%swap3A_346, %swap3A_347], %swap3A_350 {strides = array<i32>} : memref<8x64xf32, #tpu.memory_space<vmem>>, vector<1x16xf32>,
      %swap3A_351 = arith.constant 2 : i32
      %swap3A_352 = arith.index_cast %swap3A_351 : i32 to index
      %swap3A_353 = arith.constant 32 : index
      %swap3A_354 = tpu.vector_load %arg26[%swap3A_352, %swap3A_353] {strides = array<i32>} : memref<8x64xf32, #tpu.memory_space<vmem>>, vector<1x16xf32>,
      %swap3A_355 = vector.shape_cast %swap3A_354 : vector<1x16xf32> to vector<16xf32>
      %swap3A_356 = vector.shape_cast %scan3A_337#2 : vector<16xf32> to vector<1x16xf32>
      tpu.vector_store %arg26[%swap3A_352, %swap3A_353], %swap3A_356 {strides = array<i32>} : memref<8x64xf32, #tpu.memory_space<vmem>>, vector<1x16xf32>,
      %swap3A_357 = arith.constant 2 : i32
      %swap3A_358 = arith.index_cast %swap3A_357 : i32 to index
      %swap3A_359 = arith.constant 48 : index
      %swap3A_360 = tpu.vector_load %arg26[%swap3A_358, %swap3A_359] {strides = array<i32>} : memref<8x64xf32, #tpu.memory_space<vmem>>, vector<1x16xf32>,
      %swap3A_361 = vector.shape_cast %swap3A_360 : vector<1x16xf32> to vector<16xf32>
      %swap3A_362 = vector.shape_cast %scan3A_337#3 : vector<16xf32> to vector<1x16xf32>
      tpu.vector_store %arg26[%swap3A_358, %swap3A_359], %swap3A_362 {strides = array<i32>} : memref<8x64xf32, #tpu.memory_space<vmem>>, vector<1x16xf32>,
      %scan3A_363 = arith.constant 0 : i32
      %scan3A_364 = arith.constant 50 : i32
      %scan3A_365 = arith.addi %scan3A_363, %scan3A_364 : i32
      %scan3A_366 = arith.constant 1 : i32
      %scan3A_367:4 = scf.for %scan3A_570 = %scan3A_363 to %scan3A_365 step %scan3A_366 iter_args(%scan3A_571 = %broadcast_in_dim3A_3, %scan3A_572 = %broadcast_in_dim3A_3, %scan3A_573 = %broadcast_in_dim3A_3, %scan3A_574 = %broadcast_in_dim3A_3) -> (vector<16xf32>, vector<16xf32>, vector<16xf32>, vector<16xf32>)  : i32 {
        %add3A_575 = arith.constant 150 : i32
        %add3A_576 = arith.addi %add3A_575, %scan3A_570 : i32
        %mul3A_577 = arith.constant 4 : i32
        %mul3A_578 = arith.muli %mul3A_577, %add3A_576 : i32
        %get3A = arith.index_cast %mul3A_578 : i32 to index
        %get3A_579 = arith.constant 0 : index
        %get3A_580 = tpu.vector_load %arg20[%get3A, %get3A_579] {strides = array<i32>} : memref<800x32xf32, #tpu.memory_space<vmem>>, vector<1x16xf32>,
        %get3A_581 = vector.shape_cast %get3A_580 : vector<1x16xf32> to vector<16xf32>
        %mul3A_582 = arith.constant 4 : i32
        %mul3A_583 = arith.muli %mul3A_582, %add3A_576 : i32
        %add3A_584 = arith.constant 1 : i32
        %add3A_585 = arith.addi %mul3A_583, %add3A_584 : i32
        %get3A_586 = arith.index_cast %add3A_585 : i32 to index
        %get3A_587 = arith.constant 0 : index
        %get3A_588 = tpu.vector_load %arg20[%get3A_586, %get3A_587] {strides = array<i32>} : memref<800x32xf32, #tpu.memory_space<vmem>>, vector<1x16xf32>,
        %get3A_589 = vector.shape_cast %get3A_588 : vector<1x16xf32> to vector<16xf32>
        %add3A_590 = arith.addf %get3A_581, %get3A_589 : vector<16xf32>
        %mul3A_591 = arith.constant 4 : i32
        %mul3A_592 = arith.muli %mul3A_591, %add3A_576 : i32
        %add3A_593 = arith.constant 2 : i32
        %add3A_594 = arith.addi %mul3A_592, %add3A_593 : i32
        %get3A_595 = arith.index_cast %add3A_594 : i32 to index
        %get3A_596 = arith.constant 0 : index
        %get3A_597 = tpu.vector_load %arg20[%get3A_595, %get3A_596] {strides = array<i32>} : memref<800x32xf32, #tpu.memory_space<vmem>>, vector<1x16xf32>,
        %get3A_598 = vector.shape_cast %get3A_597 : vector<1x16xf32> to vector<16xf32>
        %add3A_599 = arith.addf %add3A_590, %get3A_598 : vector<16xf32>
        %mul3A_600 = arith.constant 4 : i32
        %mul3A_601 = arith.muli %mul3A_600, %add3A_576 : i32
        %add3A_602 = arith.constant 3 : i32
        %add3A_603 = arith.addi %mul3A_601, %add3A_602 : i32
        %get3A_604 = arith.index_cast %add3A_603 : i32 to index
        %get3A_605 = arith.constant 0 : index
        %get3A_606 = tpu.vector_load %arg20[%get3A_604, %get3A_605] {strides = array<i32>} : memref<800x32xf32, #tpu.memory_space<vmem>>, vector<1x16xf32>,
        %get3A_607 = vector.shape_cast %get3A_606 : vector<1x16xf32> to vector<16xf32>
        %add3A_608 = arith.addf %add3A_599, %get3A_607 : vector<16xf32>
        %mul3A_609 = arith.constant 4 : i32
        %mul3A_610 = arith.muli %mul3A_609, %add3A_576 : i32
        %get3A_611 = arith.index_cast %mul3A_610 : i32 to index
        %get3A_612 = arith.constant 16 : index
        %get3A_613 = tpu.vector_load %arg20[%get3A_611, %get3A_612] {strides = array<i32>} : memref<800x32xf32, #tpu.memory_space<vmem>>, vector<1x16xf32>,
        %get3A_614 = vector.shape_cast %get3A_613 : vector<1x16xf32> to vector<16xf32>
        %mul3A_615 = arith.constant 4 : i32
        %mul3A_616 = arith.muli %mul3A_615, %add3A_576 : i32
        %add3A_617 = arith.constant 1 : i32
        %add3A_618 = arith.addi %mul3A_616, %add3A_617 : i32
        %get3A_619 = arith.index_cast %add3A_618 : i32 to index
        %get3A_620 = arith.constant 16 : index
        %get3A_621 = tpu.vector_load %arg20[%get3A_619, %get3A_620] {strides = array<i32>} : memref<800x32xf32, #tpu.memory_space<vmem>>, vector<1x16xf32>,
        %get3A_622 = vector.shape_cast %get3A_621 : vector<1x16xf32> to vector<16xf32>
        %add3A_623 = arith.addf %get3A_614, %get3A_622 : vector<16xf32>
        %mul3A_624 = arith.constant 4 : i32
        %mul3A_625 = arith.muli %mul3A_624, %add3A_576 : i32
        %add3A_626 = arith.constant 2 : i32
        %add3A_627 = arith.addi %mul3A_625, %add3A_626 : i32
        %get3A_628 = arith.index_cast %add3A_627 : i32 to index
        %get3A_629 = arith.constant 16 : index
        %get3A_630 = tpu.vector_load %arg20[%get3A_628, %get3A_629] {strides = array<i32>} : memref<800x32xf32, #tpu.memory_space<vmem>>, vector<1x16xf32>,
        %get3A_631 = vector.shape_cast %get3A_630 : vector<1x16xf32> to vector<16xf32>
        %add3A_632 = arith.addf %add3A_623, %get3A_631 : vector<16xf32>
        %mul3A_633 = arith.constant 4 : i32
        %mul3A_634 = arith.muli %mul3A_633, %add3A_576 : i32
        %add3A_635 = arith.constant 3 : i32
        %add3A_636 = arith.addi %mul3A_634, %add3A_635 : i32
        %get3A_637 = arith.index_cast %add3A_636 : i32 to index
        %get3A_638 = arith.constant 16 : index
        %get3A_639 = tpu.vector_load %arg20[%get3A_637, %get3A_638] {strides = array<i32>} : memref<800x32xf32, #tpu.memory_space<vmem>>, vector<1x16xf32>,
        %get3A_640 = vector.shape_cast %get3A_639 : vector<1x16xf32> to vector<16xf32>
        %add3A_641 = arith.addf %add3A_632, %get3A_640 : vector<16xf32>
        %get3A_642 = arith.index_cast %add3A_576 : i32 to index
        %get3A_643 = arith.constant 0 : index
        %get3A_644 = tpu.vector_load %arg22[%get3A_642, %get3A_643] {strides = array<i32>} : memref<200x32xf32, #tpu.memory_space<vmem>>, vector<1x16xf32>,
        %get3A_645 = vector.shape_cast %get3A_644 : vector<1x16xf32> to vector<16xf32>
        %get3A_646 = arith.index_cast %add3A_576 : i32 to index
        %get3A_647 = arith.constant 16 : index
        %get3A_648 = tpu.vector_load %arg22[%get3A_646, %get3A_647] {strides = array<i32>} : memref<200x32xf32, #tpu.memory_space<vmem>>, vector<1x16xf32>,
        %get3A_649 = vector.shape_cast %get3A_648 : vector<1x16xf32> to vector<16xf32>
        %swap3A_650 = arith.constant 3 : i32
        %swap3A_651 = arith.index_cast %swap3A_650 : i32 to index
        %swap3A_652 = arith.index_cast %scan3A_570 : i32 to index
        %swap3A_653 = arith.constant 0 : index
        %swap3A_654 = tpu.vector_load %arg24[%swap3A_651, %swap3A_652, %swap3A_653] {strides = array<i32>} : memref<4x50x64xf32, #tpu.memory_space<vmem>>, vector<1x1x16xf32>,
        %swap3A_655 = vector.shape_cast %swap3A_654 : vector<1x1x16xf32> to vector<16xf32>
        %swap3A_656 = vector.shape_cast %add3A_608 : vector<16xf32> to vector<1x1x16xf32>
        tpu.vector_store %arg24[%swap3A_651, %swap3A_652, %swap3A_653], %swap3A_656 {strides = array<i32>} : memref<4x50x64xf32, #tpu.memory_space<vmem>>, vector<1x1x16xf32>,
        %swap3A_657 = arith.constant 3 : i32
        %swap3A_658 = arith.index_cast %swap3A_657 : i32 to index
        %swap3A_659 = arith.index_cast %scan3A_570 : i32 to index
        %swap3A_660 = arith.constant 16 : index
        %swap3A_661 = tpu.vector_load %arg24[%swap3A_658, %swap3A_659, %swap3A_660] {strides = array<i32>} : memref<4x50x64xf32, #tpu.memory_space<vmem>>, vector<1x1x16xf32>,
        %swap3A_662 = vector.shape_cast %swap3A_661 : vector<1x1x16xf32> to vector<16xf32>
        %swap3A_663 = vector.shape_cast %add3A_641 : vector<16xf32> to vector<1x1x16xf32>
        tpu.vector_store %arg24[%swap3A_658, %swap3A_659, %swap3A_660], %swap3A_663 {strides = array<i32>} : memref<4x50x64xf32, #tpu.memory_space<vmem>>, vector<1x1x16xf32>,
        %swap3A_664 = arith.constant 3 : i32
        %swap3A_665 = arith.index_cast %swap3A_664 : i32 to index
        %swap3A_666 = arith.index_cast %scan3A_570 : i32 to index
        %swap3A_667 = arith.constant 32 : index
        %swap3A_668 = tpu.vector_load %arg24[%swap3A_665, %swap3A_666, %swap3A_667] {strides = array<i32>} : memref<4x50x64xf32, #tpu.memory_space<vmem>>, vector<1x1x16xf32>,
        %swap3A_669 = vector.shape_cast %swap3A_668 : vector<1x1x16xf32> to vector<16xf32>
        %swap3A_670 = vector.shape_cast %get3A_645 : vector<16xf32> to vector<1x1x16xf32>
        tpu.vector_store %arg24[%swap3A_665, %swap3A_666, %swap3A_667], %swap3A_670 {strides = array<i32>} : memref<4x50x64xf32, #tpu.memory_space<vmem>>, vector<1x1x16xf32>,
        %swap3A_671 = arith.constant 3 : i32
        %swap3A_672 = arith.index_cast %swap3A_671 : i32 to index
        %swap3A_673 = arith.index_cast %scan3A_570 : i32 to index
        %swap3A_674 = arith.constant 48 : index
        %swap3A_675 = tpu.vector_load %arg24[%swap3A_672, %swap3A_673, %swap3A_674] {strides = array<i32>} : memref<4x50x64xf32, #tpu.memory_space<vmem>>, vector<1x1x16xf32>,
        %swap3A_676 = vector.shape_cast %swap3A_675 : vector<1x1x16xf32> to vector<16xf32>
        %swap3A_677 = vector.shape_cast %get3A_649 : vector<16xf32> to vector<1x1x16xf32>
        tpu.vector_store %arg24[%swap3A_672, %swap3A_673, %swap3A_674], %swap3A_677 {strides = array<i32>} : memref<4x50x64xf32, #tpu.memory_space<vmem>>, vector<1x1x16xf32>,
        %add3A_678 = arith.addf %scan3A_571, %add3A_608 : vector<16xf32>
        %add3A_679 = arith.addf %scan3A_572, %add3A_641 : vector<16xf32>
        %add3A_680 = arith.addf %scan3A_573, %get3A_645 : vector<16xf32>
        %add3A_681 = arith.addf %scan3A_574, %get3A_649 : vector<16xf32>
        scf.yield %add3A_678, %add3A_679, %add3A_680, %add3A_681 : vector<16xf32>, vector<16xf32>, vector<16xf32>, vector<16xf32>
      }
      %scan3A_368 = arith.constant 50 : i32
      %swap3A_369 = arith.constant 3 : i32
      %swap3A_370 = arith.index_cast %swap3A_369 : i32 to index
      %swap3A_371 = arith.constant 0 : index
      %swap3A_372 = tpu.vector_load %arg26[%swap3A_370, %swap3A_371] {strides = array<i32>} : memref<8x64xf32, #tpu.memory_space<vmem>>, vector<1x16xf32>,
      %swap3A_373 = vector.shape_cast %swap3A_372 : vector<1x16xf32> to vector<16xf32>
      %swap3A_374 = vector.shape_cast %scan3A_367#0 : vector<16xf32> to vector<1x16xf32>
      tpu.vector_store %arg26[%swap3A_370, %swap3A_371], %swap3A_374 {strides = array<i32>} : memref<8x64xf32, #tpu.memory_space<vmem>>, vector<1x16xf32>,
      %swap3A_375 = arith.constant 3 : i32
      %swap3A_376 = arith.index_cast %swap3A_375 : i32 to index
      %swap3A_377 = arith.constant 16 : index
      %swap3A_378 = tpu.vector_load %arg26[%swap3A_376, %swap3A_377] {strides = array<i32>} : memref<8x64xf32, #tpu.memory_space<vmem>>, vector<1x16xf32>,
      %swap3A_379 = vector.shape_cast %swap3A_378 : vector<1x16xf32> to vector<16xf32>
      %swap3A_380 = vector.shape_cast %scan3A_367#1 : vector<16xf32> to vector<1x16xf32>
      tpu.vector_store %arg26[%swap3A_376, %swap3A_377], %swap3A_380 {strides = array<i32>} : memref<8x64xf32, #tpu.memory_space<vmem>>, vector<1x16xf32>,
      %swap3A_381 = arith.constant 3 : i32
      %swap3A_382 = arith.index_cast %swap3A_381 : i32 to index
      %swap3A_383 = arith.constant 32 : index
      %swap3A_384 = tpu.vector_load %arg26[%swap3A_382, %swap3A_383] {strides = array<i32>} : memref<8x64xf32, #tpu.memory_space<vmem>>, vector<1x16xf32>,
      %swap3A_385 = vector.shape_cast %swap3A_384 : vector<1x16xf32> to vector<16xf32>
      %swap3A_386 = vector.shape_cast %scan3A_367#2 : vector<16xf32> to vector<1x16xf32>
      tpu.vector_store %arg26[%swap3A_382, %swap3A_383], %swap3A_386 {strides = array<i32>} : memref<8x64xf32, #tpu.memory_space<vmem>>, vector<1x16xf32>,
      %swap3A_387 = arith.constant 3 : i32
      %swap3A_388 = arith.index_cast %swap3A_387 : i32 to index
      %swap3A_389 = arith.constant 48 : index
      %swap3A_390 = tpu.vector_load %arg26[%swap3A_388, %swap3A_389] {strides = array<i32>} : memref<8x64xf32, #tpu.memory_space<vmem>>, vector<1x16xf32>,
      %swap3A_391 = vector.shape_cast %swap3A_390 : vector<1x16xf32> to vector<16xf32>
      %swap3A_392 = vector.shape_cast %scan3A_367#3 : vector<16xf32> to vector<1x16xf32>
      tpu.vector_store %arg26[%swap3A_388, %swap3A_389], %swap3A_392 {strides = array<i32>} : memref<8x64xf32, #tpu.memory_space<vmem>>, vector<1x16xf32>,
      %mul3A_393 = arith.constant 4 : i32
      %mul3A_394 = arith.muli %mul3A_273, %mul3A_393 : i32
      %add3A_395 = arith.addi %mul3A_2, %mul3A_394 : i32
      %dma_start3A_396 = arith.constant 0 : i32
      %dma_start3A_397 = arith.constant 0 : i32
      %dma_start3A_398 = tpu.memref_slice %arg11[%add3A_395, %dma_start3A_396, %dma_start3A_397] : memref<4096x50x64xf32, #tpu.memory_space<hbm>> -> memref<4x50x64xf32, #tpu.memory_space<hbm>>
      %dma_start3A_399 = arith.constant 0 : i32
      %dma_start3A_400 = arith.constant 0 : i32
      %dma_start3A_401 = tpu.memref_slice %arg11[%add3A_395, %dma_start3A_399, %dma_start3A_400] : memref<4096x50x64xf32, #tpu.memory_space<hbm>> -> memref<4x50x64xf32, #tpu.memory_space<hbm>>
      tpu.enqueue_dma source(%arg24 : memref<4x50x64xf32, #tpu.memory_space<vmem>>) target(%dma_start3A_401 : memref<4x50x64xf32, #tpu.memory_space<hbm>>) target_semaphore(%arg33 : memref<!tpu.dma_semaphore, #tpu.memory_space<semaphore_mem>>)
      %lt3A = arith.constant 15 : i32
      %lt3A_402 = arith.cmpi slt, %scan3A_257, %lt3A : i32
      %convert_element_type3A_403 = arith.extui %lt3A_402 : i1 to i32
      %cond3A_404 = arith.constant 0 : i32
      %cond3A_405 = arith.cmpi ne, %convert_element_type3A_403, %cond3A_404 : i32
      scf.if %cond3A_405 {
        %mul3A_570 = arith.constant 2 : i32
        %mul3A_571 = arith.muli %mul3A_570, %scan3A_257 : i32
        %add3A_572 = arith.constant 2 : i32
        %add3A_573 = arith.addi %mul3A_571, %add3A_572 : i32
        %mul3A_574 = arith.constant 4 : i32
        %mul3A_575 = arith.muli %add3A_573, %mul3A_574 : i32
        %add3A_576 = arith.addi %mul3A_2, %mul3A_575 : i32
        %mul3A_577 = arith.constant 50 : i32
        %mul3A_578 = arith.muli %add3A_576, %mul3A_577 : i32
        %mul3A_579 = arith.constant 4 : i32
        %mul3A_580 = arith.muli %mul3A_578, %mul3A_579 : i32
        "tpu.region"() ({
          %run_scoped3A = tpu.sem_alloc : memref<!tpu.dma_semaphore, #tpu.memory_space<semaphore_mem>>
          %dma_start3A_655 = tpu.memref_slice %arg2[%mul3A_580] : memref<819200xi32, #tpu.memory_space<hbm>> -> memref<800xi32, #tpu.memory_space<hbm>>
          %dma_start3A_656 = tpu.memref_slice %arg2[%mul3A_580] : memref<819200xi32, #tpu.memory_space<hbm>> -> memref<800xi32, #tpu.memory_space<hbm>>
          tpu.enqueue_dma source(%dma_start3A_656 : memref<800xi32, #tpu.memory_space<hbm>>) target(%arg13 : memref<800xi32, #tpu.memory_space<vmem>>) target_semaphore(%run_scoped3A : memref<!tpu.dma_semaphore, #tpu.memory_space<semaphore_mem>>)
          %dma_wait3A_657 = tpu.memref_slice %arg2[%mul3A_580] : memref<819200xi32, #tpu.memory_space<hbm>> -> memref<800xi32, #tpu.memory_space<hbm>>
          %dma_wait3A_658 = tpu.memref_slice %arg2[%mul3A_580] : memref<819200xi32, #tpu.memory_space<hbm>> -> memref<800xi32, #tpu.memory_space<hbm>>
          tpu.wait_dma2 semaphore(%run_scoped3A : memref<!tpu.dma_semaphore, #tpu.memory_space<semaphore_mem>>) src(%dma_wait3A_658 : memref<800xi32, #tpu.memory_space<hbm>>) dst(%arg13 : memref<800xi32, #tpu.memory_space<vmem>>)
          tpu.yield
        }) : () -> ()
        %mul3A_581 = arith.constant 50 : i32
        %mul3A_582 = arith.muli %add3A_576, %mul3A_581 : i32
        "tpu.region"() ({
          %run_scoped3A = tpu.sem_alloc : memref<!tpu.dma_semaphore, #tpu.memory_space<semaphore_mem>>
          %dma_start3A_655 = tpu.memref_slice %arg3[%mul3A_582] : memref<204800xi32, #tpu.memory_space<hbm>> -> memref<200xi32, #tpu.memory_space<hbm>>
          %dma_start3A_656 = tpu.memref_slice %arg3[%mul3A_582] : memref<204800xi32, #tpu.memory_space<hbm>> -> memref<200xi32, #tpu.memory_space<hbm>>
          tpu.enqueue_dma source(%dma_start3A_656 : memref<200xi32, #tpu.memory_space<hbm>>) target(%arg15 : memref<200xi32, #tpu.memory_space<vmem>>) target_semaphore(%run_scoped3A : memref<!tpu.dma_semaphore, #tpu.memory_space<semaphore_mem>>)
          %dma_wait3A_657 = tpu.memref_slice %arg3[%mul3A_582] : memref<204800xi32, #tpu.memory_space<hbm>> -> memref<200xi32, #tpu.memory_space<hbm>>
          %dma_wait3A_658 = tpu.memref_slice %arg3[%mul3A_582] : memref<204800xi32, #tpu.memory_space<hbm>> -> memref<200xi32, #tpu.memory_space<hbm>>
          tpu.wait_dma2 semaphore(%run_scoped3A : memref<!tpu.dma_semaphore, #tpu.memory_space<semaphore_mem>>) src(%dma_wait3A_658 : memref<200xi32, #tpu.memory_space<hbm>>) dst(%arg15 : memref<200xi32, #tpu.memory_space<vmem>>)
          tpu.yield
        }) : () -> ()
        %dma_start3A_583 = arith.constant 0 : i32
        %dma_start3A_584 = arith.constant 0 : i32
        %dma_start3A_585 = tpu.memref_slice %arg20[%dma_start3A_583, %dma_start3A_584] : memref<800x32xf32, #tpu.memory_space<vmem>> -> memref<128x32xf32, #tpu.memory_space<vmem>>
        %dma_start3A_586 = arith.constant 0 : i32
        %dma_start3A_587 = tpu.memref_slice %arg13[%dma_start3A_586] : memref<800xi32, #tpu.memory_space<vmem>> -> memref<128xi32, #tpu.memory_space<vmem>>
        %dma_start3A_588 = arith.constant 0 : i32
        %dma_start3A_589 = arith.constant 0 : i32
        %dma_start3A_590 = tpu.memref_slice %arg7[%dma_start3A_588, %dma_start3A_589] : memref<100000x32xf32, #tpu.memory_space<hbm>> -> memref<100000x32xf32, #tpu.memory_space<hbm>>
        tpu.enqueue_indirect_dma source(%dma_start3A_590 : memref<100000x32xf32, #tpu.memory_space<hbm>>) target(%dma_start3A_585 : memref<128x32xf32, #tpu.memory_space<vmem>>) offsets(%dma_start3A_587 : memref<128xi32, #tpu.memory_space<vmem>>) semaphore(%arg31 : memref<!tpu.dma_semaphore, #tpu.memory_space<semaphore_mem>>)
        %dma_start3A_591 = arith.constant 128 : i32
        %dma_start3A_592 = arith.constant 0 : i32
        %dma_start3A_593 = tpu.memref_slice %arg20[%dma_start3A_591, %dma_start3A_592] : memref<800x32xf32, #tpu.memory_space<vmem>> -> memref<128x32xf32, #tpu.memory_space<vmem>>
        %dma_start3A_594 = arith.constant 128 : i32
        %dma_start3A_595 = tpu.memref_slice %arg13[%dma_start3A_594] : memref<800xi32, #tpu.memory_space<vmem>> -> memref<128xi32, #tpu.memory_space<vmem>>
        %dma_start3A_596 = arith.constant 0 : i32
        %dma_start3A_597 = arith.constant 0 : i32
        %dma_start3A_598 = tpu.memref_slice %arg7[%dma_start3A_596, %dma_start3A_597] : memref<100000x32xf32, #tpu.memory_space<hbm>> -> memref<100000x32xf32, #tpu.memory_space<hbm>>
        tpu.enqueue_indirect_dma source(%dma_start3A_598 : memref<100000x32xf32, #tpu.memory_space<hbm>>) target(%dma_start3A_593 : memref<128x32xf32, #tpu.memory_space<vmem>>) offsets(%dma_start3A_595 : memref<128xi32, #tpu.memory_space<vmem>>) semaphore(%arg31 : memref<!tpu.dma_semaphore, #tpu.memory_space<semaphore_mem>>)
        %dma_start3A_599 = arith.constant 256 : i32
        %dma_start3A_600 = arith.constant 0 : i32
        %dma_start3A_601 = tpu.memref_slice %arg20[%dma_start3A_599, %dma_start3A_600] : memref<800x32xf32, #tpu.memory_space<vmem>> -> memref<128x32xf32, #tpu.memory_space<vmem>>
        %dma_start3A_602 = arith.constant 256 : i32
        %dma_start3A_603 = tpu.memref_slice %arg13[%dma_start3A_602] : memref<800xi32, #tpu.memory_space<vmem>> -> memref<128xi32, #tpu.memory_space<vmem>>
        %dma_start3A_604 = arith.constant 0 : i32
        %dma_start3A_605 = arith.constant 0 : i32
        %dma_start3A_606 = tpu.memref_slice %arg7[%dma_start3A_604, %dma_start3A_605] : memref<100000x32xf32, #tpu.memory_space<hbm>> -> memref<100000x32xf32, #tpu.memory_space<hbm>>
        tpu.enqueue_indirect_dma source(%dma_start3A_606 : memref<100000x32xf32, #tpu.memory_space<hbm>>) target(%dma_start3A_601 : memref<128x32xf32, #tpu.memory_space<vmem>>) offsets(%dma_start3A_603 : memref<128xi32, #tpu.memory_space<vmem>>) semaphore(%arg31 : memref<!tpu.dma_semaphore, #tpu.memory_space<semaphore_mem>>)
        %dma_start3A_607 = arith.constant 384 : i32
        %dma_start3A_608 = arith.constant 0 : i32
        %dma_start3A_609 = tpu.memref_slice %arg20[%dma_start3A_607, %dma_start3A_608] : memref<800x32xf32, #tpu.memory_space<vmem>> -> memref<128x32xf32, #tpu.memory_space<vmem>>
        %dma_start3A_610 = arith.constant 384 : i32
        %dma_start3A_611 = tpu.memref_slice %arg13[%dma_start3A_610] : memref<800xi32, #tpu.memory_space<vmem>> -> memref<128xi32, #tpu.memory_space<vmem>>
        %dma_start3A_612 = arith.constant 0 : i32
        %dma_start3A_613 = arith.constant 0 : i32
        %dma_start3A_614 = tpu.memref_slice %arg7[%dma_start3A_612, %dma_start3A_613] : memref<100000x32xf32, #tpu.memory_space<hbm>> -> memref<100000x32xf32, #tpu.memory_space<hbm>>
        tpu.enqueue_indirect_dma source(%dma_start3A_614 : memref<100000x32xf32, #tpu.memory_space<hbm>>) target(%dma_start3A_609 : memref<128x32xf32, #tpu.memory_space<vmem>>) offsets(%dma_start3A_611 : memref<128xi32, #tpu.memory_space<vmem>>) semaphore(%arg31 : memref<!tpu.dma_semaphore, #tpu.memory_space<semaphore_mem>>)
        %dma_start3A_615 = arith.constant 512 : i32
        %dma_start3A_616 = arith.constant 0 : i32
        %dma_start3A_617 = tpu.memref_slice %arg20[%dma_start3A_615, %dma_start3A_616] : memref<800x32xf32, #tpu.memory_space<vmem>> -> memref<128x32xf32, #tpu.memory_space<vmem>>
        %dma_start3A_618 = arith.constant 512 : i32
        %dma_start3A_619 = tpu.memref_slice %arg13[%dma_start3A_618] : memref<800xi32, #tpu.memory_space<vmem>> -> memref<128xi32, #tpu.memory_space<vmem>>
        %dma_start3A_620 = arith.constant 0 : i32
        %dma_start3A_621 = arith.constant 0 : i32
        %dma_start3A_622 = tpu.memref_slice %arg7[%dma_start3A_620, %dma_start3A_621] : memref<100000x32xf32, #tpu.memory_space<hbm>> -> memref<100000x32xf32, #tpu.memory_space<hbm>>
        tpu.enqueue_indirect_dma source(%dma_start3A_622 : memref<100000x32xf32, #tpu.memory_space<hbm>>) target(%dma_start3A_617 : memref<128x32xf32, #tpu.memory_space<vmem>>) offsets(%dma_start3A_619 : memref<128xi32, #tpu.memory_space<vmem>>) semaphore(%arg31 : memref<!tpu.dma_semaphore, #tpu.memory_space<semaphore_mem>>)
        %dma_start3A_623 = arith.constant 640 : i32
        %dma_start3A_624 = arith.constant 0 : i32
        %dma_start3A_625 = tpu.memref_slice %arg20[%dma_start3A_623, %dma_start3A_624] : memref<800x32xf32, #tpu.memory_space<vmem>> -> memref<128x32xf32, #tpu.memory_space<vmem>>
        %dma_start3A_626 = arith.constant 640 : i32
        %dma_start3A_627 = tpu.memref_slice %arg13[%dma_start3A_626] : memref<800xi32, #tpu.memory_space<vmem>> -> memref<128xi32, #tpu.memory_space<vmem>>
        %dma_start3A_628 = arith.constant 0 : i32
        %dma_start3A_629 = arith.constant 0 : i32
        %dma_start3A_630 = tpu.memref_slice %arg7[%dma_start3A_628, %dma_start3A_629] : memref<100000x32xf32, #tpu.memory_space<hbm>> -> memref<100000x32xf32, #tpu.memory_space<hbm>>
        tpu.enqueue_indirect_dma source(%dma_start3A_630 : memref<100000x32xf32, #tpu.memory_space<hbm>>) target(%dma_start3A_625 : memref<128x32xf32, #tpu.memory_space<vmem>>) offsets(%dma_start3A_627 : memref<128xi32, #tpu.memory_space<vmem>>) semaphore(%arg31 : memref<!tpu.dma_semaphore, #tpu.memory_space<semaphore_mem>>)
        %dma_start3A_631 = arith.constant 768 : i32
        %dma_start3A_632 = arith.constant 0 : i32
        %dma_start3A_633 = tpu.memref_slice %arg20[%dma_start3A_631, %dma_start3A_632] : memref<800x32xf32, #tpu.memory_space<vmem>> -> memref<32x32xf32, #tpu.memory_space<vmem>>
        %dma_start3A_634 = arith.constant 768 : i32
        %dma_start3A_635 = tpu.memref_slice %arg13[%dma_start3A_634] : memref<800xi32, #tpu.memory_space<vmem>> -> memref<32xi32, #tpu.memory_space<vmem>>
        %dma_start3A_636 = arith.constant 0 : i32
        %dma_start3A_637 = arith.constant 0 : i32
        %dma_start3A_638 = tpu.memref_slice %arg7[%dma_start3A_636, %dma_start3A_637] : memref<100000x32xf32, #tpu.memory_space<hbm>> -> memref<100000x32xf32, #tpu.memory_space<hbm>>
        tpu.enqueue_indirect_dma source(%dma_start3A_638 : memref<100000x32xf32, #tpu.memory_space<hbm>>) target(%dma_start3A_633 : memref<32x32xf32, #tpu.memory_space<vmem>>) offsets(%dma_start3A_635 : memref<32xi32, #tpu.memory_space<vmem>>) semaphore(%arg31 : memref<!tpu.dma_semaphore, #tpu.memory_space<semaphore_mem>>)
        %dma_start3A_639 = arith.constant 0 : i32
        %dma_start3A_640 = arith.constant 0 : i32
        %dma_start3A_641 = tpu.memref_slice %arg22[%dma_start3A_639, %dma_start3A_640] : memref<200x32xf32, #tpu.memory_space<vmem>> -> memref<128x32xf32, #tpu.memory_space<vmem>>
        %dma_start3A_642 = arith.constant 0 : i32
        %dma_start3A_643 = tpu.memref_slice %arg15[%dma_start3A_642] : memref<200xi32, #tpu.memory_space<vmem>> -> memref<128xi32, #tpu.memory_space<vmem>>
        %dma_start3A_644 = arith.constant 0 : i32
        %dma_start3A_645 = arith.constant 0 : i32
        %dma_start3A_646 = tpu.memref_slice %arg8[%dma_start3A_644, %dma_start3A_645] : memref<1000000x32xf32, #tpu.memory_space<hbm>> -> memref<1000000x32xf32, #tpu.memory_space<hbm>>
        tpu.enqueue_indirect_dma source(%dma_start3A_646 : memref<1000000x32xf32, #tpu.memory_space<hbm>>) target(%dma_start3A_641 : memref<128x32xf32, #tpu.memory_space<vmem>>) offsets(%dma_start3A_643 : memref<128xi32, #tpu.memory_space<vmem>>) semaphore(%arg31 : memref<!tpu.dma_semaphore, #tpu.memory_space<semaphore_mem>>)
        %dma_start3A_647 = arith.constant 128 : i32
        %dma_start3A_648 = arith.constant 0 : i32
        %dma_start3A_649 = tpu.memref_slice %arg22[%dma_start3A_647, %dma_start3A_648] : memref<200x32xf32, #tpu.memory_space<vmem>> -> memref<72x32xf32, #tpu.memory_space<vmem>>
        %dma_start3A_650 = arith.constant 128 : i32
        %dma_start3A_651 = tpu.memref_slice %arg15[%dma_start3A_650] : memref<200xi32, #tpu.memory_space<vmem>> -> memref<72xi32, #tpu.memory_space<vmem>>
        %dma_start3A_652 = arith.constant 0 : i32
        %dma_start3A_653 = arith.constant 0 : i32
        %dma_start3A_654 = tpu.memref_slice %arg8[%dma_start3A_652, %dma_start3A_653] : memref<1000000x32xf32, #tpu.memory_space<hbm>> -> memref<1000000x32xf32, #tpu.memory_space<hbm>>
        tpu.enqueue_indirect_dma source(%dma_start3A_654 : memref<1000000x32xf32, #tpu.memory_space<hbm>>) target(%dma_start3A_649 : memref<72x32xf32, #tpu.memory_space<vmem>>) offsets(%dma_start3A_651 : memref<72xi32, #tpu.memory_space<vmem>>) semaphore(%arg31 : memref<!tpu.dma_semaphore, #tpu.memory_space<semaphore_mem>>)
      } else {
      }
      %gt3A_406 = arith.constant 0 : i32
      %gt3A_407 = arith.cmpi sgt, %scan3A_257, %gt3A_406 : i32
      %convert_element_type3A_408 = arith.extui %gt3A_407 : i1 to i32
      %cond3A_409 = arith.constant 0 : i32
      %cond3A_410 = arith.cmpi ne, %convert_element_type3A_408, %cond3A_409 : i32
      scf.if %cond3A_410 {
        %dma_wait3A_570 = arith.constant 0 : i32
        %dma_wait3A_571 = arith.constant 0 : i32
        %dma_wait3A_572 = tpu.memref_slice %arg11[%mul3A_2, %dma_wait3A_570, %dma_wait3A_571] : memref<4096x50x64xf32, #tpu.memory_space<hbm>> -> memref<4x50x64xf32, #tpu.memory_space<hbm>>
        %dma_wait3A_573 = arith.constant 0 : i32
        %dma_wait3A_574 = arith.constant 0 : i32
        %dma_wait3A_575 = tpu.memref_slice %arg11[%mul3A_2, %dma_wait3A_573, %dma_wait3A_574] : memref<4096x50x64xf32, #tpu.memory_space<hbm>> -> memref<4x50x64xf32, #tpu.memory_space<hbm>>
        tpu.wait_dma2 semaphore(%arg34 : memref<!tpu.dma_semaphore, #tpu.memory_space<semaphore_mem>>) src(%arg25 : memref<4x50x64xf32, #tpu.memory_space<vmem>>) dst(%dma_wait3A_575 : memref<4x50x64xf32, #tpu.memory_space<hbm>>)
      } else {
      }
      %dma_wait3A_411 = arith.constant 0 : i32
      %dma_wait3A_412 = arith.constant 0 : i32
      %dma_wait3A_413 = tpu.memref_slice %arg7[%dma_wait3A_411, %dma_wait3A_412] : memref<100000x32xf32, #tpu.memory_space<hbm>> -> memref<800x32xf32, #tpu.memory_space<hbm>>
      %dma_wait3A_414 = arith.constant 0 : i32
      %dma_wait3A_415 = arith.constant 0 : i32
      %dma_wait3A_416 = tpu.memref_slice %arg7[%dma_wait3A_414, %dma_wait3A_415] : memref<100000x32xf32, #tpu.memory_space<hbm>> -> memref<800x32xf32, #tpu.memory_space<hbm>>
      tpu.wait_dma2 semaphore(%arg32 : memref<!tpu.dma_semaphore, #tpu.memory_space<semaphore_mem>>) src(%dma_wait3A_416 : memref<800x32xf32, #tpu.memory_space<hbm>>) dst(%arg21 : memref<800x32xf32, #tpu.memory_space<vmem>>)
      %dma_wait3A_417 = arith.constant 0 : i32
      %dma_wait3A_418 = arith.constant 0 : i32
      %dma_wait3A_419 = tpu.memref_slice %arg8[%dma_wait3A_417, %dma_wait3A_418] : memref<1000000x32xf32, #tpu.memory_space<hbm>> -> memref<200x32xf32, #tpu.memory_space<hbm>>
      %dma_wait3A_420 = arith.constant 0 : i32
      %dma_wait3A_421 = arith.constant 0 : i32
      %dma_wait3A_422 = tpu.memref_slice %arg8[%dma_wait3A_420, %dma_wait3A_421] : memref<1000000x32xf32, #tpu.memory_space<hbm>> -> memref<200x32xf32, #tpu.memory_space<hbm>>
      tpu.wait_dma2 semaphore(%arg32 : memref<!tpu.dma_semaphore, #tpu.memory_space<semaphore_mem>>) src(%dma_wait3A_422 : memref<200x32xf32, #tpu.memory_space<hbm>>) dst(%arg23 : memref<200x32xf32, #tpu.memory_space<vmem>>)
      %mul3A_423 = arith.constant 2 : i32
      %mul3A_424 = arith.muli %mul3A_423, %scan3A_257 : i32
      %add3A_425 = arith.constant 1 : i32
      %add3A_426 = arith.addi %mul3A_424, %add3A_425 : i32
      %scan3A_427 = arith.constant 0 : i32
      %scan3A_428 = arith.constant 50 : i32
      %scan3A_429 = arith.addi %scan3A_427, %scan3A_428 : i32
      %scan3A_430 = arith.constant 1 : i32
      %scan3A_431:4 = scf.for %scan3A_570 = %scan3A_427 to %scan3A_429 step %scan3A_430 iter_args(%scan3A_571 = %broadcast_in_dim3A_3, %scan3A_572 = %broadcast_in_dim3A_3, %scan3A_573 = %broadcast_in_dim3A_3, %scan3A_574 = %broadcast_in_dim3A_3) -> (vector<16xf32>, vector<16xf32>, vector<16xf32>, vector<16xf32>)  : i32 {
        %add3A_575 = arith.constant 0 : i32
        %add3A_576 = arith.addi %add3A_575, %scan3A_570 : i32
        %mul3A_577 = arith.constant 4 : i32
        %mul3A_578 = arith.muli %mul3A_577, %add3A_576 : i32
        %get3A = arith.index_cast %mul3A_578 : i32 to index
        %get3A_579 = arith.constant 0 : index
        %get3A_580 = tpu.vector_load %arg21[%get3A, %get3A_579] {strides = array<i32>} : memref<800x32xf32, #tpu.memory_space<vmem>>, vector<1x16xf32>,
        %get3A_581 = vector.shape_cast %get3A_580 : vector<1x16xf32> to vector<16xf32>
        %mul3A_582 = arith.constant 4 : i32
        %mul3A_583 = arith.muli %mul3A_582, %add3A_576 : i32
        %add3A_584 = arith.constant 1 : i32
        %add3A_585 = arith.addi %mul3A_583, %add3A_584 : i32
        %get3A_586 = arith.index_cast %add3A_585 : i32 to index
        %get3A_587 = arith.constant 0 : index
        %get3A_588 = tpu.vector_load %arg21[%get3A_586, %get3A_587] {strides = array<i32>} : memref<800x32xf32, #tpu.memory_space<vmem>>, vector<1x16xf32>,
        %get3A_589 = vector.shape_cast %get3A_588 : vector<1x16xf32> to vector<16xf32>
        %add3A_590 = arith.addf %get3A_581, %get3A_589 : vector<16xf32>
        %mul3A_591 = arith.constant 4 : i32
        %mul3A_592 = arith.muli %mul3A_591, %add3A_576 : i32
        %add3A_593 = arith.constant 2 : i32
        %add3A_594 = arith.addi %mul3A_592, %add3A_593 : i32
        %get3A_595 = arith.index_cast %add3A_594 : i32 to index
        %get3A_596 = arith.constant 0 : index
        %get3A_597 = tpu.vector_load %arg21[%get3A_595, %get3A_596] {strides = array<i32>} : memref<800x32xf32, #tpu.memory_space<vmem>>, vector<1x16xf32>,
        %get3A_598 = vector.shape_cast %get3A_597 : vector<1x16xf32> to vector<16xf32>
        %add3A_599 = arith.addf %add3A_590, %get3A_598 : vector<16xf32>
        %mul3A_600 = arith.constant 4 : i32
        %mul3A_601 = arith.muli %mul3A_600, %add3A_576 : i32
        %add3A_602 = arith.constant 3 : i32
        %add3A_603 = arith.addi %mul3A_601, %add3A_602 : i32
        %get3A_604 = arith.index_cast %add3A_603 : i32 to index
        %get3A_605 = arith.constant 0 : index
        %get3A_606 = tpu.vector_load %arg21[%get3A_604, %get3A_605] {strides = array<i32>} : memref<800x32xf32, #tpu.memory_space<vmem>>, vector<1x16xf32>,
        %get3A_607 = vector.shape_cast %get3A_606 : vector<1x16xf32> to vector<16xf32>
        %add3A_608 = arith.addf %add3A_599, %get3A_607 : vector<16xf32>
        %mul3A_609 = arith.constant 4 : i32
        %mul3A_610 = arith.muli %mul3A_609, %add3A_576 : i32
        %get3A_611 = arith.index_cast %mul3A_610 : i32 to index
        %get3A_612 = arith.constant 16 : index
        %get3A_613 = tpu.vector_load %arg21[%get3A_611, %get3A_612] {strides = array<i32>} : memref<800x32xf32, #tpu.memory_space<vmem>>, vector<1x16xf32>,
        %get3A_614 = vector.shape_cast %get3A_613 : vector<1x16xf32> to vector<16xf32>
        %mul3A_615 = arith.constant 4 : i32
        %mul3A_616 = arith.muli %mul3A_615, %add3A_576 : i32
        %add3A_617 = arith.constant 1 : i32
        %add3A_618 = arith.addi %mul3A_616, %add3A_617 : i32
        %get3A_619 = arith.index_cast %add3A_618 : i32 to index
        %get3A_620 = arith.constant 16 : index
        %get3A_621 = tpu.vector_load %arg21[%get3A_619, %get3A_620] {strides = array<i32>} : memref<800x32xf32, #tpu.memory_space<vmem>>, vector<1x16xf32>,
        %get3A_622 = vector.shape_cast %get3A_621 : vector<1x16xf32> to vector<16xf32>
        %add3A_623 = arith.addf %get3A_614, %get3A_622 : vector<16xf32>
        %mul3A_624 = arith.constant 4 : i32
        %mul3A_625 = arith.muli %mul3A_624, %add3A_576 : i32
        %add3A_626 = arith.constant 2 : i32
        %add3A_627 = arith.addi %mul3A_625, %add3A_626 : i32
        %get3A_628 = arith.index_cast %add3A_627 : i32 to index
        %get3A_629 = arith.constant 16 : index
        %get3A_630 = tpu.vector_load %arg21[%get3A_628, %get3A_629] {strides = array<i32>} : memref<800x32xf32, #tpu.memory_space<vmem>>, vector<1x16xf32>,
        %get3A_631 = vector.shape_cast %get3A_630 : vector<1x16xf32> to vector<16xf32>
        %add3A_632 = arith.addf %add3A_623, %get3A_631 : vector<16xf32>
        %mul3A_633 = arith.constant 4 : i32
        %mul3A_634 = arith.muli %mul3A_633, %add3A_576 : i32
        %add3A_635 = arith.constant 3 : i32
        %add3A_636 = arith.addi %mul3A_634, %add3A_635 : i32
        %get3A_637 = arith.index_cast %add3A_636 : i32 to index
        %get3A_638 = arith.constant 16 : index
        %get3A_639 = tpu.vector_load %arg21[%get3A_637, %get3A_638] {strides = array<i32>} : memref<800x32xf32, #tpu.memory_space<vmem>>, vector<1x16xf32>,
        %get3A_640 = vector.shape_cast %get3A_639 : vector<1x16xf32> to vector<16xf32>
        %add3A_641 = arith.addf %add3A_632, %get3A_640 : vector<16xf32>
        %get3A_642 = arith.index_cast %add3A_576 : i32 to index
        %get3A_643 = arith.constant 0 : index
        %get3A_644 = tpu.vector_load %arg23[%get3A_642, %get3A_643] {strides = array<i32>} : memref<200x32xf32, #tpu.memory_space<vmem>>, vector<1x16xf32>,
        %get3A_645 = vector.shape_cast %get3A_644 : vector<1x16xf32> to vector<16xf32>
        %get3A_646 = arith.index_cast %add3A_576 : i32 to index
        %get3A_647 = arith.constant 16 : index
        %get3A_648 = tpu.vector_load %arg23[%get3A_646, %get3A_647] {strides = array<i32>} : memref<200x32xf32, #tpu.memory_space<vmem>>, vector<1x16xf32>,
        %get3A_649 = vector.shape_cast %get3A_648 : vector<1x16xf32> to vector<16xf32>
        %swap3A_650 = arith.constant 0 : i32
        %swap3A_651 = arith.index_cast %swap3A_650 : i32 to index
        %swap3A_652 = arith.index_cast %scan3A_570 : i32 to index
        %swap3A_653 = arith.constant 0 : index
        %swap3A_654 = tpu.vector_load %arg25[%swap3A_651, %swap3A_652, %swap3A_653] {strides = array<i32>} : memref<4x50x64xf32, #tpu.memory_space<vmem>>, vector<1x1x16xf32>,
        %swap3A_655 = vector.shape_cast %swap3A_654 : vector<1x1x16xf32> to vector<16xf32>
        %swap3A_656 = vector.shape_cast %add3A_608 : vector<16xf32> to vector<1x1x16xf32>
        tpu.vector_store %arg25[%swap3A_651, %swap3A_652, %swap3A_653], %swap3A_656 {strides = array<i32>} : memref<4x50x64xf32, #tpu.memory_space<vmem>>, vector<1x1x16xf32>,
        %swap3A_657 = arith.constant 0 : i32
        %swap3A_658 = arith.index_cast %swap3A_657 : i32 to index
        %swap3A_659 = arith.index_cast %scan3A_570 : i32 to index
        %swap3A_660 = arith.constant 16 : index
        %swap3A_661 = tpu.vector_load %arg25[%swap3A_658, %swap3A_659, %swap3A_660] {strides = array<i32>} : memref<4x50x64xf32, #tpu.memory_space<vmem>>, vector<1x1x16xf32>,
        %swap3A_662 = vector.shape_cast %swap3A_661 : vector<1x1x16xf32> to vector<16xf32>
        %swap3A_663 = vector.shape_cast %add3A_641 : vector<16xf32> to vector<1x1x16xf32>
        tpu.vector_store %arg25[%swap3A_658, %swap3A_659, %swap3A_660], %swap3A_663 {strides = array<i32>} : memref<4x50x64xf32, #tpu.memory_space<vmem>>, vector<1x1x16xf32>,
        %swap3A_664 = arith.constant 0 : i32
        %swap3A_665 = arith.index_cast %swap3A_664 : i32 to index
        %swap3A_666 = arith.index_cast %scan3A_570 : i32 to index
        %swap3A_667 = arith.constant 32 : index
        %swap3A_668 = tpu.vector_load %arg25[%swap3A_665, %swap3A_666, %swap3A_667] {strides = array<i32>} : memref<4x50x64xf32, #tpu.memory_space<vmem>>, vector<1x1x16xf32>,
        %swap3A_669 = vector.shape_cast %swap3A_668 : vector<1x1x16xf32> to vector<16xf32>
        %swap3A_670 = vector.shape_cast %get3A_645 : vector<16xf32> to vector<1x1x16xf32>
        tpu.vector_store %arg25[%swap3A_665, %swap3A_666, %swap3A_667], %swap3A_670 {strides = array<i32>} : memref<4x50x64xf32, #tpu.memory_space<vmem>>, vector<1x1x16xf32>,
        %swap3A_671 = arith.constant 0 : i32
        %swap3A_672 = arith.index_cast %swap3A_671 : i32 to index
        %swap3A_673 = arith.index_cast %scan3A_570 : i32 to index
        %swap3A_674 = arith.constant 48 : index
        %swap3A_675 = tpu.vector_load %arg25[%swap3A_672, %swap3A_673, %swap3A_674] {strides = array<i32>} : memref<4x50x64xf32, #tpu.memory_space<vmem>>, vector<1x1x16xf32>,
        %swap3A_676 = vector.shape_cast %swap3A_675 : vector<1x1x16xf32> to vector<16xf32>
        %swap3A_677 = vector.shape_cast %get3A_649 : vector<16xf32> to vector<1x1x16xf32>
        tpu.vector_store %arg25[%swap3A_672, %swap3A_673, %swap3A_674], %swap3A_677 {strides = array<i32>} : memref<4x50x64xf32, #tpu.memory_space<vmem>>, vector<1x1x16xf32>,
        %add3A_678 = arith.addf %scan3A_571, %add3A_608 : vector<16xf32>
        %add3A_679 = arith.addf %scan3A_572, %add3A_641 : vector<16xf32>
        %add3A_680 = arith.addf %scan3A_573, %get3A_645 : vector<16xf32>
        %add3A_681 = arith.addf %scan3A_574, %get3A_649 : vector<16xf32>
        scf.yield %add3A_678, %add3A_679, %add3A_680, %add3A_681 : vector<16xf32>, vector<16xf32>, vector<16xf32>, vector<16xf32>
      }
      %scan3A_432 = arith.constant 50 : i32
      %swap3A_433 = arith.constant 4 : i32
      %swap3A_434 = arith.index_cast %swap3A_433 : i32 to index
      %swap3A_435 = arith.constant 0 : index
      %swap3A_436 = tpu.vector_load %arg26[%swap3A_434, %swap3A_435] {strides = array<i32>} : memref<8x64xf32, #tpu.memory_space<vmem>>, vector<1x16xf32>,
      %swap3A_437 = vector.shape_cast %swap3A_436 : vector<1x16xf32> to vector<16xf32>
      %swap3A_438 = vector.shape_cast %scan3A_431#0 : vector<16xf32> to vector<1x16xf32>
      tpu.vector_store %arg26[%swap3A_434, %swap3A_435], %swap3A_438 {strides = array<i32>} : memref<8x64xf32, #tpu.memory_space<vmem>>, vector<1x16xf32>,
      %swap3A_439 = arith.constant 4 : i32
      %swap3A_440 = arith.index_cast %swap3A_439 : i32 to index
      %swap3A_441 = arith.constant 16 : index
      %swap3A_442 = tpu.vector_load %arg26[%swap3A_440, %swap3A_441] {strides = array<i32>} : memref<8x64xf32, #tpu.memory_space<vmem>>, vector<1x16xf32>,
      %swap3A_443 = vector.shape_cast %swap3A_442 : vector<1x16xf32> to vector<16xf32>
      %swap3A_444 = vector.shape_cast %scan3A_431#1 : vector<16xf32> to vector<1x16xf32>
      tpu.vector_store %arg26[%swap3A_440, %swap3A_441], %swap3A_444 {strides = array<i32>} : memref<8x64xf32, #tpu.memory_space<vmem>>, vector<1x16xf32>,
      %swap3A_445 = arith.constant 4 : i32
      %swap3A_446 = arith.index_cast %swap3A_445 : i32 to index
      %swap3A_447 = arith.constant 32 : index
      %swap3A_448 = tpu.vector_load %arg26[%swap3A_446, %swap3A_447] {strides = array<i32>} : memref<8x64xf32, #tpu.memory_space<vmem>>, vector<1x16xf32>,
      %swap3A_449 = vector.shape_cast %swap3A_448 : vector<1x16xf32> to vector<16xf32>
      %swap3A_450 = vector.shape_cast %scan3A_431#2 : vector<16xf32> to vector<1x16xf32>
      tpu.vector_store %arg26[%swap3A_446, %swap3A_447], %swap3A_450 {strides = array<i32>} : memref<8x64xf32, #tpu.memory_space<vmem>>, vector<1x16xf32>,
      %swap3A_451 = arith.constant 4 : i32
      %swap3A_452 = arith.index_cast %swap3A_451 : i32 to index
      %swap3A_453 = arith.constant 48 : index
      %swap3A_454 = tpu.vector_load %arg26[%swap3A_452, %swap3A_453] {strides = array<i32>} : memref<8x64xf32, #tpu.memory_space<vmem>>, vector<1x16xf32>,
      %swap3A_455 = vector.shape_cast %swap3A_454 : vector<1x16xf32> to vector<16xf32>
      %swap3A_456 = vector.shape_cast %scan3A_431#3 : vector<16xf32> to vector<1x16xf32>
      tpu.vector_store %arg26[%swap3A_452, %swap3A_453], %swap3A_456 {strides = array<i32>} : memref<8x64xf32, #tpu.memory_space<vmem>>, vector<1x16xf32>,
      %scan3A_457 = arith.constant 0 : i32
      %scan3A_458 = arith.constant 50 : i32
      %scan3A_459 = arith.addi %scan3A_457, %scan3A_458 : i32
      %scan3A_460 = arith.constant 1 : i32
      %scan3A_461:4 = scf.for %scan3A_570 = %scan3A_457 to %scan3A_459 step %scan3A_460 iter_args(%scan3A_571 = %broadcast_in_dim3A_3, %scan3A_572 = %broadcast_in_dim3A_3, %scan3A_573 = %broadcast_in_dim3A_3, %scan3A_574 = %broadcast_in_dim3A_3) -> (vector<16xf32>, vector<16xf32>, vector<16xf32>, vector<16xf32>)  : i32 {
        %add3A_575 = arith.constant 50 : i32
        %add3A_576 = arith.addi %add3A_575, %scan3A_570 : i32
        %mul3A_577 = arith.constant 4 : i32
        %mul3A_578 = arith.muli %mul3A_577, %add3A_576 : i32
        %get3A = arith.index_cast %mul3A_578 : i32 to index
        %get3A_579 = arith.constant 0 : index
        %get3A_580 = tpu.vector_load %arg21[%get3A, %get3A_579] {strides = array<i32>} : memref<800x32xf32, #tpu.memory_space<vmem>>, vector<1x16xf32>,
        %get3A_581 = vector.shape_cast %get3A_580 : vector<1x16xf32> to vector<16xf32>
        %mul3A_582 = arith.constant 4 : i32
        %mul3A_583 = arith.muli %mul3A_582, %add3A_576 : i32
        %add3A_584 = arith.constant 1 : i32
        %add3A_585 = arith.addi %mul3A_583, %add3A_584 : i32
        %get3A_586 = arith.index_cast %add3A_585 : i32 to index
        %get3A_587 = arith.constant 0 : index
        %get3A_588 = tpu.vector_load %arg21[%get3A_586, %get3A_587] {strides = array<i32>} : memref<800x32xf32, #tpu.memory_space<vmem>>, vector<1x16xf32>,
        %get3A_589 = vector.shape_cast %get3A_588 : vector<1x16xf32> to vector<16xf32>
        %add3A_590 = arith.addf %get3A_581, %get3A_589 : vector<16xf32>
        %mul3A_591 = arith.constant 4 : i32
        %mul3A_592 = arith.muli %mul3A_591, %add3A_576 : i32
        %add3A_593 = arith.constant 2 : i32
        %add3A_594 = arith.addi %mul3A_592, %add3A_593 : i32
        %get3A_595 = arith.index_cast %add3A_594 : i32 to index
        %get3A_596 = arith.constant 0 : index
        %get3A_597 = tpu.vector_load %arg21[%get3A_595, %get3A_596] {strides = array<i32>} : memref<800x32xf32, #tpu.memory_space<vmem>>, vector<1x16xf32>,
        %get3A_598 = vector.shape_cast %get3A_597 : vector<1x16xf32> to vector<16xf32>
        %add3A_599 = arith.addf %add3A_590, %get3A_598 : vector<16xf32>
        %mul3A_600 = arith.constant 4 : i32
        %mul3A_601 = arith.muli %mul3A_600, %add3A_576 : i32
        %add3A_602 = arith.constant 3 : i32
        %add3A_603 = arith.addi %mul3A_601, %add3A_602 : i32
        %get3A_604 = arith.index_cast %add3A_603 : i32 to index
        %get3A_605 = arith.constant 0 : index
        %get3A_606 = tpu.vector_load %arg21[%get3A_604, %get3A_605] {strides = array<i32>} : memref<800x32xf32, #tpu.memory_space<vmem>>, vector<1x16xf32>,
        %get3A_607 = vector.shape_cast %get3A_606 : vector<1x16xf32> to vector<16xf32>
        %add3A_608 = arith.addf %add3A_599, %get3A_607 : vector<16xf32>
        %mul3A_609 = arith.constant 4 : i32
        %mul3A_610 = arith.muli %mul3A_609, %add3A_576 : i32
        %get3A_611 = arith.index_cast %mul3A_610 : i32 to index
        %get3A_612 = arith.constant 16 : index
        %get3A_613 = tpu.vector_load %arg21[%get3A_611, %get3A_612] {strides = array<i32>} : memref<800x32xf32, #tpu.memory_space<vmem>>, vector<1x16xf32>,
        %get3A_614 = vector.shape_cast %get3A_613 : vector<1x16xf32> to vector<16xf32>
        %mul3A_615 = arith.constant 4 : i32
        %mul3A_616 = arith.muli %mul3A_615, %add3A_576 : i32
        %add3A_617 = arith.constant 1 : i32
        %add3A_618 = arith.addi %mul3A_616, %add3A_617 : i32
        %get3A_619 = arith.index_cast %add3A_618 : i32 to index
        %get3A_620 = arith.constant 16 : index
        %get3A_621 = tpu.vector_load %arg21[%get3A_619, %get3A_620] {strides = array<i32>} : memref<800x32xf32, #tpu.memory_space<vmem>>, vector<1x16xf32>,
        %get3A_622 = vector.shape_cast %get3A_621 : vector<1x16xf32> to vector<16xf32>
        %add3A_623 = arith.addf %get3A_614, %get3A_622 : vector<16xf32>
        %mul3A_624 = arith.constant 4 : i32
        %mul3A_625 = arith.muli %mul3A_624, %add3A_576 : i32
        %add3A_626 = arith.constant 2 : i32
        %add3A_627 = arith.addi %mul3A_625, %add3A_626 : i32
        %get3A_628 = arith.index_cast %add3A_627 : i32 to index
        %get3A_629 = arith.constant 16 : index
        %get3A_630 = tpu.vector_load %arg21[%get3A_628, %get3A_629] {strides = array<i32>} : memref<800x32xf32, #tpu.memory_space<vmem>>, vector<1x16xf32>,
        %get3A_631 = vector.shape_cast %get3A_630 : vector<1x16xf32> to vector<16xf32>
        %add3A_632 = arith.addf %add3A_623, %get3A_631 : vector<16xf32>
        %mul3A_633 = arith.constant 4 : i32
        %mul3A_634 = arith.muli %mul3A_633, %add3A_576 : i32
        %add3A_635 = arith.constant 3 : i32
        %add3A_636 = arith.addi %mul3A_634, %add3A_635 : i32
        %get3A_637 = arith.index_cast %add3A_636 : i32 to index
        %get3A_638 = arith.constant 16 : index
        %get3A_639 = tpu.vector_load %arg21[%get3A_637, %get3A_638] {strides = array<i32>} : memref<800x32xf32, #tpu.memory_space<vmem>>, vector<1x16xf32>,
        %get3A_640 = vector.shape_cast %get3A_639 : vector<1x16xf32> to vector<16xf32>
        %add3A_641 = arith.addf %add3A_632, %get3A_640 : vector<16xf32>
        %get3A_642 = arith.index_cast %add3A_576 : i32 to index
        %get3A_643 = arith.constant 0 : index
        %get3A_644 = tpu.vector_load %arg23[%get3A_642, %get3A_643] {strides = array<i32>} : memref<200x32xf32, #tpu.memory_space<vmem>>, vector<1x16xf32>,
        %get3A_645 = vector.shape_cast %get3A_644 : vector<1x16xf32> to vector<16xf32>
        %get3A_646 = arith.index_cast %add3A_576 : i32 to index
        %get3A_647 = arith.constant 16 : index
        %get3A_648 = tpu.vector_load %arg23[%get3A_646, %get3A_647] {strides = array<i32>} : memref<200x32xf32, #tpu.memory_space<vmem>>, vector<1x16xf32>,
        %get3A_649 = vector.shape_cast %get3A_648 : vector<1x16xf32> to vector<16xf32>
        %swap3A_650 = arith.constant 1 : i32
        %swap3A_651 = arith.index_cast %swap3A_650 : i32 to index
        %swap3A_652 = arith.index_cast %scan3A_570 : i32 to index
        %swap3A_653 = arith.constant 0 : index
        %swap3A_654 = tpu.vector_load %arg25[%swap3A_651, %swap3A_652, %swap3A_653] {strides = array<i32>} : memref<4x50x64xf32, #tpu.memory_space<vmem>>, vector<1x1x16xf32>,
        %swap3A_655 = vector.shape_cast %swap3A_654 : vector<1x1x16xf32> to vector<16xf32>
        %swap3A_656 = vector.shape_cast %add3A_608 : vector<16xf32> to vector<1x1x16xf32>
        tpu.vector_store %arg25[%swap3A_651, %swap3A_652, %swap3A_653], %swap3A_656 {strides = array<i32>} : memref<4x50x64xf32, #tpu.memory_space<vmem>>, vector<1x1x16xf32>,
        %swap3A_657 = arith.constant 1 : i32
        %swap3A_658 = arith.index_cast %swap3A_657 : i32 to index
        %swap3A_659 = arith.index_cast %scan3A_570 : i32 to index
        %swap3A_660 = arith.constant 16 : index
        %swap3A_661 = tpu.vector_load %arg25[%swap3A_658, %swap3A_659, %swap3A_660] {strides = array<i32>} : memref<4x50x64xf32, #tpu.memory_space<vmem>>, vector<1x1x16xf32>,
        %swap3A_662 = vector.shape_cast %swap3A_661 : vector<1x1x16xf32> to vector<16xf32>
        %swap3A_663 = vector.shape_cast %add3A_641 : vector<16xf32> to vector<1x1x16xf32>
        tpu.vector_store %arg25[%swap3A_658, %swap3A_659, %swap3A_660], %swap3A_663 {strides = array<i32>} : memref<4x50x64xf32, #tpu.memory_space<vmem>>, vector<1x1x16xf32>,
        %swap3A_664 = arith.constant 1 : i32
        %swap3A_665 = arith.index_cast %swap3A_664 : i32 to index
        %swap3A_666 = arith.index_cast %scan3A_570 : i32 to index
        %swap3A_667 = arith.constant 32 : index
        %swap3A_668 = tpu.vector_load %arg25[%swap3A_665, %swap3A_666, %swap3A_667] {strides = array<i32>} : memref<4x50x64xf32, #tpu.memory_space<vmem>>, vector<1x1x16xf32>,
        %swap3A_669 = vector.shape_cast %swap3A_668 : vector<1x1x16xf32> to vector<16xf32>
        %swap3A_670 = vector.shape_cast %get3A_645 : vector<16xf32> to vector<1x1x16xf32>
        tpu.vector_store %arg25[%swap3A_665, %swap3A_666, %swap3A_667], %swap3A_670 {strides = array<i32>} : memref<4x50x64xf32, #tpu.memory_space<vmem>>, vector<1x1x16xf32>,
        %swap3A_671 = arith.constant 1 : i32
        %swap3A_672 = arith.index_cast %swap3A_671 : i32 to index
        %swap3A_673 = arith.index_cast %scan3A_570 : i32 to index
        %swap3A_674 = arith.constant 48 : index
        %swap3A_675 = tpu.vector_load %arg25[%swap3A_672, %swap3A_673, %swap3A_674] {strides = array<i32>} : memref<4x50x64xf32, #tpu.memory_space<vmem>>, vector<1x1x16xf32>,
        %swap3A_676 = vector.shape_cast %swap3A_675 : vector<1x1x16xf32> to vector<16xf32>
        %swap3A_677 = vector.shape_cast %get3A_649 : vector<16xf32> to vector<1x1x16xf32>
        tpu.vector_store %arg25[%swap3A_672, %swap3A_673, %swap3A_674], %swap3A_677 {strides = array<i32>} : memref<4x50x64xf32, #tpu.memory_space<vmem>>, vector<1x1x16xf32>,
        %add3A_678 = arith.addf %scan3A_571, %add3A_608 : vector<16xf32>
        %add3A_679 = arith.addf %scan3A_572, %add3A_641 : vector<16xf32>
        %add3A_680 = arith.addf %scan3A_573, %get3A_645 : vector<16xf32>
        %add3A_681 = arith.addf %scan3A_574, %get3A_649 : vector<16xf32>
        scf.yield %add3A_678, %add3A_679, %add3A_680, %add3A_681 : vector<16xf32>, vector<16xf32>, vector<16xf32>, vector<16xf32>
      }
      %scan3A_462 = arith.constant 50 : i32
      %swap3A_463 = arith.constant 5 : i32
      %swap3A_464 = arith.index_cast %swap3A_463 : i32 to index
      %swap3A_465 = arith.constant 0 : index
      %swap3A_466 = tpu.vector_load %arg26[%swap3A_464, %swap3A_465] {strides = array<i32>} : memref<8x64xf32, #tpu.memory_space<vmem>>, vector<1x16xf32>,
      %swap3A_467 = vector.shape_cast %swap3A_466 : vector<1x16xf32> to vector<16xf32>
      %swap3A_468 = vector.shape_cast %scan3A_461#0 : vector<16xf32> to vector<1x16xf32>
      tpu.vector_store %arg26[%swap3A_464, %swap3A_465], %swap3A_468 {strides = array<i32>} : memref<8x64xf32, #tpu.memory_space<vmem>>, vector<1x16xf32>,
      %swap3A_469 = arith.constant 5 : i32
      %swap3A_470 = arith.index_cast %swap3A_469 : i32 to index
      %swap3A_471 = arith.constant 16 : index
      %swap3A_472 = tpu.vector_load %arg26[%swap3A_470, %swap3A_471] {strides = array<i32>} : memref<8x64xf32, #tpu.memory_space<vmem>>, vector<1x16xf32>,
      %swap3A_473 = vector.shape_cast %swap3A_472 : vector<1x16xf32> to vector<16xf32>
      %swap3A_474 = vector.shape_cast %scan3A_461#1 : vector<16xf32> to vector<1x16xf32>
      tpu.vector_store %arg26[%swap3A_470, %swap3A_471], %swap3A_474 {strides = array<i32>} : memref<8x64xf32, #tpu.memory_space<vmem>>, vector<1x16xf32>,
      %swap3A_475 = arith.constant 5 : i32
      %swap3A_476 = arith.index_cast %swap3A_475 : i32 to index
      %swap3A_477 = arith.constant 32 : index
      %swap3A_478 = tpu.vector_load %arg26[%swap3A_476, %swap3A_477] {strides = array<i32>} : memref<8x64xf32, #tpu.memory_space<vmem>>, vector<1x16xf32>,
      %swap3A_479 = vector.shape_cast %swap3A_478 : vector<1x16xf32> to vector<16xf32>
      %swap3A_480 = vector.shape_cast %scan3A_461#2 : vector<16xf32> to vector<1x16xf32>
      tpu.vector_store %arg26[%swap3A_476, %swap3A_477], %swap3A_480 {strides = array<i32>} : memref<8x64xf32, #tpu.memory_space<vmem>>, vector<1x16xf32>,
      %swap3A_481 = arith.constant 5 : i32
      %swap3A_482 = arith.index_cast %swap3A_481 : i32 to index
      %swap3A_483 = arith.constant 48 : index
      %swap3A_484 = tpu.vector_load %arg26[%swap3A_482, %swap3A_483] {strides = array<i32>} : memref<8x64xf32, #tpu.memory_space<vmem>>, vector<1x16xf32>,
      %swap3A_485 = vector.shape_cast %swap3A_484 : vector<1x16xf32> to vector<16xf32>
      %swap3A_486 = vector.shape_cast %scan3A_461#3 : vector<16xf32> to vector<1x16xf32>
      tpu.vector_store %arg26[%swap3A_482, %swap3A_483], %swap3A_486 {strides = array<i32>} : memref<8x64xf32, #tpu.memory_space<vmem>>, vector<1x16xf32>,
      %scan3A_487 = arith.constant 0 : i32
      %scan3A_488 = arith.constant 50 : i32
      %scan3A_489 = arith.addi %scan3A_487, %scan3A_488 : i32
      %scan3A_490 = arith.constant 1 : i32
      %scan3A_491:4 = scf.for %scan3A_570 = %scan3A_487 to %scan3A_489 step %scan3A_490 iter_args(%scan3A_571 = %broadcast_in_dim3A_3, %scan3A_572 = %broadcast_in_dim3A_3, %scan3A_573 = %broadcast_in_dim3A_3, %scan3A_574 = %broadcast_in_dim3A_3) -> (vector<16xf32>, vector<16xf32>, vector<16xf32>, vector<16xf32>)  : i32 {
        %add3A_575 = arith.constant 100 : i32
        %add3A_576 = arith.addi %add3A_575, %scan3A_570 : i32
        %mul3A_577 = arith.constant 4 : i32
        %mul3A_578 = arith.muli %mul3A_577, %add3A_576 : i32
        %get3A = arith.index_cast %mul3A_578 : i32 to index
        %get3A_579 = arith.constant 0 : index
        %get3A_580 = tpu.vector_load %arg21[%get3A, %get3A_579] {strides = array<i32>} : memref<800x32xf32, #tpu.memory_space<vmem>>, vector<1x16xf32>,
        %get3A_581 = vector.shape_cast %get3A_580 : vector<1x16xf32> to vector<16xf32>
        %mul3A_582 = arith.constant 4 : i32
        %mul3A_583 = arith.muli %mul3A_582, %add3A_576 : i32
        %add3A_584 = arith.constant 1 : i32
        %add3A_585 = arith.addi %mul3A_583, %add3A_584 : i32
        %get3A_586 = arith.index_cast %add3A_585 : i32 to index
        %get3A_587 = arith.constant 0 : index
        %get3A_588 = tpu.vector_load %arg21[%get3A_586, %get3A_587] {strides = array<i32>} : memref<800x32xf32, #tpu.memory_space<vmem>>, vector<1x16xf32>,
        %get3A_589 = vector.shape_cast %get3A_588 : vector<1x16xf32> to vector<16xf32>
        %add3A_590 = arith.addf %get3A_581, %get3A_589 : vector<16xf32>
        %mul3A_591 = arith.constant 4 : i32
        %mul3A_592 = arith.muli %mul3A_591, %add3A_576 : i32
        %add3A_593 = arith.constant 2 : i32
        %add3A_594 = arith.addi %mul3A_592, %add3A_593 : i32
        %get3A_595 = arith.index_cast %add3A_594 : i32 to index
        %get3A_596 = arith.constant 0 : index
        %get3A_597 = tpu.vector_load %arg21[%get3A_595, %get3A_596] {strides = array<i32>} : memref<800x32xf32, #tpu.memory_space<vmem>>, vector<1x16xf32>,
        %get3A_598 = vector.shape_cast %get3A_597 : vector<1x16xf32> to vector<16xf32>
        %add3A_599 = arith.addf %add3A_590, %get3A_598 : vector<16xf32>
        %mul3A_600 = arith.constant 4 : i32
        %mul3A_601 = arith.muli %mul3A_600, %add3A_576 : i32
        %add3A_602 = arith.constant 3 : i32
        %add3A_603 = arith.addi %mul3A_601, %add3A_602 : i32
        %get3A_604 = arith.index_cast %add3A_603 : i32 to index
        %get3A_605 = arith.constant 0 : index
        %get3A_606 = tpu.vector_load %arg21[%get3A_604, %get3A_605] {strides = array<i32>} : memref<800x32xf32, #tpu.memory_space<vmem>>, vector<1x16xf32>,
        %get3A_607 = vector.shape_cast %get3A_606 : vector<1x16xf32> to vector<16xf32>
        %add3A_608 = arith.addf %add3A_599, %get3A_607 : vector<16xf32>
        %mul3A_609 = arith.constant 4 : i32
        %mul3A_610 = arith.muli %mul3A_609, %add3A_576 : i32
        %get3A_611 = arith.index_cast %mul3A_610 : i32 to index
        %get3A_612 = arith.constant 16 : index
        %get3A_613 = tpu.vector_load %arg21[%get3A_611, %get3A_612] {strides = array<i32>} : memref<800x32xf32, #tpu.memory_space<vmem>>, vector<1x16xf32>,
        %get3A_614 = vector.shape_cast %get3A_613 : vector<1x16xf32> to vector<16xf32>
        %mul3A_615 = arith.constant 4 : i32
        %mul3A_616 = arith.muli %mul3A_615, %add3A_576 : i32
        %add3A_617 = arith.constant 1 : i32
        %add3A_618 = arith.addi %mul3A_616, %add3A_617 : i32
        %get3A_619 = arith.index_cast %add3A_618 : i32 to index
        %get3A_620 = arith.constant 16 : index
        %get3A_621 = tpu.vector_load %arg21[%get3A_619, %get3A_620] {strides = array<i32>} : memref<800x32xf32, #tpu.memory_space<vmem>>, vector<1x16xf32>,
        %get3A_622 = vector.shape_cast %get3A_621 : vector<1x16xf32> to vector<16xf32>
        %add3A_623 = arith.addf %get3A_614, %get3A_622 : vector<16xf32>
        %mul3A_624 = arith.constant 4 : i32
        %mul3A_625 = arith.muli %mul3A_624, %add3A_576 : i32
        %add3A_626 = arith.constant 2 : i32
        %add3A_627 = arith.addi %mul3A_625, %add3A_626 : i32
        %get3A_628 = arith.index_cast %add3A_627 : i32 to index
        %get3A_629 = arith.constant 16 : index
        %get3A_630 = tpu.vector_load %arg21[%get3A_628, %get3A_629] {strides = array<i32>} : memref<800x32xf32, #tpu.memory_space<vmem>>, vector<1x16xf32>,
        %get3A_631 = vector.shape_cast %get3A_630 : vector<1x16xf32> to vector<16xf32>
        %add3A_632 = arith.addf %add3A_623, %get3A_631 : vector<16xf32>
        %mul3A_633 = arith.constant 4 : i32
        %mul3A_634 = arith.muli %mul3A_633, %add3A_576 : i32
        %add3A_635 = arith.constant 3 : i32
        %add3A_636 = arith.addi %mul3A_634, %add3A_635 : i32
        %get3A_637 = arith.index_cast %add3A_636 : i32 to index
        %get3A_638 = arith.constant 16 : index
        %get3A_639 = tpu.vector_load %arg21[%get3A_637, %get3A_638] {strides = array<i32>} : memref<800x32xf32, #tpu.memory_space<vmem>>, vector<1x16xf32>,
        %get3A_640 = vector.shape_cast %get3A_639 : vector<1x16xf32> to vector<16xf32>
        %add3A_641 = arith.addf %add3A_632, %get3A_640 : vector<16xf32>
        %get3A_642 = arith.index_cast %add3A_576 : i32 to index
        %get3A_643 = arith.constant 0 : index
        %get3A_644 = tpu.vector_load %arg23[%get3A_642, %get3A_643] {strides = array<i32>} : memref<200x32xf32, #tpu.memory_space<vmem>>, vector<1x16xf32>,
        %get3A_645 = vector.shape_cast %get3A_644 : vector<1x16xf32> to vector<16xf32>
        %get3A_646 = arith.index_cast %add3A_576 : i32 to index
        %get3A_647 = arith.constant 16 : index
        %get3A_648 = tpu.vector_load %arg23[%get3A_646, %get3A_647] {strides = array<i32>} : memref<200x32xf32, #tpu.memory_space<vmem>>, vector<1x16xf32>,
        %get3A_649 = vector.shape_cast %get3A_648 : vector<1x16xf32> to vector<16xf32>
        %swap3A_650 = arith.constant 2 : i32
        %swap3A_651 = arith.index_cast %swap3A_650 : i32 to index
        %swap3A_652 = arith.index_cast %scan3A_570 : i32 to index
        %swap3A_653 = arith.constant 0 : index
        %swap3A_654 = tpu.vector_load %arg25[%swap3A_651, %swap3A_652, %swap3A_653] {strides = array<i32>} : memref<4x50x64xf32, #tpu.memory_space<vmem>>, vector<1x1x16xf32>,
        %swap3A_655 = vector.shape_cast %swap3A_654 : vector<1x1x16xf32> to vector<16xf32>
        %swap3A_656 = vector.shape_cast %add3A_608 : vector<16xf32> to vector<1x1x16xf32>
        tpu.vector_store %arg25[%swap3A_651, %swap3A_652, %swap3A_653], %swap3A_656 {strides = array<i32>} : memref<4x50x64xf32, #tpu.memory_space<vmem>>, vector<1x1x16xf32>,
        %swap3A_657 = arith.constant 2 : i32
        %swap3A_658 = arith.index_cast %swap3A_657 : i32 to index
        %swap3A_659 = arith.index_cast %scan3A_570 : i32 to index
        %swap3A_660 = arith.constant 16 : index
        %swap3A_661 = tpu.vector_load %arg25[%swap3A_658, %swap3A_659, %swap3A_660] {strides = array<i32>} : memref<4x50x64xf32, #tpu.memory_space<vmem>>, vector<1x1x16xf32>,
        %swap3A_662 = vector.shape_cast %swap3A_661 : vector<1x1x16xf32> to vector<16xf32>
        %swap3A_663 = vector.shape_cast %add3A_641 : vector<16xf32> to vector<1x1x16xf32>
        tpu.vector_store %arg25[%swap3A_658, %swap3A_659, %swap3A_660], %swap3A_663 {strides = array<i32>} : memref<4x50x64xf32, #tpu.memory_space<vmem>>, vector<1x1x16xf32>,
        %swap3A_664 = arith.constant 2 : i32
        %swap3A_665 = arith.index_cast %swap3A_664 : i32 to index
        %swap3A_666 = arith.index_cast %scan3A_570 : i32 to index
        %swap3A_667 = arith.constant 32 : index
        %swap3A_668 = tpu.vector_load %arg25[%swap3A_665, %swap3A_666, %swap3A_667] {strides = array<i32>} : memref<4x50x64xf32, #tpu.memory_space<vmem>>, vector<1x1x16xf32>,
        %swap3A_669 = vector.shape_cast %swap3A_668 : vector<1x1x16xf32> to vector<16xf32>
        %swap3A_670 = vector.shape_cast %get3A_645 : vector<16xf32> to vector<1x1x16xf32>
        tpu.vector_store %arg25[%swap3A_665, %swap3A_666, %swap3A_667], %swap3A_670 {strides = array<i32>} : memref<4x50x64xf32, #tpu.memory_space<vmem>>, vector<1x1x16xf32>,
        %swap3A_671 = arith.constant 2 : i32
        %swap3A_672 = arith.index_cast %swap3A_671 : i32 to index
        %swap3A_673 = arith.index_cast %scan3A_570 : i32 to index
        %swap3A_674 = arith.constant 48 : index
        %swap3A_675 = tpu.vector_load %arg25[%swap3A_672, %swap3A_673, %swap3A_674] {strides = array<i32>} : memref<4x50x64xf32, #tpu.memory_space<vmem>>, vector<1x1x16xf32>,
        %swap3A_676 = vector.shape_cast %swap3A_675 : vector<1x1x16xf32> to vector<16xf32>
        %swap3A_677 = vector.shape_cast %get3A_649 : vector<16xf32> to vector<1x1x16xf32>
        tpu.vector_store %arg25[%swap3A_672, %swap3A_673, %swap3A_674], %swap3A_677 {strides = array<i32>} : memref<4x50x64xf32, #tpu.memory_space<vmem>>, vector<1x1x16xf32>,
        %add3A_678 = arith.addf %scan3A_571, %add3A_608 : vector<16xf32>
        %add3A_679 = arith.addf %scan3A_572, %add3A_641 : vector<16xf32>
        %add3A_680 = arith.addf %scan3A_573, %get3A_645 : vector<16xf32>
        %add3A_681 = arith.addf %scan3A_574, %get3A_649 : vector<16xf32>
        scf.yield %add3A_678, %add3A_679, %add3A_680, %add3A_681 : vector<16xf32>, vector<16xf32>, vector<16xf32>, vector<16xf32>
      }
      %scan3A_492 = arith.constant 50 : i32
      %swap3A_493 = arith.constant 6 : i32
      %swap3A_494 = arith.index_cast %swap3A_493 : i32 to index
      %swap3A_495 = arith.constant 0 : index
      %swap3A_496 = tpu.vector_load %arg26[%swap3A_494, %swap3A_495] {strides = array<i32>} : memref<8x64xf32, #tpu.memory_space<vmem>>, vector<1x16xf32>,
      %swap3A_497 = vector.shape_cast %swap3A_496 : vector<1x16xf32> to vector<16xf32>
      %swap3A_498 = vector.shape_cast %scan3A_491#0 : vector<16xf32> to vector<1x16xf32>
      tpu.vector_store %arg26[%swap3A_494, %swap3A_495], %swap3A_498 {strides = array<i32>} : memref<8x64xf32, #tpu.memory_space<vmem>>, vector<1x16xf32>,
      %swap3A_499 = arith.constant 6 : i32
      %swap3A_500 = arith.index_cast %swap3A_499 : i32 to index
      %swap3A_501 = arith.constant 16 : index
      %swap3A_502 = tpu.vector_load %arg26[%swap3A_500, %swap3A_501] {strides = array<i32>} : memref<8x64xf32, #tpu.memory_space<vmem>>, vector<1x16xf32>,
      %swap3A_503 = vector.shape_cast %swap3A_502 : vector<1x16xf32> to vector<16xf32>
      %swap3A_504 = vector.shape_cast %scan3A_491#1 : vector<16xf32> to vector<1x16xf32>
      tpu.vector_store %arg26[%swap3A_500, %swap3A_501], %swap3A_504 {strides = array<i32>} : memref<8x64xf32, #tpu.memory_space<vmem>>, vector<1x16xf32>,
      %swap3A_505 = arith.constant 6 : i32
      %swap3A_506 = arith.index_cast %swap3A_505 : i32 to index
      %swap3A_507 = arith.constant 32 : index
      %swap3A_508 = tpu.vector_load %arg26[%swap3A_506, %swap3A_507] {strides = array<i32>} : memref<8x64xf32, #tpu.memory_space<vmem>>, vector<1x16xf32>,
      %swap3A_509 = vector.shape_cast %swap3A_508 : vector<1x16xf32> to vector<16xf32>
      %swap3A_510 = vector.shape_cast %scan3A_491#2 : vector<16xf32> to vector<1x16xf32>
      tpu.vector_store %arg26[%swap3A_506, %swap3A_507], %swap3A_510 {strides = array<i32>} : memref<8x64xf32, #tpu.memory_space<vmem>>, vector<1x16xf32>,
      %swap3A_511 = arith.constant 6 : i32
      %swap3A_512 = arith.index_cast %swap3A_511 : i32 to index
      %swap3A_513 = arith.constant 48 : index
      %swap3A_514 = tpu.vector_load %arg26[%swap3A_512, %swap3A_513] {strides = array<i32>} : memref<8x64xf32, #tpu.memory_space<vmem>>, vector<1x16xf32>,
      %swap3A_515 = vector.shape_cast %swap3A_514 : vector<1x16xf32> to vector<16xf32>
      %swap3A_516 = vector.shape_cast %scan3A_491#3 : vector<16xf32> to vector<1x16xf32>
      tpu.vector_store %arg26[%swap3A_512, %swap3A_513], %swap3A_516 {strides = array<i32>} : memref<8x64xf32, #tpu.memory_space<vmem>>, vector<1x16xf32>,
      %scan3A_517 = arith.constant 0 : i32
      %scan3A_518 = arith.constant 50 : i32
      %scan3A_519 = arith.addi %scan3A_517, %scan3A_518 : i32
      %scan3A_520 = arith.constant 1 : i32
      %scan3A_521:4 = scf.for %scan3A_570 = %scan3A_517 to %scan3A_519 step %scan3A_520 iter_args(%scan3A_571 = %broadcast_in_dim3A_3, %scan3A_572 = %broadcast_in_dim3A_3, %scan3A_573 = %broadcast_in_dim3A_3, %scan3A_574 = %broadcast_in_dim3A_3) -> (vector<16xf32>, vector<16xf32>, vector<16xf32>, vector<16xf32>)  : i32 {
        %add3A_575 = arith.constant 150 : i32
        %add3A_576 = arith.addi %add3A_575, %scan3A_570 : i32
        %mul3A_577 = arith.constant 4 : i32
        %mul3A_578 = arith.muli %mul3A_577, %add3A_576 : i32
        %get3A = arith.index_cast %mul3A_578 : i32 to index
        %get3A_579 = arith.constant 0 : index
        %get3A_580 = tpu.vector_load %arg21[%get3A, %get3A_579] {strides = array<i32>} : memref<800x32xf32, #tpu.memory_space<vmem>>, vector<1x16xf32>,
        %get3A_581 = vector.shape_cast %get3A_580 : vector<1x16xf32> to vector<16xf32>
        %mul3A_582 = arith.constant 4 : i32
        %mul3A_583 = arith.muli %mul3A_582, %add3A_576 : i32
        %add3A_584 = arith.constant 1 : i32
        %add3A_585 = arith.addi %mul3A_583, %add3A_584 : i32
        %get3A_586 = arith.index_cast %add3A_585 : i32 to index
        %get3A_587 = arith.constant 0 : index
        %get3A_588 = tpu.vector_load %arg21[%get3A_586, %get3A_587] {strides = array<i32>} : memref<800x32xf32, #tpu.memory_space<vmem>>, vector<1x16xf32>,
        %get3A_589 = vector.shape_cast %get3A_588 : vector<1x16xf32> to vector<16xf32>
        %add3A_590 = arith.addf %get3A_581, %get3A_589 : vector<16xf32>
        %mul3A_591 = arith.constant 4 : i32
        %mul3A_592 = arith.muli %mul3A_591, %add3A_576 : i32
        %add3A_593 = arith.constant 2 : i32
        %add3A_594 = arith.addi %mul3A_592, %add3A_593 : i32
        %get3A_595 = arith.index_cast %add3A_594 : i32 to index
        %get3A_596 = arith.constant 0 : index
        %get3A_597 = tpu.vector_load %arg21[%get3A_595, %get3A_596] {strides = array<i32>} : memref<800x32xf32, #tpu.memory_space<vmem>>, vector<1x16xf32>,
        %get3A_598 = vector.shape_cast %get3A_597 : vector<1x16xf32> to vector<16xf32>
        %add3A_599 = arith.addf %add3A_590, %get3A_598 : vector<16xf32>
        %mul3A_600 = arith.constant 4 : i32
        %mul3A_601 = arith.muli %mul3A_600, %add3A_576 : i32
        %add3A_602 = arith.constant 3 : i32
        %add3A_603 = arith.addi %mul3A_601, %add3A_602 : i32
        %get3A_604 = arith.index_cast %add3A_603 : i32 to index
        %get3A_605 = arith.constant 0 : index
        %get3A_606 = tpu.vector_load %arg21[%get3A_604, %get3A_605] {strides = array<i32>} : memref<800x32xf32, #tpu.memory_space<vmem>>, vector<1x16xf32>,
        %get3A_607 = vector.shape_cast %get3A_606 : vector<1x16xf32> to vector<16xf32>
        %add3A_608 = arith.addf %add3A_599, %get3A_607 : vector<16xf32>
        %mul3A_609 = arith.constant 4 : i32
        %mul3A_610 = arith.muli %mul3A_609, %add3A_576 : i32
        %get3A_611 = arith.index_cast %mul3A_610 : i32 to index
        %get3A_612 = arith.constant 16 : index
        %get3A_613 = tpu.vector_load %arg21[%get3A_611, %get3A_612] {strides = array<i32>} : memref<800x32xf32, #tpu.memory_space<vmem>>, vector<1x16xf32>,
        %get3A_614 = vector.shape_cast %get3A_613 : vector<1x16xf32> to vector<16xf32>
        %mul3A_615 = arith.constant 4 : i32
        %mul3A_616 = arith.muli %mul3A_615, %add3A_576 : i32
        %add3A_617 = arith.constant 1 : i32
        %add3A_618 = arith.addi %mul3A_616, %add3A_617 : i32
        %get3A_619 = arith.index_cast %add3A_618 : i32 to index
        %get3A_620 = arith.constant 16 : index
        %get3A_621 = tpu.vector_load %arg21[%get3A_619, %get3A_620] {strides = array<i32>} : memref<800x32xf32, #tpu.memory_space<vmem>>, vector<1x16xf32>,
        %get3A_622 = vector.shape_cast %get3A_621 : vector<1x16xf32> to vector<16xf32>
        %add3A_623 = arith.addf %get3A_614, %get3A_622 : vector<16xf32>
        %mul3A_624 = arith.constant 4 : i32
        %mul3A_625 = arith.muli %mul3A_624, %add3A_576 : i32
        %add3A_626 = arith.constant 2 : i32
        %add3A_627 = arith.addi %mul3A_625, %add3A_626 : i32
        %get3A_628 = arith.index_cast %add3A_627 : i32 to index
        %get3A_629 = arith.constant 16 : index
        %get3A_630 = tpu.vector_load %arg21[%get3A_628, %get3A_629] {strides = array<i32>} : memref<800x32xf32, #tpu.memory_space<vmem>>, vector<1x16xf32>,
        %get3A_631 = vector.shape_cast %get3A_630 : vector<1x16xf32> to vector<16xf32>
        %add3A_632 = arith.addf %add3A_623, %get3A_631 : vector<16xf32>
        %mul3A_633 = arith.constant 4 : i32
        %mul3A_634 = arith.muli %mul3A_633, %add3A_576 : i32
        %add3A_635 = arith.constant 3 : i32
        %add3A_636 = arith.addi %mul3A_634, %add3A_635 : i32
        %get3A_637 = arith.index_cast %add3A_636 : i32 to index
        %get3A_638 = arith.constant 16 : index
        %get3A_639 = tpu.vector_load %arg21[%get3A_637, %get3A_638] {strides = array<i32>} : memref<800x32xf32, #tpu.memory_space<vmem>>, vector<1x16xf32>,
        %get3A_640 = vector.shape_cast %get3A_639 : vector<1x16xf32> to vector<16xf32>
        %add3A_641 = arith.addf %add3A_632, %get3A_640 : vector<16xf32>
        %get3A_642 = arith.index_cast %add3A_576 : i32 to index
        %get3A_643 = arith.constant 0 : index
        %get3A_644 = tpu.vector_load %arg23[%get3A_642, %get3A_643] {strides = array<i32>} : memref<200x32xf32, #tpu.memory_space<vmem>>, vector<1x16xf32>,
        %get3A_645 = vector.shape_cast %get3A_644 : vector<1x16xf32> to vector<16xf32>
        %get3A_646 = arith.index_cast %add3A_576 : i32 to index
        %get3A_647 = arith.constant 16 : index
        %get3A_648 = tpu.vector_load %arg23[%get3A_646, %get3A_647] {strides = array<i32>} : memref<200x32xf32, #tpu.memory_space<vmem>>, vector<1x16xf32>,
        %get3A_649 = vector.shape_cast %get3A_648 : vector<1x16xf32> to vector<16xf32>
        %swap3A_650 = arith.constant 3 : i32
        %swap3A_651 = arith.index_cast %swap3A_650 : i32 to index
        %swap3A_652 = arith.index_cast %scan3A_570 : i32 to index
        %swap3A_653 = arith.constant 0 : index
        %swap3A_654 = tpu.vector_load %arg25[%swap3A_651, %swap3A_652, %swap3A_653] {strides = array<i32>} : memref<4x50x64xf32, #tpu.memory_space<vmem>>, vector<1x1x16xf32>,
        %swap3A_655 = vector.shape_cast %swap3A_654 : vector<1x1x16xf32> to vector<16xf32>
        %swap3A_656 = vector.shape_cast %add3A_608 : vector<16xf32> to vector<1x1x16xf32>
        tpu.vector_store %arg25[%swap3A_651, %swap3A_652, %swap3A_653], %swap3A_656 {strides = array<i32>} : memref<4x50x64xf32, #tpu.memory_space<vmem>>, vector<1x1x16xf32>,
        %swap3A_657 = arith.constant 3 : i32
        %swap3A_658 = arith.index_cast %swap3A_657 : i32 to index
        %swap3A_659 = arith.index_cast %scan3A_570 : i32 to index
        %swap3A_660 = arith.constant 16 : index
        %swap3A_661 = tpu.vector_load %arg25[%swap3A_658, %swap3A_659, %swap3A_660] {strides = array<i32>} : memref<4x50x64xf32, #tpu.memory_space<vmem>>, vector<1x1x16xf32>,
        %swap3A_662 = vector.shape_cast %swap3A_661 : vector<1x1x16xf32> to vector<16xf32>
        %swap3A_663 = vector.shape_cast %add3A_641 : vector<16xf32> to vector<1x1x16xf32>
        tpu.vector_store %arg25[%swap3A_658, %swap3A_659, %swap3A_660], %swap3A_663 {strides = array<i32>} : memref<4x50x64xf32, #tpu.memory_space<vmem>>, vector<1x1x16xf32>,
        %swap3A_664 = arith.constant 3 : i32
        %swap3A_665 = arith.index_cast %swap3A_664 : i32 to index
        %swap3A_666 = arith.index_cast %scan3A_570 : i32 to index
        %swap3A_667 = arith.constant 32 : index
        %swap3A_668 = tpu.vector_load %arg25[%swap3A_665, %swap3A_666, %swap3A_667] {strides = array<i32>} : memref<4x50x64xf32, #tpu.memory_space<vmem>>, vector<1x1x16xf32>,
        %swap3A_669 = vector.shape_cast %swap3A_668 : vector<1x1x16xf32> to vector<16xf32>
        %swap3A_670 = vector.shape_cast %get3A_645 : vector<16xf32> to vector<1x1x16xf32>
        tpu.vector_store %arg25[%swap3A_665, %swap3A_666, %swap3A_667], %swap3A_670 {strides = array<i32>} : memref<4x50x64xf32, #tpu.memory_space<vmem>>, vector<1x1x16xf32>,
        %swap3A_671 = arith.constant 3 : i32
        %swap3A_672 = arith.index_cast %swap3A_671 : i32 to index
        %swap3A_673 = arith.index_cast %scan3A_570 : i32 to index
        %swap3A_674 = arith.constant 48 : index
        %swap3A_675 = tpu.vector_load %arg25[%swap3A_672, %swap3A_673, %swap3A_674] {strides = array<i32>} : memref<4x50x64xf32, #tpu.memory_space<vmem>>, vector<1x1x16xf32>,
        %swap3A_676 = vector.shape_cast %swap3A_675 : vector<1x1x16xf32> to vector<16xf32>
        %swap3A_677 = vector.shape_cast %get3A_649 : vector<16xf32> to vector<1x1x16xf32>
        tpu.vector_store %arg25[%swap3A_672, %swap3A_673, %swap3A_674], %swap3A_677 {strides = array<i32>} : memref<4x50x64xf32, #tpu.memory_space<vmem>>, vector<1x1x16xf32>,
        %add3A_678 = arith.addf %scan3A_571, %add3A_608 : vector<16xf32>
        %add3A_679 = arith.addf %scan3A_572, %add3A_641 : vector<16xf32>
        %add3A_680 = arith.addf %scan3A_573, %get3A_645 : vector<16xf32>
        %add3A_681 = arith.addf %scan3A_574, %get3A_649 : vector<16xf32>
        scf.yield %add3A_678, %add3A_679, %add3A_680, %add3A_681 : vector<16xf32>, vector<16xf32>, vector<16xf32>, vector<16xf32>
      }
      %scan3A_522 = arith.constant 50 : i32
      %swap3A_523 = arith.constant 7 : i32
      %swap3A_524 = arith.index_cast %swap3A_523 : i32 to index
      %swap3A_525 = arith.constant 0 : index
      %swap3A_526 = tpu.vector_load %arg26[%swap3A_524, %swap3A_525] {strides = array<i32>} : memref<8x64xf32, #tpu.memory_space<vmem>>, vector<1x16xf32>,
      %swap3A_527 = vector.shape_cast %swap3A_526 : vector<1x16xf32> to vector<16xf32>
      %swap3A_528 = vector.shape_cast %scan3A_521#0 : vector<16xf32> to vector<1x16xf32>
      tpu.vector_store %arg26[%swap3A_524, %swap3A_525], %swap3A_528 {strides = array<i32>} : memref<8x64xf32, #tpu.memory_space<vmem>>, vector<1x16xf32>,
      %swap3A_529 = arith.constant 7 : i32
      %swap3A_530 = arith.index_cast %swap3A_529 : i32 to index
      %swap3A_531 = arith.constant 16 : index
      %swap3A_532 = tpu.vector_load %arg26[%swap3A_530, %swap3A_531] {strides = array<i32>} : memref<8x64xf32, #tpu.memory_space<vmem>>, vector<1x16xf32>,
      %swap3A_533 = vector.shape_cast %swap3A_532 : vector<1x16xf32> to vector<16xf32>
      %swap3A_534 = vector.shape_cast %scan3A_521#1 : vector<16xf32> to vector<1x16xf32>
      tpu.vector_store %arg26[%swap3A_530, %swap3A_531], %swap3A_534 {strides = array<i32>} : memref<8x64xf32, #tpu.memory_space<vmem>>, vector<1x16xf32>,
      %swap3A_535 = arith.constant 7 : i32
      %swap3A_536 = arith.index_cast %swap3A_535 : i32 to index
      %swap3A_537 = arith.constant 32 : index
      %swap3A_538 = tpu.vector_load %arg26[%swap3A_536, %swap3A_537] {strides = array<i32>} : memref<8x64xf32, #tpu.memory_space<vmem>>, vector<1x16xf32>,
      %swap3A_539 = vector.shape_cast %swap3A_538 : vector<1x16xf32> to vector<16xf32>
      %swap3A_540 = vector.shape_cast %scan3A_521#2 : vector<16xf32> to vector<1x16xf32>
      tpu.vector_store %arg26[%swap3A_536, %swap3A_537], %swap3A_540 {strides = array<i32>} : memref<8x64xf32, #tpu.memory_space<vmem>>, vector<1x16xf32>,
      %swap3A_541 = arith.constant 7 : i32
      %swap3A_542 = arith.index_cast %swap3A_541 : i32 to index
      %swap3A_543 = arith.constant 48 : index
      %swap3A_544 = tpu.vector_load %arg26[%swap3A_542, %swap3A_543] {strides = array<i32>} : memref<8x64xf32, #tpu.memory_space<vmem>>, vector<1x16xf32>,
      %swap3A_545 = vector.shape_cast %swap3A_544 : vector<1x16xf32> to vector<16xf32>
      %swap3A_546 = vector.shape_cast %scan3A_521#3 : vector<16xf32> to vector<1x16xf32>
      tpu.vector_store %arg26[%swap3A_542, %swap3A_543], %swap3A_546 {strides = array<i32>} : memref<8x64xf32, #tpu.memory_space<vmem>>, vector<1x16xf32>,
      %mul3A_547 = arith.constant 4 : i32
      %mul3A_548 = arith.muli %add3A_426, %mul3A_547 : i32
      %add3A_549 = arith.addi %mul3A_2, %mul3A_548 : i32
      %dma_start3A_550 = arith.constant 0 : i32
      %dma_start3A_551 = arith.constant 0 : i32
      %dma_start3A_552 = tpu.memref_slice %arg11[%add3A_549, %dma_start3A_550, %dma_start3A_551] : memref<4096x50x64xf32, #tpu.memory_space<hbm>> -> memref<4x50x64xf32, #tpu.memory_space<hbm>>
      %dma_start3A_553 = arith.constant 0 : i32
      %dma_start3A_554 = arith.constant 0 : i32
      %dma_start3A_555 = tpu.memref_slice %arg11[%add3A_549, %dma_start3A_553, %dma_start3A_554] : memref<4096x50x64xf32, #tpu.memory_space<hbm>> -> memref<4x50x64xf32, #tpu.memory_space<hbm>>
      tpu.enqueue_dma source(%arg25 : memref<4x50x64xf32, #tpu.memory_space<vmem>>) target(%dma_start3A_555 : memref<4x50x64xf32, #tpu.memory_space<hbm>>) target_semaphore(%arg34 : memref<!tpu.dma_semaphore, #tpu.memory_space<semaphore_mem>>)
      %mul3A_556 = arith.constant 2 : i32
      %mul3A_557 = arith.muli %scan3A_257, %mul3A_556 : i32
      %mul3A_558 = arith.constant 4 : i32
      %mul3A_559 = arith.muli %mul3A_557, %mul3A_558 : i32
      %add3A_560 = arith.addi %mul3A_2, %mul3A_559 : i32
      %dma_start3A_561 = arith.constant 0 : i32
      %dma_start3A_562 = tpu.memref_slice %arg12[%add3A_560, %dma_start3A_561] : memref<4096x64xf32, #tpu.memory_space<hbm>> -> memref<8x64xf32, #tpu.memory_space<hbm>>
      %dma_start3A_563 = arith.constant 0 : i32
      %dma_start3A_564 = tpu.memref_slice %arg12[%add3A_560, %dma_start3A_563] : memref<4096x64xf32, #tpu.memory_space<hbm>> -> memref<8x64xf32, #tpu.memory_space<hbm>>
      tpu.enqueue_dma source(%arg26 : memref<8x64xf32, #tpu.memory_space<vmem>>) target(%dma_start3A_564 : memref<8x64xf32, #tpu.memory_space<hbm>>) target_semaphore(%arg35 : memref<!tpu.dma_semaphore, #tpu.memory_space<semaphore_mem>>)
      %lt3A_565 = arith.constant 15 : i32
      %lt3A_566 = arith.cmpi slt, %scan3A_257, %lt3A_565 : i32
      %convert_element_type3A_567 = arith.extui %lt3A_566 : i1 to i32
      %cond3A_568 = arith.constant 0 : i32
      %cond3A_569 = arith.cmpi ne, %convert_element_type3A_567, %cond3A_568 : i32
      scf.if %cond3A_569 {
        %mul3A_570 = arith.constant 2 : i32
        %mul3A_571 = arith.muli %mul3A_570, %scan3A_257 : i32
        %add3A_572 = arith.constant 3 : i32
        %add3A_573 = arith.addi %mul3A_571, %add3A_572 : i32
        %mul3A_574 = arith.constant 4 : i32
        %mul3A_575 = arith.muli %add3A_573, %mul3A_574 : i32
        %add3A_576 = arith.addi %mul3A_2, %mul3A_575 : i32
        %mul3A_577 = arith.constant 50 : i32
        %mul3A_578 = arith.muli %add3A_576, %mul3A_577 : i32
        %mul3A_579 = arith.constant 4 : i32
        %mul3A_580 = arith.muli %mul3A_578, %mul3A_579 : i32
        "tpu.region"() ({
          %run_scoped3A = tpu.sem_alloc : memref<!tpu.dma_semaphore, #tpu.memory_space<semaphore_mem>>
          %dma_start3A_655 = tpu.memref_slice %arg2[%mul3A_580] : memref<819200xi32, #tpu.memory_space<hbm>> -> memref<800xi32, #tpu.memory_space<hbm>>
          %dma_start3A_656 = tpu.memref_slice %arg2[%mul3A_580] : memref<819200xi32, #tpu.memory_space<hbm>> -> memref<800xi32, #tpu.memory_space<hbm>>
          tpu.enqueue_dma source(%dma_start3A_656 : memref<800xi32, #tpu.memory_space<hbm>>) target(%arg14 : memref<800xi32, #tpu.memory_space<vmem>>) target_semaphore(%run_scoped3A : memref<!tpu.dma_semaphore, #tpu.memory_space<semaphore_mem>>)
          %dma_wait3A_657 = tpu.memref_slice %arg2[%mul3A_580] : memref<819200xi32, #tpu.memory_space<hbm>> -> memref<800xi32, #tpu.memory_space<hbm>>
          %dma_wait3A_658 = tpu.memref_slice %arg2[%mul3A_580] : memref<819200xi32, #tpu.memory_space<hbm>> -> memref<800xi32, #tpu.memory_space<hbm>>
          tpu.wait_dma2 semaphore(%run_scoped3A : memref<!tpu.dma_semaphore, #tpu.memory_space<semaphore_mem>>) src(%dma_wait3A_658 : memref<800xi32, #tpu.memory_space<hbm>>) dst(%arg14 : memref<800xi32, #tpu.memory_space<vmem>>)
          tpu.yield
        }) : () -> ()
        %mul3A_581 = arith.constant 50 : i32
        %mul3A_582 = arith.muli %add3A_576, %mul3A_581 : i32
        "tpu.region"() ({
          %run_scoped3A = tpu.sem_alloc : memref<!tpu.dma_semaphore, #tpu.memory_space<semaphore_mem>>
          %dma_start3A_655 = tpu.memref_slice %arg3[%mul3A_582] : memref<204800xi32, #tpu.memory_space<hbm>> -> memref<200xi32, #tpu.memory_space<hbm>>
          %dma_start3A_656 = tpu.memref_slice %arg3[%mul3A_582] : memref<204800xi32, #tpu.memory_space<hbm>> -> memref<200xi32, #tpu.memory_space<hbm>>
          tpu.enqueue_dma source(%dma_start3A_656 : memref<200xi32, #tpu.memory_space<hbm>>) target(%arg16 : memref<200xi32, #tpu.memory_space<vmem>>) target_semaphore(%run_scoped3A : memref<!tpu.dma_semaphore, #tpu.memory_space<semaphore_mem>>)
          %dma_wait3A_657 = tpu.memref_slice %arg3[%mul3A_582] : memref<204800xi32, #tpu.memory_space<hbm>> -> memref<200xi32, #tpu.memory_space<hbm>>
          %dma_wait3A_658 = tpu.memref_slice %arg3[%mul3A_582] : memref<204800xi32, #tpu.memory_space<hbm>> -> memref<200xi32, #tpu.memory_space<hbm>>
          tpu.wait_dma2 semaphore(%run_scoped3A : memref<!tpu.dma_semaphore, #tpu.memory_space<semaphore_mem>>) src(%dma_wait3A_658 : memref<200xi32, #tpu.memory_space<hbm>>) dst(%arg16 : memref<200xi32, #tpu.memory_space<vmem>>)
          tpu.yield
        }) : () -> ()
        %dma_start3A_583 = arith.constant 0 : i32
        %dma_start3A_584 = arith.constant 0 : i32
        %dma_start3A_585 = tpu.memref_slice %arg21[%dma_start3A_583, %dma_start3A_584] : memref<800x32xf32, #tpu.memory_space<vmem>> -> memref<128x32xf32, #tpu.memory_space<vmem>>
        %dma_start3A_586 = arith.constant 0 : i32
        %dma_start3A_587 = tpu.memref_slice %arg14[%dma_start3A_586] : memref<800xi32, #tpu.memory_space<vmem>> -> memref<128xi32, #tpu.memory_space<vmem>>
        %dma_start3A_588 = arith.constant 0 : i32
        %dma_start3A_589 = arith.constant 0 : i32
        %dma_start3A_590 = tpu.memref_slice %arg7[%dma_start3A_588, %dma_start3A_589] : memref<100000x32xf32, #tpu.memory_space<hbm>> -> memref<100000x32xf32, #tpu.memory_space<hbm>>
        tpu.enqueue_indirect_dma source(%dma_start3A_590 : memref<100000x32xf32, #tpu.memory_space<hbm>>) target(%dma_start3A_585 : memref<128x32xf32, #tpu.memory_space<vmem>>) offsets(%dma_start3A_587 : memref<128xi32, #tpu.memory_space<vmem>>) semaphore(%arg32 : memref<!tpu.dma_semaphore, #tpu.memory_space<semaphore_mem>>)
        %dma_start3A_591 = arith.constant 128 : i32
        %dma_start3A_592 = arith.constant 0 : i32
        %dma_start3A_593 = tpu.memref_slice %arg21[%dma_start3A_591, %dma_start3A_592] : memref<800x32xf32, #tpu.memory_space<vmem>> -> memref<128x32xf32, #tpu.memory_space<vmem>>
        %dma_start3A_594 = arith.constant 128 : i32
        %dma_start3A_595 = tpu.memref_slice %arg14[%dma_start3A_594] : memref<800xi32, #tpu.memory_space<vmem>> -> memref<128xi32, #tpu.memory_space<vmem>>
        %dma_start3A_596 = arith.constant 0 : i32
        %dma_start3A_597 = arith.constant 0 : i32
        %dma_start3A_598 = tpu.memref_slice %arg7[%dma_start3A_596, %dma_start3A_597] : memref<100000x32xf32, #tpu.memory_space<hbm>> -> memref<100000x32xf32, #tpu.memory_space<hbm>>
        tpu.enqueue_indirect_dma source(%dma_start3A_598 : memref<100000x32xf32, #tpu.memory_space<hbm>>) target(%dma_start3A_593 : memref<128x32xf32, #tpu.memory_space<vmem>>) offsets(%dma_start3A_595 : memref<128xi32, #tpu.memory_space<vmem>>) semaphore(%arg32 : memref<!tpu.dma_semaphore, #tpu.memory_space<semaphore_mem>>)
        %dma_start3A_599 = arith.constant 256 : i32
        %dma_start3A_600 = arith.constant 0 : i32
        %dma_start3A_601 = tpu.memref_slice %arg21[%dma_start3A_599, %dma_start3A_600] : memref<800x32xf32, #tpu.memory_space<vmem>> -> memref<128x32xf32, #tpu.memory_space<vmem>>
        %dma_start3A_602 = arith.constant 256 : i32
        %dma_start3A_603 = tpu.memref_slice %arg14[%dma_start3A_602] : memref<800xi32, #tpu.memory_space<vmem>> -> memref<128xi32, #tpu.memory_space<vmem>>
        %dma_start3A_604 = arith.constant 0 : i32
        %dma_start3A_605 = arith.constant 0 : i32
        %dma_start3A_606 = tpu.memref_slice %arg7[%dma_start3A_604, %dma_start3A_605] : memref<100000x32xf32, #tpu.memory_space<hbm>> -> memref<100000x32xf32, #tpu.memory_space<hbm>>
        tpu.enqueue_indirect_dma source(%dma_start3A_606 : memref<100000x32xf32, #tpu.memory_space<hbm>>) target(%dma_start3A_601 : memref<128x32xf32, #tpu.memory_space<vmem>>) offsets(%dma_start3A_603 : memref<128xi32, #tpu.memory_space<vmem>>) semaphore(%arg32 : memref<!tpu.dma_semaphore, #tpu.memory_space<semaphore_mem>>)
        %dma_start3A_607 = arith.constant 384 : i32
        %dma_start3A_608 = arith.constant 0 : i32
        %dma_start3A_609 = tpu.memref_slice %arg21[%dma_start3A_607, %dma_start3A_608] : memref<800x32xf32, #tpu.memory_space<vmem>> -> memref<128x32xf32, #tpu.memory_space<vmem>>
        %dma_start3A_610 = arith.constant 384 : i32
        %dma_start3A_611 = tpu.memref_slice %arg14[%dma_start3A_610] : memref<800xi32, #tpu.memory_space<vmem>> -> memref<128xi32, #tpu.memory_space<vmem>>
        %dma_start3A_612 = arith.constant 0 : i32
        %dma_start3A_613 = arith.constant 0 : i32
        %dma_start3A_614 = tpu.memref_slice %arg7[%dma_start3A_612, %dma_start3A_613] : memref<100000x32xf32, #tpu.memory_space<hbm>> -> memref<100000x32xf32, #tpu.memory_space<hbm>>
        tpu.enqueue_indirect_dma source(%dma_start3A_614 : memref<100000x32xf32, #tpu.memory_space<hbm>>) target(%dma_start3A_609 : memref<128x32xf32, #tpu.memory_space<vmem>>) offsets(%dma_start3A_611 : memref<128xi32, #tpu.memory_space<vmem>>) semaphore(%arg32 : memref<!tpu.dma_semaphore, #tpu.memory_space<semaphore_mem>>)
        %dma_start3A_615 = arith.constant 512 : i32
        %dma_start3A_616 = arith.constant 0 : i32
        %dma_start3A_617 = tpu.memref_slice %arg21[%dma_start3A_615, %dma_start3A_616] : memref<800x32xf32, #tpu.memory_space<vmem>> -> memref<128x32xf32, #tpu.memory_space<vmem>>
        %dma_start3A_618 = arith.constant 512 : i32
        %dma_start3A_619 = tpu.memref_slice %arg14[%dma_start3A_618] : memref<800xi32, #tpu.memory_space<vmem>> -> memref<128xi32, #tpu.memory_space<vmem>>
        %dma_start3A_620 = arith.constant 0 : i32
        %dma_start3A_621 = arith.constant 0 : i32
        %dma_start3A_622 = tpu.memref_slice %arg7[%dma_start3A_620, %dma_start3A_621] : memref<100000x32xf32, #tpu.memory_space<hbm>> -> memref<100000x32xf32, #tpu.memory_space<hbm>>
        tpu.enqueue_indirect_dma source(%dma_start3A_622 : memref<100000x32xf32, #tpu.memory_space<hbm>>) target(%dma_start3A_617 : memref<128x32xf32, #tpu.memory_space<vmem>>) offsets(%dma_start3A_619 : memref<128xi32, #tpu.memory_space<vmem>>) semaphore(%arg32 : memref<!tpu.dma_semaphore, #tpu.memory_space<semaphore_mem>>)
        %dma_start3A_623 = arith.constant 640 : i32
        %dma_start3A_624 = arith.constant 0 : i32
        %dma_start3A_625 = tpu.memref_slice %arg21[%dma_start3A_623, %dma_start3A_624] : memref<800x32xf32, #tpu.memory_space<vmem>> -> memref<128x32xf32, #tpu.memory_space<vmem>>
        %dma_start3A_626 = arith.constant 640 : i32
        %dma_start3A_627 = tpu.memref_slice %arg14[%dma_start3A_626] : memref<800xi32, #tpu.memory_space<vmem>> -> memref<128xi32, #tpu.memory_space<vmem>>
        %dma_start3A_628 = arith.constant 0 : i32
        %dma_start3A_629 = arith.constant 0 : i32
        %dma_start3A_630 = tpu.memref_slice %arg7[%dma_start3A_628, %dma_start3A_629] : memref<100000x32xf32, #tpu.memory_space<hbm>> -> memref<100000x32xf32, #tpu.memory_space<hbm>>
        tpu.enqueue_indirect_dma source(%dma_start3A_630 : memref<100000x32xf32, #tpu.memory_space<hbm>>) target(%dma_start3A_625 : memref<128x32xf32, #tpu.memory_space<vmem>>) offsets(%dma_start3A_627 : memref<128xi32, #tpu.memory_space<vmem>>) semaphore(%arg32 : memref<!tpu.dma_semaphore, #tpu.memory_space<semaphore_mem>>)
        %dma_start3A_631 = arith.constant 768 : i32
        %dma_start3A_632 = arith.constant 0 : i32
        %dma_start3A_633 = tpu.memref_slice %arg21[%dma_start3A_631, %dma_start3A_632] : memref<800x32xf32, #tpu.memory_space<vmem>> -> memref<32x32xf32, #tpu.memory_space<vmem>>
        %dma_start3A_634 = arith.constant 768 : i32
        %dma_start3A_635 = tpu.memref_slice %arg14[%dma_start3A_634] : memref<800xi32, #tpu.memory_space<vmem>> -> memref<32xi32, #tpu.memory_space<vmem>>
        %dma_start3A_636 = arith.constant 0 : i32
        %dma_start3A_637 = arith.constant 0 : i32
        %dma_start3A_638 = tpu.memref_slice %arg7[%dma_start3A_636, %dma_start3A_637] : memref<100000x32xf32, #tpu.memory_space<hbm>> -> memref<100000x32xf32, #tpu.memory_space<hbm>>
        tpu.enqueue_indirect_dma source(%dma_start3A_638 : memref<100000x32xf32, #tpu.memory_space<hbm>>) target(%dma_start3A_633 : memref<32x32xf32, #tpu.memory_space<vmem>>) offsets(%dma_start3A_635 : memref<32xi32, #tpu.memory_space<vmem>>) semaphore(%arg32 : memref<!tpu.dma_semaphore, #tpu.memory_space<semaphore_mem>>)
        %dma_start3A_639 = arith.constant 0 : i32
        %dma_start3A_640 = arith.constant 0 : i32
        %dma_start3A_641 = tpu.memref_slice %arg23[%dma_start3A_639, %dma_start3A_640] : memref<200x32xf32, #tpu.memory_space<vmem>> -> memref<128x32xf32, #tpu.memory_space<vmem>>
        %dma_start3A_642 = arith.constant 0 : i32
        %dma_start3A_643 = tpu.memref_slice %arg16[%dma_start3A_642] : memref<200xi32, #tpu.memory_space<vmem>> -> memref<128xi32, #tpu.memory_space<vmem>>
        %dma_start3A_644 = arith.constant 0 : i32
        %dma_start3A_645 = arith.constant 0 : i32
        %dma_start3A_646 = tpu.memref_slice %arg8[%dma_start3A_644, %dma_start3A_645] : memref<1000000x32xf32, #tpu.memory_space<hbm>> -> memref<1000000x32xf32, #tpu.memory_space<hbm>>
        tpu.enqueue_indirect_dma source(%dma_start3A_646 : memref<1000000x32xf32, #tpu.memory_space<hbm>>) target(%dma_start3A_641 : memref<128x32xf32, #tpu.memory_space<vmem>>) offsets(%dma_start3A_643 : memref<128xi32, #tpu.memory_space<vmem>>) semaphore(%arg32 : memref<!tpu.dma_semaphore, #tpu.memory_space<semaphore_mem>>)
        %dma_start3A_647 = arith.constant 128 : i32
        %dma_start3A_648 = arith.constant 0 : i32
        %dma_start3A_649 = tpu.memref_slice %arg23[%dma_start3A_647, %dma_start3A_648] : memref<200x32xf32, #tpu.memory_space<vmem>> -> memref<72x32xf32, #tpu.memory_space<vmem>>
        %dma_start3A_650 = arith.constant 128 : i32
        %dma_start3A_651 = tpu.memref_slice %arg16[%dma_start3A_650] : memref<200xi32, #tpu.memory_space<vmem>> -> memref<72xi32, #tpu.memory_space<vmem>>
        %dma_start3A_652 = arith.constant 0 : i32
        %dma_start3A_653 = arith.constant 0 : i32
        %dma_start3A_654 = tpu.memref_slice %arg8[%dma_start3A_652, %dma_start3A_653] : memref<1000000x32xf32, #tpu.memory_space<hbm>> -> memref<1000000x32xf32, #tpu.memory_space<hbm>>
        tpu.enqueue_indirect_dma source(%dma_start3A_654 : memref<1000000x32xf32, #tpu.memory_space<hbm>>) target(%dma_start3A_649 : memref<72x32xf32, #tpu.memory_space<vmem>>) offsets(%dma_start3A_651 : memref<72xi32, #tpu.memory_space<vmem>>) semaphore(%arg32 : memref<!tpu.dma_semaphore, #tpu.memory_space<semaphore_mem>>)
      } else {
      }
    }
    %scan3A_240 = arith.constant 16 : i32
    %dma_wait3A_241 = arith.constant 0 : i32
    %dma_wait3A_242 = arith.constant 0 : i32
    %dma_wait3A_243 = tpu.memref_slice %arg11[%mul3A_2, %dma_wait3A_241, %dma_wait3A_242] : memref<4096x50x64xf32, #tpu.memory_space<hbm>> -> memref<4x50x64xf32, #tpu.memory_space<hbm>>
    %dma_wait3A_244 = arith.constant 0 : i32
    %dma_wait3A_245 = arith.constant 0 : i32
    %dma_wait3A_246 = tpu.memref_slice %arg11[%mul3A_2, %dma_wait3A_244, %dma_wait3A_245] : memref<4096x50x64xf32, #tpu.memory_space<hbm>> -> memref<4x50x64xf32, #tpu.memory_space<hbm>>
    tpu.wait_dma2 semaphore(%arg33 : memref<!tpu.dma_semaphore, #tpu.memory_space<semaphore_mem>>) src(%arg24 : memref<4x50x64xf32, #tpu.memory_space<vmem>>) dst(%dma_wait3A_246 : memref<4x50x64xf32, #tpu.memory_space<hbm>>)
    %dma_wait3A_247 = arith.constant 0 : i32
    %dma_wait3A_248 = arith.constant 0 : i32
    %dma_wait3A_249 = tpu.memref_slice %arg11[%mul3A_2, %dma_wait3A_247, %dma_wait3A_248] : memref<4096x50x64xf32, #tpu.memory_space<hbm>> -> memref<4x50x64xf32, #tpu.memory_space<hbm>>
    %dma_wait3A_250 = arith.constant 0 : i32
    %dma_wait3A_251 = arith.constant 0 : i32
    %dma_wait3A_252 = tpu.memref_slice %arg11[%mul3A_2, %dma_wait3A_250, %dma_wait3A_251] : memref<4096x50x64xf32, #tpu.memory_space<hbm>> -> memref<4x50x64xf32, #tpu.memory_space<hbm>>
    tpu.wait_dma2 semaphore(%arg34 : memref<!tpu.dma_semaphore, #tpu.memory_space<semaphore_mem>>) src(%arg25 : memref<4x50x64xf32, #tpu.memory_space<vmem>>) dst(%dma_wait3A_252 : memref<4x50x64xf32, #tpu.memory_space<hbm>>)
    %dma_wait3A_253 = arith.constant 0 : i32
    %dma_wait3A_254 = tpu.memref_slice %arg12[%mul3A_2, %dma_wait3A_253] : memref<4096x64xf32, #tpu.memory_space<hbm>> -> memref<8x64xf32, #tpu.memory_space<hbm>>
    %dma_wait3A_255 = arith.constant 0 : i32
    %dma_wait3A_256 = tpu.memref_slice %arg12[%mul3A_2, %dma_wait3A_255] : memref<4096x64xf32, #tpu.memory_space<hbm>> -> memref<8x64xf32, #tpu.memory_space<hbm>>
    tpu.wait_dma2 semaphore(%arg35 : memref<!tpu.dma_semaphore, #tpu.memory_space<semaphore_mem>>) src(%arg26 : memref<8x64xf32, #tpu.memory_space<vmem>>) dst(%dma_wait3A_256 : memref<8x64xf32, #tpu.memory_space<hbm>>)
    return
  }
}

</mosaic_0001>

<sc_bundles>
// kernel: kernel.3.cloned.1.call-start
scs
__scs_entry_jumppad:
0x0: {  	(pc) =	sbr.rel $0x88, $3  }
0x1: {  	(tag) =	ssettag $0x0;
	lr =	simm.s32 $0x1  }
0x2: {  	[smem:$0x3F99] =	sst lr;
	_ =	strace $0xD0000000  }
0x3: {  	_ = 	snop  }
0x4: {  	_ = 	snop  }
0x5: {  	_ = 	snop  }
0x6: {  	_ = 	snop  }
0x7: {  	_ = 	snop  }
__scs_overlays_trampoline_lowered:
0x8: {  	[smem:$0x3FA8] =	sst s0  }
0x9: {  	[smem:$0x3FA9] =	sst s1  }
0xa: {  	[smem:$0x3FAA] =	sst s2  }
0xb: {  	[smem:$0x3FAB] =	sst s3  }
0xc: {  	[smem:$0x3FAC] =	sst s4  }
0xd: {  	[smem:$0x3FAD] =	sst s5  }
0xe: {  	[smem:$0x3FAE] =	sst s6  }
0xf: {  	[smem:$0x3FAF] =	sst s7  }
0x10: {  	[smem:$0x3FB0] =	sst s8  }
0x11: {  	[smem:$0x3FB1] =	sst s9;
	s0 =	simm.s32 @!p0 $0x0  }
0x12: {  	s1 =	sld [smem:$0x3F97];
	s0 =	simm.s32 @p0 $0x1  }
0x13: {  	[smem:$0x3FB2] =	sst s0;
	s0 =	simm.s32 @!p1 $0x0  }
0x14: {  	s2 =	sld [smem:$0x3F96];
	s0 =	simm.s32 @p1 $0x1  }
0x15: {  	[smem:$0x3FB3] =	sst s0;
	s0 =	simm.s32 @!p2 $0x0  }
0x16: {  	s3 =	sld [smem:$0x3FDB];
	s0 =	simm.s32 @p2 $0x1  }
0x17: {  	s4 =	simm.s32 $0x1BF5;
	[smem:$0x3FB5] =	sst s0  }
0x18: {  	s0 =	sld [smem:$0x3F98];
	_ =	swait.ge [sflag:s4], $0x0  }
0x19: {  	s7 =	sld [smem:$0x3F99]  }
0x1a: {  	s8 =	sadd.s32 $0xFFFFE003, lr  }
0x1b: {  	s9 =	sadd.s32 $0xFFFFFEF7, lr;
	s5 =	simm.s32 $0xFFFFFFFF;
	p2 =	slt.u32 s8, $0xFFFFF086  }
0x1c: {  	p1 =	slt.u32 s9, $0xF7A;
	s5 =	simm.s32 @!p2 $0x0  }
0x1d: {  	s5 =	simm.s32 @p1 $0x1;
	p0 =	seq.s32 s7, s2  }
0x1e: {  	s7 =	smul.u32 @!p0 $0xF7A, s2;
	p2 =	seq.s32 @!p0 s5, $0x0  }
0x1f: {  	s9 =	smul.u32 $0xF7A, s1;
	s8 =	simm.s32 @!p0 $0x1BF5;
	p2 =	por !p2, p0  }
0x20: {  	[sflag:s8] =	ssyncset.s32 @!p0 $0xFFFFF086;
	s6 =	sadd.s32 @!p0 s3, s7;
	s7 =	simm.s32 @!p0 $0x108  }
0x21: {  	s3 =	sadd.s32 s3, s9;
	s6 =	sadd.s32 @!p0 $0x88, s6;
	s7 =	simm.s32 @p2 $0x1082  }
0x22: {  	[simem:s7], [sflag:s8] =	dma.local @!p0 [hbm:s6], $0xF7A  }
0x23: {  	s9 =	sor.u32 $0xD0000000, s2;
	s6 =	simm.s32 $0x108;
	_ =	swait.ge @!p0 [sflag:s8], $0x0  }
0x24: {  	s3 =	sadd.s32 $0x88, s3;
	s6 =	simm.s32 @!p1 $0x1082;
	[sflag:s4] =	ssyncset.s32 $0xFFFFF086  }
0x25: {  	[simem:s6], [sflag:s4] =	dma.local [hbm:s3], $0xF7A  }
0x26: {  	[smem:$0x3F99] =	sst s1;
	(tag) =	ssettag s2;
	_ =	strace s9  }
0x27: {  	s1 =	sld [smem:$0x3FA9]  }
0x28: {  	s2 =	sld [smem:$0x3FAA]  }
0x29: {  	s4 =	sld [smem:$0x3FAC]  }
0x2a: {  	p0 =	seq.s32 s5, $0x0;
	s5 =	sld [smem:$0x3FAD]  }
0x2b: {  	s6 =	sld [smem:$0x3FAE]  }
0x2c: {  	s7 =	sld [smem:$0x3FAF]  }
0x2d: {  	s3 =	simm.s32 $0x108;
	s8 =	sld [smem:$0x3FB0]  }
0x2e: {  	s3 =	simm.s32 @!p0 $0x1082;
	s9 =	sld [smem:$0x3FB1]  }
0x2f: {  	lr =	sadd.s32 s0, s3;
	s0 =	sld [smem:$0x3FA8]  }
0x30: {  	s3 =	sld [smem:$0x3FAB]  }
0x31: {  	[smem:$0x3FB4] =	sst s10  }
0x32: {  	s10 =	sld [smem:$0x3FB2];
	_ =	sdelay $0x3  }
0x33: {  	p0 =	seq.s32 s10, $0x1;
	s10 =	sld [smem:$0x3FB4];
	_ =	sdelay $0x3  }
0x34: {  	[smem:$0x3FB4] =	sst s10  }
0x35: {  	s10 =	sld [smem:$0x3FB3];
	_ =	sdelay $0x3  }
0x36: {  	p1 =	seq.s32 s10, $0x1;
	s10 =	sld [smem:$0x3FB4];
	_ =	sdelay $0x3  }
0x37: {  	[smem:$0x3FB4] =	sst s10  }
0x38: {  	s10 =	sld [smem:$0x3FB5]  }
0x39: {  	_ = 	snop;
	(pc) =	sbr.ind lr, $3  }
0x3a: {  	_ = 	snop  }
0x3b: {  	_ = 	snop  }
0x3c: {  	p2 =	seq.s32 s10, $0x1;
	s10 =	sld [smem:$0x3FB4]  }
0x3d: {  	_ =	shalt  }
0x3e: {  	_ =	shalt  }
0x3f: {  	_ =	shalt  }
0x40: {  	_ =	shalt  }
0x41: {  	_ =	shalt  }
0x42: {  	_ =	shalt  }
0x43: {  	_ =	shalt  }
0x44: {  	_ =	shalt  }
0x45: {  	_ =	shalt  }
0x46: {  	_ =	shalt  }
0x47: {  	_ =	shalt  }
0x48: {  	_ =	shalt  }
0x49: {  	_ =	shalt  }
0x4a: {  	_ =	shalt  }
0x4b: {  	_ =	shalt  }
0x4c: {  	_ =	shalt  }
0x4d: {  	_ =	shalt  }
0x4e: {  	_ =	shalt  }
0x4f: {  	_ =	shalt  }
0x50: {  	_ =	shalt  }
0x51: {  	_ =	shalt  }
0x52: {  	_ =	shalt  }
0x53: {  	_ =	shalt  }
0x54: {  	_ =	shalt  }
0x55: {  	_ =	shalt  }
0x56: {  	_ =	shalt  }
0x57: {  	_ =	shalt  }
0x58: {  	_ =	shalt  }
0x59: {  	_ =	shalt  }
0x5a: {  	_ =	shalt  }
0x5b: {  	_ =	shalt  }
0x5c: {  	_ =	shalt  }
0x5d: {  	_ =	shalt  }
0x5e: {  	_ =	shalt  }
0x5f: {  	_ =	shalt  }
0x60: {  	_ =	shalt  }
0x61: {  	_ =	shalt  }
0x62: {  	_ =	shalt  }
0x63: {  	_ =	shalt  }
0x64: {  	_ =	shalt  }
0x65: {  	_ =	shalt  }
0x66: {  	_ =	shalt  }
0x67: {  	_ =	shalt  }
0x68: {  	_ =	shalt  }
0x69: {  	_ =	shalt  }
0x6a: {  	_ =	shalt  }
0x6b: {  	_ =	shalt  }
0x6c: {  	_ =	shalt  }
0x6d: {  	_ =	shalt  }
0x6e: {  	_ =	shalt  }
0x6f: {  	_ =	shalt  }
0x70: {  	_ =	shalt  }
0x71: {  	_ =	shalt  }
0x72: {  	_ =	shalt  }
0x73: {  	_ =	shalt  }
0x74: {  	_ =	shalt  }
0x75: {  	_ =	shalt  }
0x76: {  	_ =	shalt  }
0x77: {  	_ =	shalt  }
0x78: {  	_ =	shalt  }
0x79: {  	_ =	shalt  }
0x7a: {  	_ =	shalt  }
0x7b: {  	_ =	shalt  }
0x7c: {  	_ =	shalt  }
0x7d: {  	_ =	shalt  }
0x7e: {  	_ =	shalt  }
0x7f: {  	_ =	shalt  }
0x80: {  	_ =	shalt  }
0x81: {  	_ =	shalt  }
0x82: {  	_ =	shalt  }
0x83: {  	_ =	shalt  }
0x84: {  	_ =	shalt  }
0x85: {  	_ =	shalt  }
0x86: {  	_ =	shalt  }
0x87: {  	_ =	shalt  }
.Lfunc_end0:
.L_simem_size_0:
called_computation.1_lowered:
.L_overlay_start_0:
0x88: {  	s2 =	sld [smem:$0x3FD9]  }
0x89: {  	s3 =	sld [smem:$0x3FFE];
	_ =	sdelay $0x1  }
0x8a: {  	s1 =	srdreg.scid  }
0x8b: {  	s0 =	sand.u32 $0x1, s1  }
0x8c: {  	s14 =	sshll.u32 s0, $0xA;
	s2 =	sadd.s32 s3, s2  }
0x8d: {  	s2 =	sadd.s32 s2, s14  }
0x8e: {  	[smem:$0x3FC0] =	sst s2  }
0x8f: {  	_ = 	snop  }
0x90: {  	s2 =	sld [smem:$0x3FD0];
	_ =	sdelay $0x1  }
0x91: {  	s15 =	sld [smem:$0x3FC9]  }
0x92: {  	s5 =	simm.s32 $0xA;
	s6 =	simm.s32 $0x10;
	s4 =	sld [smem:$0x3FC7]  }
0x93: {  	[smem:s6], [sflag:s5] =	dma.local [hbm:s2], $0x1  }
0x94: {  	_ =	swait.eq [sflag:s5], $0x1  }
0x95: {  	s16 =	sld [smem:$0x10];
	[sflag:s5] =	ssyncset.done $0x0  }
0x96: {  	s17 =	sld [smem:$0x11];
	[sflag:s5] =	ssyncadd.s32 $0xFFFFFFFF  }
0x97: {  	s18 =	sld [smem:$0x12];
	(tm) =	ssettm $0x1  }
0x98: {  	s7 =	sld [smem:$0x3FFB];
	_ =	sdelay $0x3  }
0x99: {  	_ =	strace s7  }
0x9a: {  	s7 =	sld [smem:$0x3FFC];
	_ =	sdelay $0x3  }
0x9b: {  	_ =	strace s7  }
0x9c: {  	s7 =	sld [smem:$0x3FFD];
	_ =	sdelay $0x3  }
0x9d: {  	_ =	strace s7  }
0x9e: {  	_ =	strace $0x8FFFFFFF  }
0x9f: {  	s19 =	sld [smem:$0x3FDB];
	_ =	sdelay $0x1  }
0xa0: {  	s8 =	simm.s32 $_scs_section_size  }
0xa1: {  	s9 =	simm.s32 $_size__tile_overlayer_lowered;
	s10 =	simm.s32 $_tile_overlayer_lowered  }
0xa2: {  	s22 =	simm.s32 $0x1BFF;
	s21 =	sshll.u32 s10, $0x1;
	s7 =	sadd.s32 s8, s19  }
0xa3: {  	s11 =	simm.s32 $0x0;
	s20 =	sshll.u32 s9, $0x1;
	s9 =	sadd.s32 s21, s7  }
0xa4: {  	[timem:s11], [sflag:s22] =	dma.local [hbm:s9], s20  }
0xa5: {  	_ =	swait.ge [sflag:s22], s20  }
0xa6: {  	s8 =	ssub.s32 $0x0, s20;
	[sflag:s22] =	ssyncset.done $0x0  }
0xa7: {  	[sflag:s22] =	ssyncadd.s32 s8;
	_ =	sdelay $0x1  }
0xa8: {  	s23 =	simm.s32 $0x1B8B  }
0xa9: {  	_ =	swait.ge [sflag:s23], $0x1  }
0xaa: {  	[sflag:s23] =	ssyncset.done $0x0  }
0xab: {  	s25 =	simm.s32 $0x1B8E;
	s24 =	sld [smem:$0x3FFE];
	[sflag:s23] =	ssyncadd.s32 $0xFFFFFFFF  }
0xac: {  	s26 =	simm.s32 $execute0_lowered;
	[smem:$0x3FD2] =	sst s25  }
0xad: {  	s9 =	sshll.u32 s26, $0x1;
	_ =	strace $0x80000046;
	[dreg:$0x1] =	wrdreg $0xFFFFFFFF  }
0xae: {  	s28 =	simm.s32 $_size_execute0_lowered;
	s7 =	sadd.s32 s7, s9;
	[dreg:$0x0] =	wrdreg $0x0  }
0xaf: {  	s9 =	sshll.u32 s28, $0x1;
	[dreg:$0x2] =	wrdreg s7  }
0xb0: {  	[dreg:$0x3] =	wrdreg s9  }
0xb1: {  	[dreg:$0x4] =	wrdreg $0xC0  }
0xb2: {  	_ =	task [dreg:s11], $0x5FFFF  }
0xb3: {  	[dreg:$0x1] =	wrdreg $0xFFFFFFFF  }
0xb4: {  	[dreg:$0x0] =	wrdreg $0x60  }
0xb5: {  	[dreg:$0x2] =	wrdreg s24  }
0xb6: {  	[dreg:$0x3] =	wrdreg s15  }
0xb7: {  	[dreg:$0x4] =	wrdreg s4  }
0xb8: {  	[dreg:$0x5] =	wrdreg s16  }
0xb9: {  	[dreg:$0x6] =	wrdreg s17  }
0xba: {  	[dreg:$0x7] =	wrdreg s18  }
0xbb: {  	[dreg:$0x8] =	wrdreg $0x9  }
0xbc: {  	_ =	task.clear_ibuf [dreg:s11], $0x9FFFF;
	_ =	strace $0x90000046  }
0xbd: {  	s29 =	simm.s32 $0x9;
	_ =	strace $0x80000048  }
0xbe: {  	_ =	swait.ge [sflag:s29], $0x1  }
0xbf: {  	[sflag:s29] =	ssyncadd.s32 $0xFFFFFFFF  }
0xc0: {  	_ =	strace $0x90000048  }
0xc1: {  	_ =	sfence  }
0xc2: {  	s30 =	sld [smem:$0x0];
	_ =	sdelay $0x2  }
0xc3: {  	s31 =	sshll.u32 s1, $0xD;
	s1 =	sshrl.u32 s1, $0x2  }
0xc4: {  	s3 =	sand.u32 $0x4000, s31;
	s1 =	sadd.s32 s1, s30  }
0xc5: {  	s0 =	sor.u32 s3, s0;
	s1 =	sshll.u32 s1, $0x11  }
0xc6: {  	s0 =	sor.u32 s1, s0  }
0xc7: {  	s0 =	sadd.s32 $0x8F2B, s0  }
0xc8: {  	[sflag:s0] =	ssyncadd.remote.s32 $0x1  }
0xc9: {  	_ =	sfence.sel $0xFFFF  }
0xca: {  	[dreg:$0x0] =	wrdreg $0xFFFFFFFF;
	(pc) =	sbr.abs _section_cstart, $3  }
0xcb: {  	[dreg:$0x1] =	wrdreg $0xFFFFFFFF  }
0xcc: {  	_ =	task.clear_ibuf [dreg:s11], $0x2FFFF;
	_ =	strace $0x9FFFFFFF  }
0xcd: {  	(tm) =	ssettm $0x7FFFFFFF  }
tec
execute0_lowered:
.L_overlay_start_1:
0x0: {  	(tag) =	ssettag $0x1  }
0x1: {  	s0 =	rddreg [dreg:$0x0]  }
0x2: {  	s1 =	rddreg [dreg:$0x1]  }
0x3: {  	s2 =	rddreg [dreg:$0x2]  }
0x4: {  	s3 =	rddreg [dreg:$0x3]  }
0x5: {  	s29 =	rddreg [dreg:$0x4]  }
0x6: {  	s5 =	srdreg.scid;
	s6 =	stileid.u32;
	s4 =	simm.s32 $0x0  }
0x7: {  	s28 =	simm.s32 $0x80;
	s30 =	simm.s32 $0x708;
	s9 =	sand.u32 $0x1, s5  }
0x8: {  	s16 =	sshll.u32 s6, $0x1;
	[smem:$0x7FF] =	sst s4;
	s5 =	sadd.s32 $0x383600, s0  }
0x9: {  	s6 =	sadd.s32 $0xC6E00, s0;
	s8 =	sadd.s32 $0xF45A00, s0;
	s11 =	sor.u32 s9, s16  }
0xa: {  	_ =	strace $0x80000047;
	s17 =	ssub.s32 $0x2, s9;
	s13 =	smul.u32 $0xC80, s11  }
0xb: {  	s7 =	sshll.u32 s11, $0x6;
	s9 =	sshrl.u32 s17, $0x1;
	s15 =	smul.u32 $0x320, s11  }
0xc: {  	s10 =	sshll.u32 s11, $0x7;
	s14 =	sshll.u32 s11, $0x4;
	s20 =	smul.u32 $0x3000, s11  }
0xd: {  	s12 =	sadd.s32 s7, s0;
	s7 =	sadd.s32 $0x65200, s0;
	s0 =	sadd.s32 $0x3600, s0  }
0xe: {  	s11 =	smul.u32 $0x600, s11;
	s1 =	sadd.s32 s1, s14;
	[dreg:$0x7] =	wrdreg s0  }
0xf: {  	s16 =	sor.u32 $0x4, s10;
	s2 =	sadd.s32 s2, s14;
	[dreg:$0x8] =	wrdreg s1  }
0x10: {  	s26 =	sor.u32 $0x8, s10;
	s31 =	sor.u32 $0xC, s10;
	[dreg:$0x9] =	wrdreg s2  }
0x11: {  	s0 =	ssub.s32 s17, s9;
	s18 =	smul.u32 $0x32, s16;
	[dreg:$0x11] =	wrdreg s26  }
0x12: {  	s19 =	sadd.s32 $0xCD200, s12;
	s21 =	sadd.s32 s5, s13;
	[dreg:$0x12] =	wrdreg s31  }
0x13: {  	s22 =	sadd.s32 s6, s15;
	s23 =	smul.u32 $0x19, s16;
	[dreg:$0xa] =	wrdreg s19  }
0x14: {  	s2 =	sshrl.u32 s20, $0x3;
	s25 =	sadd.s32 s3, s11;
	[dreg:$0xb] =	wrdreg s21  }
0x15: {  	s11 =	simm.s32 $0x2;
	s13 =	simm.s32 $0x4;
	[dreg:$0xc] =	wrdreg s22  }
.Ltmp0:
0x16: {  	[dreg:$0xf] =	wrdreg s25;
	s0 =	smax.u32 s0, $0x1;
	(pc) =	sbr.rel .LBB2_1-.Ltmp0, $4  }
0x17: {  	s1 =	sshrl.u32 s18, $0x3;
	s9 =	sadd.s32 s5, s23;
	[dreg:$0x13] =	wrdreg s0  }
0x18: {  	s24 =	sadd.s32 s3, s2;
	[dreg:$0xd] =	wrdreg s9;
	s1 =	sadd.s32 s6, s1  }
0x19: {  	s2 =	simm.s32 $0x0;
	[dreg:$0xe] =	wrdreg s1;
	s1 =	sadd.s32 $0x300, s24  }
0x1a: {  	s23 =	simm.s32 $0x1;
	s24 =	simm.s32 $0x7;
	[dreg:$0x10] =	wrdreg s1  }
.LBB2_24:
0x1b: {  	s0 =	simm.s32 $0x3  }
0x1c: {  	_ =	swait.ge [sflag:s0], $0x3200  }
0x1d: {  	[sflag:s0] =	ssyncset.done $0x0  }
0x1e: {  	[sflag:s0] =	ssyncadd.s32 $0xFFFFCE00  }
0x1f: {  	_ =	swait.ge [sflag:s13], $0x3200  }
0x20: {  	[sflag:s13] =	ssyncset.done $0x0  }
0x21: {  	s1 =	simm.s32 $0x5;
	[sflag:s13] =	ssyncadd.s32 $0xFFFFCE00  }
0x22: {  	_ =	swait.ge [sflag:s1], $0x200  }
0x23: {  	s2 =	rddreg [dreg:$0x14]  }
0x24: {  	s31 =	rddreg [dreg:$0x13];
	s2 =	sadd.s32 $0x1, s2  }
0x25: {  	p0 =	sne.s32 s2, s31  }
.Ltmp1:
0x26: {  	_ = 	snop;
	(pc) =	sbr.rel @!p0 .LBB2_25-.Ltmp1, $3  }
0x27: {  	_ =	sdelay $0x1  }
0x28: {  	[sflag:s1] =	ssyncset.done $0x0  }
0x29: {  	[sflag:s1] =	ssyncadd.s32 $0xFFFFFE00  }
.LBB2_1:
0x2a: {  	[dreg:$0x14] =	wrdreg s2  }
0x2b: {  	s0 =	rddreg [dreg:$0x8];
	s1 =	simm.s32 $0x7D0  }
0x2c: {  	[tilespmem:s1], [sflag:$0x7] =	stream.linear.gather [hbm4b:s0+s4], $0x80, $0x38;
	[tilespmem:$0x1E2D0] =	vst v63  }
0x2d: {  	_ =	swait.ge [sflag:s24], $0x80  }
0x2e: {  	[sflag:s24] =	ssyncset.done $0x0  }
0x2f: {  	s22 =	simm.s32 $0x850;
	s21 =	rddreg [dreg:$0x9];
	[sflag:s24] =	ssyncadd.s32 $0xFFFFFF80  }
0x30: {  	[tilespmem:s22], [sflag:$0x7] =	stream.linear.gather [hbm4b:s21+s4], $0x80, $0x38;
	[tilespmem:$0x1E2D0] =	vst v63  }
0x31: {  	_ =	swait.ge [sflag:s24], $0x80  }
0x32: {  	[sflag:s24] =	ssyncset.done $0x0  }
0x33: {  	s3 =	simm.s32 $0x8D0;
	s25 =	rddreg [dreg:$0xa];
	[sflag:s24] =	ssyncadd.s32 $0xFFFFFF80  }
0x34: {  	[tilespmem:s3], [sflag:$0x7] =	stream.linear.gather [hbm4b:s25+s4], $0x200, $0x38;
	[tilespmem:$0x1E2D0] =	vst v63  }
0x35: {  	_ =	swait.ge [sflag:s24], $0x200  }
0x36: {  	[sflag:s24] =	ssyncset.done $0x0  }
0x37: {  	s9 =	simm.s32 $0x16AD0;
	s26 =	rddreg [dreg:$0x7];
	[sflag:s24] =	ssyncadd.s32 $0xFFFFFE00  }
0x38: {  	[tilespmem:s9], [sflag:$0x6] =	stream.indirect.gather [hbm4b:s26+s28], $0x20, s1, s28, $0xb8;
	[tilespmem:$0x1E2D0] =	vst v63  }
0x39: {  	s31 =	simm.s32 $0x17AD0  }
0x3a: {  	[tilespmem:s31], [sflag:$0x6] =	stream.indirect.gather [hbm4b:s26+s28], $0x20, s22, s28, $0xb8;
	[tilespmem:$0x1E2D0] =	vst v63  }
0x3b: {  	s2 =	simm.s32 $0x18AD0  }
0x3c: {  	[tilespmem:s2], [sflag:$0x6] =	stream.indirect.gather [hbm4b:s7+s28], $0x20, s3, s28, $0xb8;
	[tilespmem:$0x1E2D0] =	vst v63  }
0x3d: {  	s9 =	simm.s32 $0x19AD0;
	s3 =	simm.s32 $0x950  }
0x3e: {  	[tilespmem:s9], [sflag:$0x6] =	stream.indirect.gather [hbm4b:s7+s28], $0x20, s3, s28, $0xb8;
	[tilespmem:$0x1E2D0] =	vst v63  }
0x3f: {  	s12 =	simm.s32 $0x9D0;
	s14 =	simm.s32 $0x1AAD0  }
0x40: {  	[tilespmem:s14], [sflag:$0x6] =	stream.indirect.gather [hbm4b:s7+s28], $0x20, s12, s28, $0xb8;
	[tilespmem:$0x1E2D0] =	vst v63  }
0x41: {  	s15 =	simm.s32 $0xA50;
	s16 =	simm.s32 $0x1BAD0  }
0x42: {  	[tilespmem:s16], [sflag:$0x6] =	stream.indirect.gather [hbm4b:s7+s28], $0x20, s15, s28, $0xb8;
	[tilespmem:$0x1E2D0] =	vst v63  }
0x43: {  	s17 =	rddreg [dreg:$0xb]  }
0x44: {  	[tilespmem:s4], [sflag:$0x7] =	stream.linear.gather [hbm4b:s17+s4], $0x320, $0x38;
	[tilespmem:$0x1E2D0] =	vst v63  }
0x45: {  	_ =	swait.ge [sflag:s24], $0x320  }
0x46: {  	[sflag:s24] =	ssyncset.done $0x0  }
0x47: {  	s19 =	simm.s32 $0x640;
	s18 =	rddreg [dreg:$0xc];
	[sflag:s24] =	ssyncadd.s32 $0xFFFFFCE0  }
0x48: {  	[tilespmem:s19], [sflag:$0x7] =	stream.linear.gather [hbm4b:s18+s4], $0xC8, $0x38;
	[tilespmem:$0x1E2D0] =	vst v63  }
0x49: {  	_ =	swait.ge [sflag:s24], $0xC8  }
0x4a: {  	[sflag:s24] =	ssyncset.done $0x0  }
0x4b: {  	s20 =	simm.s32 $0xAD0;
	[sflag:s24] =	ssyncadd.s32 $0xFFFFFF38  }
0x4c: {  	[tilespmem:s20], [sflag:$0x1] =	stream.indirect.gather [hbm4b:s7+s28], $0x20, s4, s28, $0xb8;
	[tilespmem:$0x1E2D0] =	vst v63  }
0x4d: {  	s21 =	simm.s32 $0x1AD0  }
0x4e: {  	[tilespmem:s21], [sflag:$0x1] =	stream.indirect.gather [hbm4b:s7+s28], $0x20, s28, s28, $0xb8;
	[tilespmem:$0x1E2D0] =	vst v63  }
0x4f: {  	s25 =	simm.s32 $0x2AD0;
	s22 =	simm.s32 $0x100  }
0x50: {  	[tilespmem:s25], [sflag:$0x1] =	stream.indirect.gather [hbm4b:s7+s28], $0x20, s22, s28, $0xb8;
	[tilespmem:$0x1E2D0] =	vst v63  }
0x51: {  	s26 =	simm.s32 $0x180;
	s31 =	simm.s32 $0x3AD0  }
0x52: {  	[tilespmem:s31], [sflag:$0x1] =	stream.indirect.gather [hbm4b:s7+s28], $0x20, s26, s28, $0xb8;
	[tilespmem:$0x1E2D0] =	vst v63  }
0x53: {  	s3 =	simm.s32 $0x200;
	s9 =	simm.s32 $0x4AD0  }
0x54: {  	[tilespmem:s9], [sflag:$0x1] =	stream.indirect.gather [hbm4b:s7+s28], $0x20, s3, s28, $0xb8;
	[tilespmem:$0x1E2D0] =	vst v63  }
0x55: {  	s12 =	simm.s32 $0x280;
	s14 =	simm.s32 $0x5AD0  }
0x56: {  	[tilespmem:s14], [sflag:$0x1] =	stream.indirect.gather [hbm4b:s7+s28], $0x20, s12, s28, $0xb8;
	[tilespmem:$0x1E2D0] =	vst v63  }
0x57: {  	s2 =	simm.s32 $0x20;
	s15 =	simm.s32 $0x300;
	s16 =	simm.s32 $0x6AD0  }
0x58: {  	[tilespmem:s16], [sflag:$0x1] =	stream.indirect.gather [hbm4b:s7+s2], $0x20, s15, s2, $0xb8;
	[tilespmem:$0x1E2D0] =	vst v63  }
0x59: {  	s17 =	simm.s32 $0xD2D0  }
0x5a: {  	[tilespmem:s17], [sflag:$0x1] =	stream.indirect.gather [hbm4b:s8+s28], $0x20, s19, s28, $0xb8;
	[tilespmem:$0x1E2D0] =	vst v63  }
0x5b: {  	s1 =	simm.s32 $0x48;
	s18 =	simm.s32 $0x6C0;
	s19 =	simm.s32 $0xE2D0  }
0x5c: {  	[tilespmem:s19], [sflag:$0x1] =	stream.indirect.gather [hbm4b:s8+s1], $0x20, s18, s1, $0xb8;
	[tilespmem:$0x1E2D0] =	vst v63  }
0x5d: {  	s20 =	rddreg [dreg:$0xd];
	s21 =	simm.s32 $0x320  }
0x5e: {  	[tilespmem:s21], [sflag:$0x7] =	stream.linear.gather [hbm4b:s20+s4], $0x320, $0x38;
	[tilespmem:$0x1E2D0] =	vst v63  }
0x5f: {  	_ =	swait.ge [sflag:s24], $0x320  }
0x60: {  	[sflag:s24] =	ssyncset.done $0x0  }
0x61: {  	s22 =	rddreg [dreg:$0xe];
	[sflag:s24] =	ssyncadd.s32 $0xFFFFFCE0  }
0x62: {  	[tilespmem:s30], [sflag:$0x7] =	stream.linear.gather [hbm4b:s22+s4], $0xC8, $0x38;
	[tilespmem:$0x1E2D0] =	vst v63  }
0x63: {  	_ =	swait.ge [sflag:s24], $0xC8  }
0x64: {  	[sflag:s24] =	ssyncset.done $0x0  }
0x65: {  	s25 =	simm.s32 $0x6ED0;
	[sflag:s24] =	ssyncadd.s32 $0xFFFFFF38  }
0x66: {  	[tilespmem:s25], [sflag:$0x2] =	stream.indirect.gather [hbm4b:s7+s28], $0x20, s21, s28, $0xb8;
	[tilespmem:$0x1E2D0] =	vst v63  }
0x67: {  	s26 =	simm.s32 $0x3A0;
	s31 =	simm.s32 $0x7ED0  }
0x68: {  	[tilespmem:s31], [sflag:$0x2] =	stream.indirect.gather [hbm4b:s7+s28], $0x20, s26, s28, $0xb8;
	[tilespmem:$0x1E2D0] =	vst v63  }
0x69: {  	s3 =	simm.s32 $0x420;
	s9 =	simm.s32 $0x8ED0  }
0x6a: {  	[tilespmem:s9], [sflag:$0x2] =	stream.indirect.gather [hbm4b:s7+s28], $0x20, s3, s28, $0xb8;
	[tilespmem:$0x1E2D0] =	vst v63  }
0x6b: {  	s12 =	simm.s32 $0x4A0;
	s14 =	simm.s32 $0x9ED0  }
0x6c: {  	[tilespmem:s14], [sflag:$0x2] =	stream.indirect.gather [hbm4b:s7+s28], $0x20, s12, s28, $0xb8;
	[tilespmem:$0x1E2D0] =	vst v63  }
0x6d: {  	s15 =	simm.s32 $0x520;
	s16 =	simm.s32 $0xAED0  }
0x6e: {  	[tilespmem:s16], [sflag:$0x2] =	stream.indirect.gather [hbm4b:s7+s28], $0x20, s15, s28, $0xb8;
	[tilespmem:$0x1E2D0] =	vst v63  }
0x6f: {  	s17 =	simm.s32 $0x5A0;
	s18 =	simm.s32 $0xBED0  }
0x70: {  	[tilespmem:s18], [sflag:$0x2] =	stream.indirect.gather [hbm4b:s7+s28], $0x20, s17, s28, $0xb8;
	[tilespmem:$0x1E2D0] =	vst v63  }
0x71: {  	s19 =	simm.s32 $0x620;
	s20 =	simm.s32 $0xCED0  }
0x72: {  	[tilespmem:s20], [sflag:$0x2] =	stream.indirect.gather [hbm4b:s7+s2], $0x20, s19, s2, $0xb8;
	[tilespmem:$0x1E2D0] =	vst v63  }
0x73: {  	s21 =	simm.s32 $0xEBD0  }
0x74: {  	[tilespmem:s21], [sflag:$0x2] =	stream.indirect.gather [hbm4b:s8+s28], $0x20, s30, s28, $0xb8;
	[tilespmem:$0x1E2D0] =	vst v63  }
0x75: {  	s22 =	simm.s32 $0x788;
	s25 =	simm.s32 $0xFBD0;
	s26 =	simm.s32 $0x6  }
0x76: {  	[tilespmem:s25], [sflag:$0x2] =	stream.indirect.gather [hbm4b:s8+s1], $0x20, s22, s1, $0xb8;
	[tilespmem:$0x1E2D0] =	vst v63  }
0x77: {  	_ =	swait.ge [sflag:s26], $0x1000  }
0x78: {  	[sflag:s26] =	ssyncset.done $0x0  }
0x79: {  	[sflag:s26] =	ssyncadd.s32 $0xFFFFF000  }
0x7a: {  	_ =	swait.ge [sflag:s26], $0x1000  }
0x7b: {  	[sflag:s26] =	ssyncset.done $0x0  }
0x7c: {  	[sflag:s26] =	ssyncadd.s32 $0xFFFFF000  }
0x7d: {  	_ =	swait.ge [sflag:s26], $0x4000  }
0x7e: {  	[sflag:s26] =	ssyncset.done $0x0  }
0x7f: {  	s31 =	simm.s32 $0x0;
	[sflag:s26] =	ssyncadd.s32 $0xFFFFC000  }
0x80: {  	v0 =	vld [tilespmem:s31+$0x16AD0];
	_ =	sdelay $0x3  }
0x81: {  	s1 =	simm.s32 $0x1CB00  }
0x82: {  	[tilespmem:s1+$0xFFFFFFD0] =	vst v0  }
0x83: {  	v0 =	vld [tilespmem:s31+$0x17AD0];
	_ =	sdelay $0x4  }
0x84: {  	s3 =	simm.s32 $0x18B10;
	[tilespmem:s1+$0xFFFFFFF0] =	vst v0  }
0x85: {  	v0 =	vld [tilespmem:s3+$0xFFFFFFC0]  }
0x86: {  	v1 =	vld [tilespmem:s3+$0xFFFFFFE0];
	_ =	sdelay $0x1  }
0x87: {  	v2 =	vld [tilespmem:s3+$0x0];
	_ =	sdelay $0x1  }
0x88: {  	v3 =	vld [tilespmem:s3+$0x20]  }
0x89: {  	v0 =	vadd.f32 v1, v0;
	_ =	sdelay $0x1  }
0x8a: {  	v0 =	vadd.f32 v2, v0;
	_ =	sdelay $0x1  }
0x8b: {  	v0 =	vadd.f32 v3, v0;
	_ =	sdelay $0x1  }
0x8c: {  	[tilespmem:s1+$0x10] =	vst v0  }
0x8d: {  	v0 =	vld [tilespmem:s31+$0x16AE0];
	_ =	sdelay $0x4  }
0x8e: {  	[tilespmem:s1+$0xFFFFFFE0] =	vst v0  }
0x8f: {  	v0 =	vld [tilespmem:s31+$0x17AE0];
	_ =	sdelay $0x4  }
0x90: {  	[tilespmem:s1+$0x0] =	vst v0  }
0x91: {  	v0 =	vld [tilespmem:s3+$0xFFFFFFD0]  }
0x92: {  	v1 =	vld [tilespmem:s3+$0xFFFFFFF0];
	_ =	sdelay $0x2  }
0x93: {  	v2 =	vld [tilespmem:s3+$0x10];
	_ =	sdelay $0x1  }
0x94: {  	v1 =	vadd.f32 v1, v0;
	v0 =	vld [tilespmem:s3+$0x30];
	_ =	sdelay $0x2  }
0x95: {  	s9 =	simm.s32 $0x80;
	s12 =	simm.s32 $0x1CB00;
	v1 =	vadd.f32 v2, v1  }
.LBB2_2:
0x96: {  	p0 =	sne.s32 s9, $0x1F80;
	s3 =	sadd.s32 $0x80, s3;
	s1 =	sadd.s32 $0x60, s1  }
0x97: {  	s0 =	smov.u32 s9;
	s9 =	sadd.s32 $0x80, s9;
	v0 =	vadd.f32 v0, v1  }
0x98: {  	s0 =	sshra.s32 s0, $0x2  }
0x99: {  	[tilespmem:s12+$0x20] =	vst v0;
	s12 =	smov.u32 s1  }
0x9a: {  	v0 =	vld [tilespmem:s0+$0x16AD0];
	_ =	sdelay $0x4  }
0x9b: {  	[tilespmem:s1+$0xFFFFFFD0] =	vst v0  }
0x9c: {  	v0 =	vld [tilespmem:s0+$0x17AD0];
	_ =	sdelay $0x4  }
0x9d: {  	[tilespmem:s1+$0xFFFFFFF0] =	vst v0  }
0x9e: {  	v0 =	vld [tilespmem:s3+$0xFFFFFFC0]  }
0x9f: {  	v1 =	vld [tilespmem:s3+$0xFFFFFFE0];
	_ =	sdelay $0x1  }
0xa0: {  	v2 =	vld [tilespmem:s3+$0x0];
	_ =	sdelay $0x1  }
0xa1: {  	v3 =	vld [tilespmem:s3+$0x20]  }
0xa2: {  	v0 =	vadd.f32 v1, v0;
	_ =	sdelay $0x1  }
0xa3: {  	v0 =	vadd.f32 v2, v0;
	_ =	sdelay $0x1  }
0xa4: {  	v0 =	vadd.f32 v3, v0;
	_ =	sdelay $0x1  }
0xa5: {  	[tilespmem:s1+$0x10] =	vst v0  }
0xa6: {  	v0 =	vld [tilespmem:s0+$0x16AE0];
	_ =	sdelay $0x4  }
0xa7: {  	[tilespmem:s1+$0xFFFFFFE0] =	vst v0  }
0xa8: {  	v0 =	vld [tilespmem:s0+$0x17AE0];
	_ =	sdelay $0x4  }
0xa9: {  	[tilespmem:s1+$0x0] =	vst v0  }
0xaa: {  	v1 =	vld [tilespmem:s3+$0xFFFFFFD0]  }
0xab: {  	v2 =	vld [tilespmem:s3+$0xFFFFFFF0]  }
0xac: {  	v3 =	vld [tilespmem:s3+$0x10]  }
0xad: {  	v0 =	vld [tilespmem:s3+$0x30]  }
.Ltmp2:
0xae: {  	(pc) =	sbr.rel @p0 .LBB2_2-.Ltmp2, $3  }
0xaf: {  	_ = 	snop  }
0xb0: {  	v1 =	vadd.f32 v2, v1;
	_ =	sdelay $0x1  }
0xb1: {  	v1 =	vadd.f32 v3, v1  }
0xb2: {  	_ = 	snop  }
0xb3: {  	v0 =	vadd.f32 v0, v1;
	_ =	sdelay $0x1  }
0xb4: {  	s0 =	simm.s32 $0x0;
	s1 =	rddreg [dreg:$0xf];
	s2 =	simm.s32 $0x1CAD0;
	[tilespmem:s12+$0x20] =	vst v0  }
0xb5: {  	[hbm4b:s1+s0] =	stream.linear.scatter [tilespmem:s2], [sflag:$0x7], $0x1800, $0x38;
	[tilespmem:$0x1E2D0] =	vst v63  }
0xb6: {  	_ =	swait.ge [sflag:s24], $0x1800  }
0xb7: {  	[sflag:s24] =	ssyncset.done $0x0  }
0xb8: {  	s31 =	simm.s32 $0x0;
	[sflag:s24] =	ssyncadd.s32 $0xFFFFE800  }
0xb9: {  	v0 =	vld [tilespmem:s31+$0x172D0];
	_ =	sdelay $0x3  }
0xba: {  	s1 =	simm.s32 $0x1CB00  }
0xbb: {  	[tilespmem:s1+$0xFFFFFFD0] =	vst v0  }
0xbc: {  	v0 =	vld [tilespmem:s31+$0x182D0];
	_ =	sdelay $0x4  }
0xbd: {  	s3 =	simm.s32 $0x1AB40;
	[tilespmem:s1+$0xFFFFFFF0] =	vst v0  }
0xbe: {  	v0 =	vld [tilespmem:s3+$0xFFFFFF90]  }
0xbf: {  	v1 =	vld [tilespmem:s3+$0xFFFFFFB0];
	_ =	sdelay $0x1  }
0xc0: {  	v2 =	vld [tilespmem:s3+$0xFFFFFFD0];
	_ =	sdelay $0x1  }
0xc1: {  	v3 =	vld [tilespmem:s3+$0xFFFFFFF0]  }
0xc2: {  	v0 =	vadd.f32 v1, v0;
	_ =	sdelay $0x1  }
0xc3: {  	v0 =	vadd.f32 v2, v0;
	_ =	sdelay $0x1  }
0xc4: {  	v0 =	vadd.f32 v3, v0;
	_ =	sdelay $0x1  }
0xc5: {  	[tilespmem:s1+$0x10] =	vst v0  }
0xc6: {  	v0 =	vld [tilespmem:s31+$0x172E0];
	_ =	sdelay $0x4  }
0xc7: {  	[tilespmem:s1+$0xFFFFFFE0] =	vst v0  }
0xc8: {  	v0 =	vld [tilespmem:s31+$0x182E0];
	_ =	sdelay $0x4  }
0xc9: {  	[tilespmem:s1+$0x0] =	vst v0  }
0xca: {  	v0 =	vld [tilespmem:s3+$0xFFFFFFA0]  }
0xcb: {  	v1 =	vld [tilespmem:s3+$0xFFFFFFC0];
	_ =	sdelay $0x2  }
0xcc: {  	v2 =	vld [tilespmem:s3+$0xFFFFFFE0];
	_ =	sdelay $0x1  }
0xcd: {  	v1 =	vadd.f32 v1, v0;
	v0 =	vld [tilespmem:s3+$0x0];
	_ =	sdelay $0x2  }
0xce: {  	s9 =	simm.s32 $0x80;
	s12 =	simm.s32 $0x1CB00;
	v1 =	vadd.f32 v2, v1  }
.LBB2_4:
0xcf: {  	p0 =	sne.s32 s9, $0x1F80;
	s1 =	sadd.s32 $0x60, s1;
	s3 =	sadd.s32 $0x80, s3  }
0xd0: {  	s0 =	smov.u32 s9;
	s9 =	sadd.s32 $0x80, s9;
	v0 =	vadd.f32 v0, v1  }
0xd1: {  	s0 =	sshra.s32 s0, $0x2  }
0xd2: {  	[tilespmem:s12+$0x20] =	vst v0;
	s12 =	smov.u32 s1  }
0xd3: {  	v0 =	vld [tilespmem:s0+$0x172D0];
	_ =	sdelay $0x4  }
0xd4: {  	[tilespmem:s1+$0xFFFFFFD0] =	vst v0  }
0xd5: {  	v0 =	vld [tilespmem:s0+$0x182D0];
	_ =	sdelay $0x4  }
0xd6: {  	[tilespmem:s1+$0xFFFFFFF0] =	vst v0  }
0xd7: {  	v0 =	vld [tilespmem:s3+$0xFFFFFF90]  }
0xd8: {  	v1 =	vld [tilespmem:s3+$0xFFFFFFB0];
	_ =	sdelay $0x1  }
0xd9: {  	v2 =	vld [tilespmem:s3+$0xFFFFFFD0];
	_ =	sdelay $0x1  }
0xda: {  	v3 =	vld [tilespmem:s3+$0xFFFFFFF0]  }
0xdb: {  	v0 =	vadd.f32 v1, v0;
	_ =	sdelay $0x1  }
0xdc: {  	v0 =	vadd.f32 v2, v0;
	_ =	sdelay $0x1  }
0xdd: {  	v0 =	vadd.f32 v3, v0;
	_ =	sdelay $0x1  }
0xde: {  	[tilespmem:s1+$0x10] =	vst v0  }
0xdf: {  	v0 =	vld [tilespmem:s0+$0x172E0];
	_ =	sdelay $0x4  }
0xe0: {  	[tilespmem:s1+$0xFFFFFFE0] =	vst v0  }
0xe1: {  	v0 =	vld [tilespmem:s0+$0x182E0];
	_ =	sdelay $0x4  }
0xe2: {  	[tilespmem:s1+$0x0] =	vst v0  }
0xe3: {  	v1 =	vld [tilespmem:s3+$0xFFFFFFA0]  }
0xe4: {  	v2 =	vld [tilespmem:s3+$0xFFFFFFC0]  }
0xe5: {  	v3 =	vld [tilespmem:s3+$0xFFFFFFE0]  }
0xe6: {  	v0 =	vld [tilespmem:s3+$0x0]  }
.Ltmp3:
0xe7: {  	(pc) =	sbr.rel @p0 .LBB2_4-.Ltmp3, $3  }
0xe8: {  	_ = 	snop  }
0xe9: {  	v1 =	vadd.f32 v2, v1;
	_ =	sdelay $0x1  }
0xea: {  	v1 =	vadd.f32 v3, v1  }
0xeb: {  	_ = 	snop  }
0xec: {  	v0 =	vadd.f32 v0, v1;
	_ =	sdelay $0x1  }
0xed: {  	s14 =	simm.s32 $0x0;
	s0 =	rddreg [dreg:$0x10];
	s1 =	simm.s32 $0x1CAD0;
	[tilespmem:s12+$0x20] =	vst v0  }
0xee: {  	[hbm4b:s0+s14] =	stream.linear.scatter [tilespmem:s1], [sflag:$0x7], $0x1800, $0x38;
	[tilespmem:$0x1E2D0] =	vst v63  }
0xef: {  	_ =	swait.ge [sflag:s24], $0x1800  }
0xf0: {  	[sflag:s24] =	ssyncset.done $0x0  }
0xf1: {  	[sflag:s24] =	ssyncadd.s32 $0xFFFFE800  }
.LBB2_6:
0xf2: {  	p0 =	seq.s32 s14, $0x0  }
0xf3: {  	s0 =	simm.s32 @!p0 $0x3  }
0xf4: {  	_ =	swait.ge @!p0 [sflag:s0], $0x3200  }
0xf5: {  	[sflag:s0] =	ssyncset.done @!p0 $0x0  }
0xf6: {  	[sflag:s0] =	ssyncadd.s32 @!p0 $0xFFFFCE00;
	s0 =	simm.s32 @!p0 $0x5  }
0xf7: {  	_ =	swait.ge @!p0 [sflag:s0], $0x200  }
0xf8: {  	[sflag:s0] =	ssyncset.done @!p0 $0x0  }
0xf9: {  	[sflag:s0] =	ssyncadd.s32 @!p0 $0xFFFFFE00  }
0xfa: {  	_ =	swait.ge [sflag:s23], $0x6400  }
0xfb: {  	[sflag:s23] =	ssyncset.done $0x0  }
0xfc: {  	[sflag:s23] =	ssyncadd.s32 $0xFFFF9C00  }
0xfd: {  	_ =	swait.ge [sflag:s23], $0x1900  }
0xfe: {  	[sflag:s23] =	ssyncset.done $0x0  }
0xff: {  	s1 =	simm.s32 $0xB10;
	[sflag:s23] =	ssyncadd.s32 $0xFFFFE700  }
0x100: {  	v0 =	vld [tilespmem:s1+$0xFFFFFFE0]  }
0x101: {  	v1 =	vld [tilespmem:s1+$0xFFFFFFF0]  }
0x102: {  	v2 =	vld [tilespmem:s1+$0xFFFFFFD0]  }
0x103: {  	v3 =	vld [tilespmem:s1+$0xFFFFFFC0]  }
0x104: {  	v4 =	vld [tilespmem:s1+$0x10]  }
0x105: {  	v5 =	vld [tilespmem:s1+$0x0]  }
0x106: {  	s2 =	simm.s32 $0x0;
	v6 =	vld [tilespmem:s1+$0x30]  }
0x107: {  	v7 =	vld [tilespmem:s2+$0xD2E0];
	v1 =	vadd.f32 v1, v2  }
0x108: {  	v2 =	vld [tilespmem:s1+$0x20]  }
0x109: {  	v0 =	vadd.f32 v0, v3;
	v3 =	vadd.f32 v4, v1;
	v4 =	vld [tilespmem:s2+$0xD2D0];
	_ =	sdelay $0x1  }
0x10a: {  	s0 =	simm.s32 $0x104F0;
	v1 =	vimm.f32 $0.0e+00;
	v5 =	vadd.f32 v5, v0;
	v3 =	vadd.f32 v6, v3  }
0x10b: {  	[tilespmem:s0+$0x10] =	vst v7;
	v0 =	vadd.f32 v7, v1  }
0x10c: {  	s3 =	simm.s32 $0x104F0;
	s2 =	simm.s32 $0x80;
	v5 =	vadd.f32 v2, v5;
	[tilespmem:s0+$0xFFFFFFF0] =	vst v3;
	v2 =	vadd.f32 v3, v1;
	v3 =	vimm.f32 $0.0e+00  }
.LBB2_7:
0x10d: {  	p0 =	sne.s32 s2, $0x1880;
	[tilespmem:s0+$0x0] =	vst v4;
	s3 =	sadd.s32 $0x40, s3;
	s1 =	sadd.s32 $0x80, s1  }
0x10e: {  	v1 =	vadd.f32 v5, v1;
	v3 =	vadd.f32 v4, v3;
	s9 =	smov.u32 s2;
	s2 =	sadd.s32 $0x80, s2;
	[tilespmem:s0+$0xFFFFFFE0] =	vst v5;
	s0 =	smov.u32 s3  }
0x10f: {  	v4 =	vld [tilespmem:s1+$0xFFFFFFE0]  }
0x110: {  	s9 =	sshra.s32 s9, $0x2;
	v5 =	vld [tilespmem:s1+$0xFFFFFFC0]  }
0x111: {  	v6 =	vld [tilespmem:s1+$0xFFFFFFF0]  }
0x112: {  	v7 =	vld [tilespmem:s1+$0xFFFFFFD0]  }
0x113: {  	v8 =	vld [tilespmem:s9+$0xD2E0]  }
0x114: {  	v9 =	vld [tilespmem:s1+$0x10]  }
0x115: {  	v5 =	vadd.f32 v4, v5;
	v10 =	vld [tilespmem:s1+$0x0]  }
0x116: {  	v11 =	vld [tilespmem:s1+$0x30]  }
0x117: {  	v12 =	vld [tilespmem:s1+$0x20];
	v4 =	vadd.f32 v6, v7  }
0x118: {  	v0 =	vadd.f32 v8, v0  }
.Ltmp4:
0x119: {  	v6 =	vadd.f32 v9, v4;
	v4 =	vld [tilespmem:s9+$0xD2D0];
	(pc) =	sbr.rel @p0 .LBB2_7-.Ltmp4, $4  }
0x11a: {  	v5 =	vadd.f32 v10, v5;
	[tilespmem:s3+$0x10] =	vst v8  }
0x11b: {  	v6 =	vadd.f32 v11, v6  }
0x11c: {  	v5 =	vadd.f32 v12, v5  }
0x11d: {  	[tilespmem:s3+$0xFFFFFFF0] =	vst v6;
	v2 =	vadd.f32 v6, v2  }
0x11e: {  	[tilespmem:s0+$0x0] =	vst v4  }
0x11f: {  	[tilespmem:s0+$0xFFFFFFE0] =	vst v5  }
0x120: {  	v1 =	vadd.f32 v5, v1;
	[tilespmem:$0x168E0] =	vst v2  }
0x121: {  	v3 =	vadd.f32 v4, v3;
	[tilespmem:$0x16900] =	vst v0  }
0x122: {  	[tilespmem:$0x168D0] =	vst v1  }
0x123: {  	s1 =	simm.s32 $0x2440;
	[tilespmem:$0x168F0] =	vst v3  }
0x124: {  	v0 =	vld [tilespmem:s1+$0xFFFFFFB0]  }
0x125: {  	v1 =	vld [tilespmem:s1+$0xFFFFFFC0]  }
0x126: {  	v2 =	vld [tilespmem:s1+$0xFFFFFFA0]  }
0x127: {  	v3 =	vld [tilespmem:s1+$0xFFFFFF90]  }
0x128: {  	v4 =	vld [tilespmem:s1+$0xFFFFFFE0]  }
0x129: {  	v5 =	vld [tilespmem:s1+$0xFFFFFFD0]  }
0x12a: {  	s2 =	simm.s32 $0x0;
	v6 =	vld [tilespmem:s1+$0x0]  }
0x12b: {  	v7 =	vld [tilespmem:s2+$0xD920];
	v1 =	vadd.f32 v1, v2  }
0x12c: {  	v2 =	vld [tilespmem:s1+$0xFFFFFFF0]  }
0x12d: {  	v0 =	vadd.f32 v0, v3;
	v3 =	vadd.f32 v4, v1;
	v4 =	vld [tilespmem:s2+$0xD910];
	_ =	sdelay $0x1  }
0x12e: {  	s0 =	simm.s32 $0x11180;
	v1 =	vimm.f32 $0.0e+00;
	v5 =	vadd.f32 v5, v0;
	v3 =	vadd.f32 v6, v3  }
0x12f: {  	[tilespmem:s0+$0x0] =	vst v7;
	v0 =	vadd.f32 v7, v1  }
0x130: {  	s3 =	simm.s32 $0x11180;
	s2 =	simm.s32 $0x80;
	v5 =	vadd.f32 v2, v5;
	[tilespmem:s0+$0xFFFFFFE0] =	vst v3;
	v2 =	vadd.f32 v3, v1;
	v3 =	vimm.f32 $0.0e+00  }
.LBB2_9:
0x131: {  	p0 =	sne.s32 s2, $0x1880;
	[tilespmem:s0+$0xFFFFFFF0] =	vst v4;
	s3 =	sadd.s32 $0x40, s3;
	s1 =	sadd.s32 $0x80, s1  }
0x132: {  	v1 =	vadd.f32 v5, v1;
	v3 =	vadd.f32 v4, v3;
	s9 =	smov.u32 s2;
	s2 =	sadd.s32 $0x80, s2;
	[tilespmem:s0+$0xFFFFFFD0] =	vst v5;
	s0 =	smov.u32 s3  }
0x133: {  	v4 =	vld [tilespmem:s1+$0xFFFFFFB0]  }
0x134: {  	s9 =	sshra.s32 s9, $0x2;
	v5 =	vld [tilespmem:s1+$0xFFFFFF90]  }
0x135: {  	v6 =	vld [tilespmem:s1+$0xFFFFFFC0]  }
0x136: {  	v7 =	vld [tilespmem:s1+$0xFFFFFFA0]  }
0x137: {  	v8 =	vld [tilespmem:s9+$0xD920]  }
0x138: {  	v9 =	vld [tilespmem:s1+$0xFFFFFFE0]  }
0x139: {  	v5 =	vadd.f32 v4, v5;
	v10 =	vld [tilespmem:s1+$0xFFFFFFD0]  }
0x13a: {  	v11 =	vld [tilespmem:s1+$0x0]  }
0x13b: {  	v12 =	vld [tilespmem:s1+$0xFFFFFFF0];
	v4 =	vadd.f32 v6, v7  }
0x13c: {  	v0 =	vadd.f32 v8, v0  }
.Ltmp5:
0x13d: {  	v6 =	vadd.f32 v9, v4;
	v4 =	vld [tilespmem:s9+$0xD910];
	(pc) =	sbr.rel @p0 .LBB2_9-.Ltmp5, $4  }
0x13e: {  	v5 =	vadd.f32 v10, v5;
	[tilespmem:s3+$0x0] =	vst v8  }
0x13f: {  	v6 =	vadd.f32 v11, v6  }
0x140: {  	v5 =	vadd.f32 v12, v5  }
0x141: {  	[tilespmem:s3+$0xFFFFFFE0] =	vst v6;
	v2 =	vadd.f32 v6, v2  }
0x142: {  	[tilespmem:s0+$0xFFFFFFF0] =	vst v4  }
0x143: {  	[tilespmem:s0+$0xFFFFFFD0] =	vst v5  }
0x144: {  	v1 =	vadd.f32 v5, v1;
	[tilespmem:$0x16920] =	vst v2  }
0x145: {  	v3 =	vadd.f32 v4, v3;
	[tilespmem:$0x16940] =	vst v0  }
0x146: {  	[tilespmem:$0x16910] =	vst v1  }
0x147: {  	s1 =	simm.s32 $0x3D40;
	[tilespmem:$0x16930] =	vst v3  }
0x148: {  	v0 =	vld [tilespmem:s1+$0xFFFFFFB0]  }
0x149: {  	v1 =	vld [tilespmem:s1+$0xFFFFFFC0]  }
0x14a: {  	v2 =	vld [tilespmem:s1+$0xFFFFFFA0]  }
0x14b: {  	v3 =	vld [tilespmem:s1+$0xFFFFFF90]  }
0x14c: {  	v4 =	vld [tilespmem:s1+$0xFFFFFFE0]  }
0x14d: {  	v5 =	vld [tilespmem:s1+$0xFFFFFFD0]  }
0x14e: {  	s2 =	simm.s32 $0x0;
	v6 =	vld [tilespmem:s1+$0x0]  }
0x14f: {  	v7 =	vld [tilespmem:s2+$0xDF60];
	v1 =	vadd.f32 v1, v2  }
0x150: {  	v2 =	vld [tilespmem:s1+$0xFFFFFFF0]  }
0x151: {  	v0 =	vadd.f32 v0, v3;
	v3 =	vadd.f32 v4, v1;
	v4 =	vld [tilespmem:s2+$0xDF50];
	_ =	sdelay $0x1  }
0x152: {  	s0 =	simm.s32 $0x11E00;
	v1 =	vimm.f32 $0.0e+00;
	v5 =	vadd.f32 v5, v0;
	v3 =	vadd.f32 v6, v3  }
0x153: {  	[tilespmem:s0+$0x0] =	vst v7;
	v0 =	vadd.f32 v7, v1  }
0x154: {  	s3 =	simm.s32 $0x11E00;
	s2 =	simm.s32 $0x80;
	v5 =	vadd.f32 v2, v5;
	[tilespmem:s0+$0xFFFFFFE0] =	vst v3;
	v2 =	vadd.f32 v3, v1;
	v3 =	vimm.f32 $0.0e+00  }
.LBB2_11:
0x155: {  	p0 =	sne.s32 s2, $0x1880;
	[tilespmem:s0+$0xFFFFFFF0] =	vst v4;
	s3 =	sadd.s32 $0x40, s3;
	s1 =	sadd.s32 $0x80, s1  }
0x156: {  	v1 =	vadd.f32 v5, v1;
	v3 =	vadd.f32 v4, v3;
	s9 =	smov.u32 s2;
	s2 =	sadd.s32 $0x80, s2;
	[tilespmem:s0+$0xFFFFFFD0] =	vst v5;
	s0 =	smov.u32 s3  }
0x157: {  	v4 =	vld [tilespmem:s1+$0xFFFFFFB0]  }
0x158: {  	s9 =	sshra.s32 s9, $0x2;
	v5 =	vld [tilespmem:s1+$0xFFFFFF90]  }
0x159: {  	v6 =	vld [tilespmem:s1+$0xFFFFFFC0]  }
0x15a: {  	v7 =	vld [tilespmem:s1+$0xFFFFFFA0]  }
0x15b: {  	v8 =	vld [tilespmem:s9+$0xDF60]  }
0x15c: {  	v9 =	vld [tilespmem:s1+$0xFFFFFFE0]  }
0x15d: {  	v5 =	vadd.f32 v4, v5;
	v10 =	vld [tilespmem:s1+$0xFFFFFFD0]  }
0x15e: {  	v11 =	vld [tilespmem:s1+$0x0]  }
0x15f: {  	v12 =	vld [tilespmem:s1+$0xFFFFFFF0];
	v4 =	vadd.f32 v6, v7  }
0x160: {  	v0 =	vadd.f32 v8, v0  }
.Ltmp6:
0x161: {  	v6 =	vadd.f32 v9, v4;
	v4 =	vld [tilespmem:s9+$0xDF50];
	(pc) =	sbr.rel @p0 .LBB2_11-.Ltmp6, $4  }
0x162: {  	v5 =	vadd.f32 v10, v5;
	[tilespmem:s3+$0x0] =	vst v8  }
0x163: {  	v6 =	vadd.f32 v11, v6  }
0x164: {  	v5 =	vadd.f32 v12, v5  }
0x165: {  	[tilespmem:s3+$0xFFFFFFE0] =	vst v6;
	v2 =	vadd.f32 v6, v2  }
0x166: {  	[tilespmem:s0+$0xFFFFFFF0] =	vst v4  }
0x167: {  	[tilespmem:s0+$0xFFFFFFD0] =	vst v5  }
0x168: {  	v1 =	vadd.f32 v5, v1;
	[tilespmem:$0x16960] =	vst v2  }
0x169: {  	v3 =	vadd.f32 v4, v3;
	[tilespmem:$0x16980] =	vst v0  }
0x16a: {  	[tilespmem:$0x16950] =	vst v1  }
0x16b: {  	s31 =	simm.s32 $0xE5A0;
	[tilespmem:$0x16970] =	vst v3  }
0x16c: {  	v4 =	vld [tilespmem:s31+$0xFFFFFFF0]  }
0x16d: {  	s12 =	simm.s32 $0x0;
	v5 =	vld [tilespmem:s31+$0x0]  }
0x16e: {  	v7 =	vld [tilespmem:s12+$0x5600]  }
0x16f: {  	s22 =	simm.s32 $0x12A80;
	v6 =	vld [tilespmem:s12+$0x55D0]  }
0x170: {  	s19 =	simm.s32 $0x12AC0;
	s25 =	simm.s32 $0xE5C0;
	s3 =	simm.s32 $0x80;
	v8 =	vld [tilespmem:s12+$0x55E0]  }
0x171: {  	s1 =	simm.s32 $0x12B00;
	s9 =	simm.s32 $0xE5E0;
	s18 =	simm.s32 $0x100;
	v9 =	vld [tilespmem:s12+$0x55F0]  }
0x172: {  	s26 =	simm.s32 $0x12B40;
	s0 =	simm.s32 $0xE600;
	s21 =	simm.s32 $0x800;
	v1 =	vimm.f32 $0.0e+00;
	v10 =	vld [tilespmem:s12+$0x5620]  }
0x173: {  	s17 =	simm.s32 $0x180;
	s15 =	simm.s32 $0x12B40;
	s16 =	simm.s32 $0xE600;
	v3 =	vimm.f32 $0.0e+00;
	v11 =	vld [tilespmem:s12+$0x5610];
	v2 =	vadd.f32 v4, v1;
	v0 =	vadd.f32 v5, v1  }
.LBB2_13:
0x174: {  	p0 =	sne.s32 s21, $0x6200;
	s26 =	sadd.s32 $0x40, s26;
	s0 =	sadd.s32 $0x20, s0;
	v12 =	vld [tilespmem:s12+$0x5640]  }
0x175: {  	s2 =	smov.u32 s21;
	s21 =	sadd.s32 $0x200, s21;
	v13 =	vld [tilespmem:s12+$0x5630];
	v7 =	vadd.f32 v7, v8;
	s12 =	smov.u32 s3  }
0x176: {  	s3 =	smov.u32 s18;
	s18 =	smov.u32 s17;
	v6 =	vadd.f32 v9, v6  }
0x177: {  	v7 =	vadd.f32 v10, v7  }
0x178: {  	v6 =	vadd.f32 v11, v6  }
0x179: {  	s17 =	sshra.s32 s2, $0x2;
	v7 =	vadd.f32 v12, v7;
	[tilespmem:s22+$0xFFFFFFF0] =	vst v4  }
0x17a: {  	v4 =	vadd.f32 v13, v6;
	[tilespmem:s22+$0x0] =	vst v5  }
0x17b: {  	[tilespmem:s22+$0xFFFFFFE0] =	vst v7;
	v1 =	vadd.f32 v7, v1  }
0x17c: {  	[tilespmem:s22+$0xFFFFFFD0] =	vst v4;
	v3 =	vadd.f32 v4, v3;
	s22 =	smov.u32 s19;
	s19 =	smov.u32 s1;
	s1 =	smov.u32 s15  }
0x17d: {  	s15 =	smov.u32 s26;
	v4 =	vld [tilespmem:s25+$0xFFFFFFF0]  }
0x17e: {  	v5 =	vld [tilespmem:s25+$0x0];
	s25 =	smov.u32 s9;
	s9 =	smov.u32 s16;
	s16 =	smov.u32 s0  }
0x17f: {  	v7 =	vld [tilespmem:s12+$0x5600]  }
.Ltmp7:
0x180: {  	v6 =	vld [tilespmem:s12+$0x55D0];
	(pc) =	sbr.rel @p0 .LBB2_13-.Ltmp7, $4  }
0x181: {  	v8 =	vld [tilespmem:s12+$0x55E0]  }
0x182: {  	v9 =	vld [tilespmem:s12+$0x55F0];
	v2 =	vadd.f32 v4, v2  }
0x183: {  	v10 =	vld [tilespmem:s12+$0x5620];
	v0 =	vadd.f32 v5, v0  }
0x184: {  	v11 =	vld [tilespmem:s12+$0x5610]  }
0x185: {  	v12 =	vld [tilespmem:s12+$0x5640]  }
0x186: {  	v13 =	vld [tilespmem:s12+$0x5630];
	v7 =	vadd.f32 v7, v8  }
0x187: {  	v6 =	vadd.f32 v9, v6  }
0x188: {  	v7 =	vadd.f32 v10, v7  }
0x189: {  	v6 =	vadd.f32 v11, v6  }
0x18a: {  	[tilespmem:s22+$0xFFFFFFF0] =	vst v4;
	v7 =	vadd.f32 v12, v7  }
0x18b: {  	[tilespmem:s22+$0x0] =	vst v5;
	v4 =	vadd.f32 v13, v6  }
0x18c: {  	[tilespmem:s22+$0xFFFFFFE0] =	vst v7  }
0x18d: {  	[tilespmem:s22+$0xFFFFFFD0] =	vst v4  }
0x18e: {  	v5 =	vld [tilespmem:s25+$0xFFFFFFF0]  }
0x18f: {  	v6 =	vld [tilespmem:s25+$0x0]  }
0x190: {  	v44 =	vld [tilespmem:s3+$0x5600]  }
0x191: {  	v45 =	vld [tilespmem:s3+$0x55D0]  }
0x192: {  	v46 =	vld [tilespmem:s3+$0x55E0]  }
0x193: {  	v47 =	vld [tilespmem:s3+$0x55F0]  }
0x194: {  	v48 =	vld [tilespmem:s3+$0x5620]  }
0x195: {  	v49 =	vld [tilespmem:s3+$0x5610]  }
0x196: {  	v14 =	vld [tilespmem:s3+$0x5640]  }
0x197: {  	v15 =	vld [tilespmem:s3+$0x5630];
	v8 =	vadd.f32 v44, v46  }
0x198: {  	v9 =	vadd.f32 v47, v45  }
0x199: {  	v8 =	vadd.f32 v48, v8  }
0x19a: {  	v9 =	vadd.f32 v49, v9  }
0x19b: {  	[tilespmem:s19+$0xFFFFFFF0] =	vst v5;
	v8 =	vadd.f32 v14, v8  }
0x19c: {  	[tilespmem:s19+$0x0] =	vst v6;
	v9 =	vadd.f32 v15, v9  }
0x19d: {  	[tilespmem:s19+$0xFFFFFFE0] =	vst v8  }
0x19e: {  	[tilespmem:s19+$0xFFFFFFD0] =	vst v9  }
0x19f: {  	v50 =	vld [tilespmem:s9+$0xFFFFFFF0]  }
0x1a0: {  	v51 =	vld [tilespmem:s9+$0x0]  }
0x1a1: {  	v52 =	vld [tilespmem:s18+$0x5600]  }
0x1a2: {  	v53 =	vld [tilespmem:s18+$0x55D0]  }
0x1a3: {  	v54 =	vld [tilespmem:s18+$0x55E0]  }
0x1a4: {  	v55 =	vld [tilespmem:s18+$0x55F0]  }
0x1a5: {  	v16 =	vld [tilespmem:s18+$0x5620]  }
0x1a6: {  	v17 =	vld [tilespmem:s18+$0x5610]  }
0x1a7: {  	v18 =	vld [tilespmem:s18+$0x5640]  }
0x1a8: {  	v19 =	vld [tilespmem:s18+$0x5630];
	v12 =	vadd.f32 v52, v54  }
0x1a9: {  	v13 =	vadd.f32 v55, v53  }
0x1aa: {  	v12 =	vadd.f32 v16, v12  }
0x1ab: {  	v13 =	vadd.f32 v17, v13  }
0x1ac: {  	[tilespmem:s1+$0xFFFFFFF0] =	vst v50;
	v12 =	vadd.f32 v18, v12  }
0x1ad: {  	[tilespmem:s1+$0x0] =	vst v51;
	v13 =	vadd.f32 v19, v13  }
0x1ae: {  	[tilespmem:s1+$0xFFFFFFE0] =	vst v12  }
0x1af: {  	[tilespmem:s1+$0xFFFFFFD0] =	vst v13  }
0x1b0: {  	v56 =	vld [tilespmem:s16+$0xFFFFFFF0]  }
0x1b1: {  	v57 =	vld [tilespmem:s17+$0x5600]  }
0x1b2: {  	v58 =	vld [tilespmem:s17+$0x55D0]  }
0x1b3: {  	v59 =	vld [tilespmem:s17+$0x55E0]  }
0x1b4: {  	v60 =	vld [tilespmem:s17+$0x55F0]  }
0x1b5: {  	v61 =	vld [tilespmem:s17+$0x5620]  }
0x1b6: {  	v20 =	vld [tilespmem:s17+$0x5610]  }
0x1b7: {  	v21 =	vld [tilespmem:s17+$0x5640]  }
0x1b8: {  	v1 =	vadd.f32 v7, v1;
	v3 =	vadd.f32 v4, v3;
	v4 =	vld [tilespmem:s17+$0x5630]  }
0x1b9: {  	v2 =	vadd.f32 v5, v2;
	v63 =	vld [tilespmem:s16+$0x0];
	v7 =	vadd.f32 v57, v59  }
0x1ba: {  	v0 =	vadd.f32 v6, v0;
	v62 =	vadd.f32 v60, v58  }
0x1bb: {  	v3 =	vadd.f32 v9, v3;
	v5 =	vadd.f32 v61, v7  }
0x1bc: {  	v1 =	vadd.f32 v8, v1;
	v7 =	vadd.f32 v20, v62  }
0x1bd: {  	v2 =	vadd.f32 v50, v2;
	[tilespmem:s15+$0xFFFFFFF0] =	vst v56;
	v5 =	vadd.f32 v21, v5  }
0x1be: {  	v0 =	vadd.f32 v51, v0;
	[tilespmem:s15+$0x0] =	vst v63;
	v4 =	vadd.f32 v4, v7  }
0x1bf: {  	v3 =	vadd.f32 v13, v3;
	v2 =	vadd.f32 v56, v2;
	[tilespmem:s15+$0xFFFFFFE0] =	vst v5  }
0x1c0: {  	v1 =	vadd.f32 v12, v1;
	v0 =	vadd.f32 v63, v0;
	[tilespmem:s15+$0xFFFFFFD0] =	vst v4;
	s15 =	sshll.u32 s14, $0x3  }
0x1c1: {  	v3 =	vadd.f32 v4, v3;
	s16 =	sor.u32 s10, s15;
	[tilespmem:$0x169B0] =	vst v2  }
0x1c2: {  	p0 =	seq.s32 s14, $0xF;
	s1 =	rddreg [dreg:$0x11];
	v1 =	vadd.f32 v5, v1;
	[tilespmem:$0x169C0] =	vst v0;
	s0 =	smul.u32 $0x190, s16  }
0x1c3: {  	s1 =	sadd.s32 @!p0 s15, s1;
	[tilespmem:$0x16990] =	vst v3  }
0x1c4: {  	s26 =	simm.s32 $0x104D0;
	[tilespmem:$0x169A0] =	vst v1;
	s2 =	smul.u32 @!p0 $0x19, s1;
	s0 =	sadd.s32 s29, s0  }
0x1c5: {  	[hbm4b:s0+s4] =	stream.linear.scatter [tilespmem:s26], [sflag:$0x3], $0x3200, $0x38;
	[tilespmem:$0x1E2D0] =	vst v63  }
0x1c6: {  	s0 =	sadd.s32 @!p0 s5, s2;
	s2 =	simm.s32 @!p0 $0x0  }
0x1c7: {  	[tilespmem:s2], [sflag:$0x7] =	stream.linear.gather @!p0 [hbm4b:s0+s2], $0x320, $0x38;
	[tilespmem:$0x1E2D0] =	vst v63  }
0x1c8: {  	s1 =	smul.u32 @!p0 $0x32, s1;
	s0 =	simm.s32 @!p0 $0x7  }
0x1c9: {  	_ =	swait.ge @!p0 [sflag:s0], $0x320  }
0x1ca: {  	s1 =	sshrl.u32 @!p0 s1, $0x3;
	[sflag:s0] =	ssyncset.done @!p0 $0x0  }
0x1cb: {  	s3 =	simm.s32 @!p0 $0x640;
	s1 =	sadd.s32 @!p0 s6, s1;
	[sflag:s0] =	ssyncadd.s32 @!p0 $0xFFFFFCE0  }
0x1cc: {  	[tilespmem:s3], [sflag:$0x7] =	stream.linear.gather @!p0 [hbm4b:s1+s2], $0xC8, $0x38;
	[tilespmem:$0x1E2D0] =	vst v63  }
0x1cd: {  	_ =	swait.ge @!p0 [sflag:s0], $0xC8  }
0x1ce: {  	[sflag:s0] =	ssyncset.done @!p0 $0x0  }
0x1cf: {  	s1 =	simm.s32 @!p0 $0xAD0;
	[sflag:s0] =	ssyncadd.s32 @!p0 $0xFFFFFF38;
	s0 =	simm.s32 @!p0 $0x80  }
0x1d0: {  	[tilespmem:s1], [sflag:$0x1] =	stream.indirect.gather @!p0 [hbm4b:s7+s0], $0x20, s2, s0, $0xb8;
	[tilespmem:$0x1E2D0] =	vst v63  }
0x1d1: {  	s1 =	simm.s32 @!p0 $0x1AD0  }
0x1d2: {  	[tilespmem:s1], [sflag:$0x1] =	stream.indirect.gather @!p0 [hbm4b:s7+s0], $0x20, s0, s0, $0xb8;
	[tilespmem:$0x1E2D0] =	vst v63  }
0x1d3: {  	s2 =	simm.s32 @!p0 $0x2AD0;
	s1 =	simm.s32 @!p0 $0x100  }
0x1d4: {  	[tilespmem:s2], [sflag:$0x1] =	stream.indirect.gather @!p0 [hbm4b:s7+s0], $0x20, s1, s0, $0xb8;
	[tilespmem:$0x1E2D0] =	vst v63  }
0x1d5: {  	s1 =	simm.s32 @!p0 $0x180;
	s2 =	simm.s32 @!p0 $0x3AD0  }
0x1d6: {  	[tilespmem:s2], [sflag:$0x1] =	stream.indirect.gather @!p0 [hbm4b:s7+s0], $0x20, s1, s0, $0xb8;
	[tilespmem:$0x1E2D0] =	vst v63  }
0x1d7: {  	s1 =	simm.s32 @!p0 $0x200;
	s2 =	simm.s32 @!p0 $0x4AD0  }
0x1d8: {  	[tilespmem:s2], [sflag:$0x1] =	stream.indirect.gather @!p0 [hbm4b:s7+s0], $0x20, s1, s0, $0xb8;
	[tilespmem:$0x1E2D0] =	vst v63  }
0x1d9: {  	p1 =	seq.s32 @!p0 s14, $0x0;
	s1 =	simm.s32 @!p0 $0x280;
	s2 =	simm.s32 @!p0 $0x5AD0  }
0x1da: {  	[tilespmem:s2], [sflag:$0x1] =	stream.indirect.gather @!p0 [hbm4b:s7+s0], $0x20, s1, s0, $0xb8;
	[tilespmem:$0x1E2D0] =	vst v63  }
0x1db: {  	s9 =	simm.s32 @!p0 $0x6AD0;
	s1 =	simm.s32 @!p0 $0x20;
	s2 =	simm.s32 @!p0 $0x300  }
0x1dc: {  	[tilespmem:s9], [sflag:$0x1] =	stream.indirect.gather @!p0 [hbm4b:s7+s1], $0x20, s2, s1, $0xb8;
	[tilespmem:$0x1E2D0] =	vst v63  }
0x1dd: {  	p1 =	por p0, !p1;
	s1 =	simm.s32 @!p0 $0xD2D0  }
0x1de: {  	[tilespmem:s1], [sflag:$0x1] =	stream.indirect.gather @!p0 [hbm4b:s8+s0], $0x20, s3, s0, $0xb8;
	[tilespmem:$0x1E2D0] =	vst v63  }
0x1df: {  	s2 =	simm.s32 @!p0 $0xE2D0;
	s0 =	simm.s32 @!p0 $0x48;
	s1 =	simm.s32 @!p0 $0x6C0  }
0x1e0: {  	[tilespmem:s2], [sflag:$0x1] =	stream.indirect.gather @!p0 [hbm4b:s8+s0], $0x20, s1, s0, $0xb8;
	[tilespmem:$0x1E2D0] =	vst v63  }
0x1e1: {  	_ =	swait.ge @p1 [sflag:s13], $0x3200  }
0x1e2: {  	[sflag:s13] =	ssyncset.done @p1 $0x0  }
0x1e3: {  	[sflag:s13] =	ssyncadd.s32 @p1 $0xFFFFCE00  }
0x1e4: {  	_ =	swait.ge [sflag:s11], $0x6400  }
0x1e5: {  	[sflag:s11] =	ssyncset.done $0x0  }
0x1e6: {  	[sflag:s11] =	ssyncadd.s32 $0xFFFF9C00  }
0x1e7: {  	_ =	swait.ge [sflag:s11], $0x1900  }
0x1e8: {  	[sflag:s11] =	ssyncset.done $0x0  }
0x1e9: {  	s1 =	simm.s32 $0x6F10;
	[sflag:s11] =	ssyncadd.s32 $0xFFFFE700  }
0x1ea: {  	v0 =	vld [tilespmem:s1+$0xFFFFFFE0]  }
0x1eb: {  	v1 =	vld [tilespmem:s1+$0xFFFFFFF0]  }
0x1ec: {  	v2 =	vld [tilespmem:s1+$0xFFFFFFD0]  }
0x1ed: {  	v3 =	vld [tilespmem:s1+$0xFFFFFFC0]  }
0x1ee: {  	v4 =	vld [tilespmem:s1+$0x10]  }
0x1ef: {  	v5 =	vld [tilespmem:s1+$0x0]  }
0x1f0: {  	s31 =	simm.s32 $0x0;
	v6 =	vld [tilespmem:s1+$0x30]  }
0x1f1: {  	v7 =	vld [tilespmem:s31+$0xEBE0];
	v1 =	vadd.f32 v1, v2  }
0x1f2: {  	v2 =	vld [tilespmem:s1+$0x20]  }
0x1f3: {  	v0 =	vadd.f32 v0, v3;
	v3 =	vadd.f32 v4, v1;
	v4 =	vld [tilespmem:s31+$0xEBD0];
	_ =	sdelay $0x1  }
0x1f4: {  	s0 =	simm.s32 $0x136F0;
	v1 =	vimm.f32 $0.0e+00;
	v5 =	vadd.f32 v5, v0;
	v3 =	vadd.f32 v6, v3  }
0x1f5: {  	[tilespmem:s0+$0x10] =	vst v7;
	v0 =	vadd.f32 v7, v1  }
0x1f6: {  	s3 =	simm.s32 $0x136F0;
	s2 =	simm.s32 $0x80;
	v5 =	vadd.f32 v2, v5;
	[tilespmem:s0+$0xFFFFFFF0] =	vst v3;
	v2 =	vadd.f32 v3, v1;
	v3 =	vimm.f32 $0.0e+00  }
.LBB2_15:
0x1f7: {  	p1 =	sne.s32 s2, $0x1880;
	[tilespmem:s0+$0x0] =	vst v4;
	s3 =	sadd.s32 $0x40, s3;
	s1 =	sadd.s32 $0x80, s1  }
0x1f8: {  	v1 =	vadd.f32 v5, v1;
	v3 =	vadd.f32 v4, v3;
	s9 =	smov.u32 s2;
	s2 =	sadd.s32 $0x80, s2;
	[tilespmem:s0+$0xFFFFFFE0] =	vst v5;
	s0 =	smov.u32 s3  }
0x1f9: {  	v4 =	vld [tilespmem:s1+$0xFFFFFFE0]  }
0x1fa: {  	s9 =	sshra.s32 s9, $0x2;
	v5 =	vld [tilespmem:s1+$0xFFFFFFC0]  }
0x1fb: {  	v6 =	vld [tilespmem:s1+$0xFFFFFFF0]  }
0x1fc: {  	v7 =	vld [tilespmem:s1+$0xFFFFFFD0]  }
0x1fd: {  	v8 =	vld [tilespmem:s9+$0xEBE0]  }
0x1fe: {  	v9 =	vld [tilespmem:s1+$0x10]  }
0x1ff: {  	v5 =	vadd.f32 v4, v5;
	v10 =	vld [tilespmem:s1+$0x0]  }
0x200: {  	v11 =	vld [tilespmem:s1+$0x30]  }
0x201: {  	v12 =	vld [tilespmem:s1+$0x20];
	v4 =	vadd.f32 v6, v7  }
0x202: {  	v0 =	vadd.f32 v8, v0  }
.Ltmp8:
0x203: {  	v6 =	vadd.f32 v9, v4;
	v4 =	vld [tilespmem:s9+$0xEBD0];
	(pc) =	sbr.rel @p1 .LBB2_15-.Ltmp8, $4  }
0x204: {  	v5 =	vadd.f32 v10, v5;
	[tilespmem:s3+$0x10] =	vst v8  }
0x205: {  	v6 =	vadd.f32 v11, v6  }
0x206: {  	v5 =	vadd.f32 v12, v5  }
0x207: {  	[tilespmem:s3+$0xFFFFFFF0] =	vst v6;
	v2 =	vadd.f32 v6, v2  }
0x208: {  	[tilespmem:s0+$0x0] =	vst v4  }
0x209: {  	[tilespmem:s0+$0xFFFFFFE0] =	vst v5  }
0x20a: {  	v1 =	vadd.f32 v5, v1;
	[tilespmem:$0x169E0] =	vst v2  }
0x20b: {  	v3 =	vadd.f32 v4, v3;
	[tilespmem:$0x16A00] =	vst v0  }
0x20c: {  	[tilespmem:$0x169D0] =	vst v1  }
0x20d: {  	s1 =	simm.s32 $0x8840;
	[tilespmem:$0x169F0] =	vst v3  }
0x20e: {  	v0 =	vld [tilespmem:s1+$0xFFFFFFB0]  }
0x20f: {  	v1 =	vld [tilespmem:s1+$0xFFFFFFC0]  }
0x210: {  	v2 =	vld [tilespmem:s1+$0xFFFFFFA0]  }
0x211: {  	v3 =	vld [tilespmem:s1+$0xFFFFFF90]  }
0x212: {  	v4 =	vld [tilespmem:s1+$0xFFFFFFE0]  }
0x213: {  	v5 =	vld [tilespmem:s1+$0xFFFFFFD0]  }
0x214: {  	s2 =	simm.s32 $0x0;
	v6 =	vld [tilespmem:s1+$0x0]  }
0x215: {  	v7 =	vld [tilespmem:s2+$0xF220];
	v1 =	vadd.f32 v1, v2  }
0x216: {  	v2 =	vld [tilespmem:s1+$0xFFFFFFF0]  }
0x217: {  	v0 =	vadd.f32 v0, v3;
	v3 =	vadd.f32 v4, v1;
	v4 =	vld [tilespmem:s2+$0xF210];
	_ =	sdelay $0x1  }
0x218: {  	s0 =	simm.s32 $0x14380;
	v1 =	vimm.f32 $0.0e+00;
	v5 =	vadd.f32 v5, v0;
	v3 =	vadd.f32 v6, v3  }
0x219: {  	[tilespmem:s0+$0x0] =	vst v7;
	v0 =	vadd.f32 v7, v1  }
0x21a: {  	s3 =	simm.s32 $0x14380;
	s2 =	simm.s32 $0x80;
	v5 =	vadd.f32 v2, v5;
	[tilespmem:s0+$0xFFFFFFE0] =	vst v3;
	v2 =	vadd.f32 v3, v1;
	v3 =	vimm.f32 $0.0e+00  }
.LBB2_17:
0x21b: {  	p1 =	sne.s32 s2, $0x1880;
	[tilespmem:s0+$0xFFFFFFF0] =	vst v4;
	s3 =	sadd.s32 $0x40, s3;
	s1 =	sadd.s32 $0x80, s1  }
0x21c: {  	v1 =	vadd.f32 v5, v1;
	v3 =	vadd.f32 v4, v3;
	s9 =	smov.u32 s2;
	s2 =	sadd.s32 $0x80, s2;
	[tilespmem:s0+$0xFFFFFFD0] =	vst v5;
	s0 =	smov.u32 s3  }
0x21d: {  	v4 =	vld [tilespmem:s1+$0xFFFFFFB0]  }
0x21e: {  	s9 =	sshra.s32 s9, $0x2;
	v5 =	vld [tilespmem:s1+$0xFFFFFF90]  }
0x21f: {  	v6 =	vld [tilespmem:s1+$0xFFFFFFC0]  }
0x220: {  	v7 =	vld [tilespmem:s1+$0xFFFFFFA0]  }
0x221: {  	v8 =	vld [tilespmem:s9+$0xF220]  }
0x222: {  	v9 =	vld [tilespmem:s1+$0xFFFFFFE0]  }
0x223: {  	v5 =	vadd.f32 v4, v5;
	v10 =	vld [tilespmem:s1+$0xFFFFFFD0]  }
0x224: {  	v11 =	vld [tilespmem:s1+$0x0]  }
0x225: {  	v12 =	vld [tilespmem:s1+$0xFFFFFFF0];
	v4 =	vadd.f32 v6, v7  }
0x226: {  	v0 =	vadd.f32 v8, v0  }
.Ltmp9:
0x227: {  	v6 =	vadd.f32 v9, v4;
	v4 =	vld [tilespmem:s9+$0xF210];
	(pc) =	sbr.rel @p1 .LBB2_17-.Ltmp9, $4  }
0x228: {  	v5 =	vadd.f32 v10, v5;
	[tilespmem:s3+$0x0] =	vst v8  }
0x229: {  	v6 =	vadd.f32 v11, v6  }
0x22a: {  	v5 =	vadd.f32 v12, v5  }
0x22b: {  	[tilespmem:s3+$0xFFFFFFE0] =	vst v6;
	v2 =	vadd.f32 v6, v2  }
0x22c: {  	[tilespmem:s0+$0xFFFFFFF0] =	vst v4  }
0x22d: {  	[tilespmem:s0+$0xFFFFFFD0] =	vst v5  }
0x22e: {  	v1 =	vadd.f32 v5, v1;
	[tilespmem:$0x16A20] =	vst v2  }
0x22f: {  	v3 =	vadd.f32 v4, v3;
	[tilespmem:$0x16A40] =	vst v0  }
0x230: {  	[tilespmem:$0x16A10] =	vst v1  }
0x231: {  	s1 =	simm.s32 $0xA140;
	[tilespmem:$0x16A30] =	vst v3  }
0x232: {  	v0 =	vld [tilespmem:s1+$0xFFFFFFB0]  }
0x233: {  	v1 =	vld [tilespmem:s1+$0xFFFFFFC0]  }
0x234: {  	v2 =	vld [tilespmem:s1+$0xFFFFFFA0]  }
0x235: {  	v3 =	vld [tilespmem:s1+$0xFFFFFF90]  }
0x236: {  	v4 =	vld [tilespmem:s1+$0xFFFFFFE0]  }
0x237: {  	v5 =	vld [tilespmem:s1+$0xFFFFFFD0]  }
0x238: {  	s2 =	simm.s32 $0x0;
	v6 =	vld [tilespmem:s1+$0x0]  }
0x239: {  	v7 =	vld [tilespmem:s2+$0xF860];
	v1 =	vadd.f32 v1, v2  }
0x23a: {  	v2 =	vld [tilespmem:s1+$0xFFFFFFF0]  }
0x23b: {  	v0 =	vadd.f32 v0, v3;
	v3 =	vadd.f32 v4, v1;
	v4 =	vld [tilespmem:s2+$0xF850];
	_ =	sdelay $0x1  }
0x23c: {  	s0 =	simm.s32 $0x15000;
	v1 =	vimm.f32 $0.0e+00;
	v5 =	vadd.f32 v5, v0;
	v3 =	vadd.f32 v6, v3  }
0x23d: {  	[tilespmem:s0+$0x0] =	vst v7;
	v0 =	vadd.f32 v7, v1  }
0x23e: {  	s3 =	simm.s32 $0x15000;
	s2 =	simm.s32 $0x80;
	v5 =	vadd.f32 v2, v5;
	[tilespmem:s0+$0xFFFFFFE0] =	vst v3;
	v2 =	vadd.f32 v3, v1;
	v3 =	vimm.f32 $0.0e+00  }
.LBB2_19:
0x23f: {  	p1 =	sne.s32 s2, $0x1880;
	[tilespmem:s0+$0xFFFFFFF0] =	vst v4;
	s3 =	sadd.s32 $0x40, s3;
	s1 =	sadd.s32 $0x80, s1  }
0x240: {  	v1 =	vadd.f32 v5, v1;
	v3 =	vadd.f32 v4, v3;
	s9 =	smov.u32 s2;
	s2 =	sadd.s32 $0x80, s2;
	[tilespmem:s0+$0xFFFFFFD0] =	vst v5;
	s0 =	smov.u32 s3  }
0x241: {  	v4 =	vld [tilespmem:s1+$0xFFFFFFB0]  }
0x242: {  	s9 =	sshra.s32 s9, $0x2;
	v5 =	vld [tilespmem:s1+$0xFFFFFF90]  }
0x243: {  	v6 =	vld [tilespmem:s1+$0xFFFFFFC0]  }
0x244: {  	v7 =	vld [tilespmem:s1+$0xFFFFFFA0]  }
0x245: {  	v8 =	vld [tilespmem:s9+$0xF860]  }
0x246: {  	v9 =	vld [tilespmem:s1+$0xFFFFFFE0]  }
0x247: {  	v5 =	vadd.f32 v4, v5;
	v10 =	vld [tilespmem:s1+$0xFFFFFFD0]  }
0x248: {  	v11 =	vld [tilespmem:s1+$0x0]  }
0x249: {  	v12 =	vld [tilespmem:s1+$0xFFFFFFF0];
	v4 =	vadd.f32 v6, v7  }
0x24a: {  	v0 =	vadd.f32 v8, v0  }
.Ltmp10:
0x24b: {  	v6 =	vadd.f32 v9, v4;
	v4 =	vld [tilespmem:s9+$0xF850];
	(pc) =	sbr.rel @p1 .LBB2_19-.Ltmp10, $4  }
0x24c: {  	v5 =	vadd.f32 v10, v5;
	[tilespmem:s3+$0x0] =	vst v8  }
0x24d: {  	v6 =	vadd.f32 v11, v6  }
0x24e: {  	v5 =	vadd.f32 v12, v5  }
0x24f: {  	[tilespmem:s3+$0xFFFFFFE0] =	vst v6;
	v2 =	vadd.f32 v6, v2  }
0x250: {  	[tilespmem:s0+$0xFFFFFFF0] =	vst v4  }
0x251: {  	[tilespmem:s0+$0xFFFFFFD0] =	vst v5  }
0x252: {  	v1 =	vadd.f32 v5, v1;
	[tilespmem:$0x16A60] =	vst v2  }
0x253: {  	v3 =	vadd.f32 v4, v3;
	[tilespmem:$0x16A80] =	vst v0  }
0x254: {  	[tilespmem:$0x16A50] =	vst v1  }
0x255: {  	s26 =	simm.s32 $0xFEA0;
	[tilespmem:$0x16A70] =	vst v3  }
0x256: {  	v4 =	vld [tilespmem:s26+$0xFFFFFFF0]  }
0x257: {  	s31 =	simm.s32 $0x0;
	v5 =	vld [tilespmem:s26+$0x0]  }
0x258: {  	v7 =	vld [tilespmem:s31+$0xBA00]  }
0x259: {  	s9 =	simm.s32 $0x15CC0;
	v6 =	vld [tilespmem:s31+$0xB9D0]  }
0x25a: {  	s12 =	simm.s32 $0xFEC0;
	s25 =	simm.s32 $0x80;
	s17 =	simm.s32 $0x15D00;
	v8 =	vld [tilespmem:s31+$0xB9E0]  }
0x25b: {  	s3 =	simm.s32 $0xFEE0;
	s22 =	simm.s32 $0x100;
	s0 =	simm.s32 $0x15D40;
	v9 =	vld [tilespmem:s31+$0xB9F0]  }
0x25c: {  	s21 =	simm.s32 $0xFF00;
	s2 =	simm.s32 $0x800;
	s19 =	simm.s32 $0x180;
	v1 =	vimm.f32 $0.0e+00;
	v10 =	vld [tilespmem:s31+$0xBA20]  }
0x25d: {  	s1 =	simm.s32 $0x15D40;
	s18 =	simm.s32 $0xFF00;
	v3 =	vimm.f32 $0.0e+00;
	s26 =	simm.s32 $0x15C80;
	v11 =	vld [tilespmem:s31+$0xBA10];
	v2 =	vadd.f32 v4, v1;
	v0 =	vadd.f32 v5, v1  }
.LBB2_21:
0x25e: {  	p1 =	sne.s32 s2, $0x6200;
	s0 =	sadd.s32 $0x40, s0;
	s21 =	sadd.s32 $0x20, s21;
	v12 =	vld [tilespmem:s31+$0xBA40]  }
0x25f: {  	s20 =	smov.u32 s2;
	s2 =	sadd.s32 $0x200, s2;
	v13 =	vld [tilespmem:s31+$0xBA30];
	v7 =	vadd.f32 v7, v8;
	s31 =	smov.u32 s25  }
0x260: {  	s25 =	smov.u32 s22;
	s22 =	smov.u32 s19;
	v6 =	vadd.f32 v9, v6  }
0x261: {  	v7 =	vadd.f32 v10, v7  }
0x262: {  	v6 =	vadd.f32 v11, v6  }
0x263: {  	s19 =	sshra.s32 s20, $0x2;
	v7 =	vadd.f32 v12, v7;
	[tilespmem:s26+$0xFFFFFFF0] =	vst v4  }
0x264: {  	v4 =	vadd.f32 v13, v6;
	[tilespmem:s26+$0x0] =	vst v5  }
0x265: {  	[tilespmem:s26+$0xFFFFFFE0] =	vst v7;
	v1 =	vadd.f32 v7, v1  }
0x266: {  	[tilespmem:s26+$0xFFFFFFD0] =	vst v4;
	v3 =	vadd.f32 v4, v3;
	s26 =	smov.u32 s9;
	s9 =	smov.u32 s17;
	s17 =	smov.u32 s1  }
0x267: {  	s1 =	smov.u32 s0;
	v4 =	vld [tilespmem:s12+$0xFFFFFFF0]  }
0x268: {  	v5 =	vld [tilespmem:s12+$0x0];
	s12 =	smov.u32 s3;
	s3 =	smov.u32 s18;
	s18 =	smov.u32 s21  }
0x269: {  	v7 =	vld [tilespmem:s31+$0xBA00]  }
.Ltmp11:
0x26a: {  	v6 =	vld [tilespmem:s31+$0xB9D0];
	(pc) =	sbr.rel @p1 .LBB2_21-.Ltmp11, $4  }
0x26b: {  	v8 =	vld [tilespmem:s31+$0xB9E0]  }
0x26c: {  	v9 =	vld [tilespmem:s31+$0xB9F0];
	v2 =	vadd.f32 v4, v2  }
0x26d: {  	v10 =	vld [tilespmem:s31+$0xBA20];
	v0 =	vadd.f32 v5, v0  }
0x26e: {  	v11 =	vld [tilespmem:s31+$0xBA10]  }
0x26f: {  	v12 =	vld [tilespmem:s31+$0xBA40]  }
0x270: {  	v13 =	vld [tilespmem:s31+$0xBA30];
	v7 =	vadd.f32 v7, v8  }
0x271: {  	v6 =	vadd.f32 v9, v6  }
0x272: {  	v7 =	vadd.f32 v10, v7  }
0x273: {  	v6 =	vadd.f32 v11, v6  }
0x274: {  	[tilespmem:s26+$0xFFFFFFF0] =	vst v4;
	v7 =	vadd.f32 v12, v7  }
0x275: {  	[tilespmem:s26+$0x0] =	vst v5;
	v38 =	vadd.f32 v13, v6  }
0x276: {  	[tilespmem:s26+$0xFFFFFFE0] =	vst v7  }
0x277: {  	[tilespmem:s26+$0xFFFFFFD0] =	vst v38  }
0x278: {  	v5 =	vld [tilespmem:s12+$0xFFFFFFF0]  }
0x279: {  	v39 =	vld [tilespmem:s12+$0x0]  }
0x27a: {  	v40 =	vld [tilespmem:s25+$0xBA00]  }
0x27b: {  	v41 =	vld [tilespmem:s25+$0xB9D0]  }
0x27c: {  	v42 =	vld [tilespmem:s25+$0xB9E0]  }
0x27d: {  	v43 =	vld [tilespmem:s25+$0xB9F0]  }
0x27e: {  	v44 =	vld [tilespmem:s25+$0xBA20]  }
0x27f: {  	v45 =	vld [tilespmem:s25+$0xBA10]  }
0x280: {  	v14 =	vld [tilespmem:s25+$0xBA40]  }
0x281: {  	v15 =	vld [tilespmem:s25+$0xBA30];
	v8 =	vadd.f32 v40, v42  }
0x282: {  	v9 =	vadd.f32 v43, v41  }
0x283: {  	v8 =	vadd.f32 v44, v8  }
0x284: {  	v9 =	vadd.f32 v45, v9  }
0x285: {  	[tilespmem:s9+$0xFFFFFFF0] =	vst v5;
	v8 =	vadd.f32 v14, v8  }
0x286: {  	[tilespmem:s9+$0x0] =	vst v39;
	v9 =	vadd.f32 v15, v9  }
0x287: {  	[tilespmem:s9+$0xFFFFFFE0] =	vst v8  }
0x288: {  	[tilespmem:s9+$0xFFFFFFD0] =	vst v9  }
0x289: {  	v46 =	vld [tilespmem:s3+$0xFFFFFFF0]  }
0x28a: {  	v47 =	vld [tilespmem:s3+$0x0]  }
0x28b: {  	v48 =	vld [tilespmem:s22+$0xBA00]  }
0x28c: {  	v49 =	vld [tilespmem:s22+$0xB9D0]  }
0x28d: {  	v50 =	vld [tilespmem:s22+$0xB9E0]  }
0x28e: {  	v51 =	vld [tilespmem:s22+$0xB9F0]  }
0x28f: {  	v16 =	vld [tilespmem:s22+$0xBA20]  }
0x290: {  	v17 =	vld [tilespmem:s22+$0xBA10]  }
0x291: {  	v18 =	vld [tilespmem:s22+$0xBA40]  }
0x292: {  	v19 =	vld [tilespmem:s22+$0xBA30];
	v12 =	vadd.f32 v48, v50  }
0x293: {  	v13 =	vadd.f32 v51, v49  }
0x294: {  	v12 =	vadd.f32 v16, v12  }
0x295: {  	v13 =	vadd.f32 v17, v13  }
0x296: {  	[tilespmem:s17+$0xFFFFFFF0] =	vst v46;
	v12 =	vadd.f32 v18, v12  }
0x297: {  	[tilespmem:s17+$0x0] =	vst v47;
	v13 =	vadd.f32 v19, v13  }
0x298: {  	[tilespmem:s17+$0xFFFFFFE0] =	vst v12  }
0x299: {  	[tilespmem:s17+$0xFFFFFFD0] =	vst v13  }
0x29a: {  	v52 =	vld [tilespmem:s18+$0xFFFFFFF0]  }
0x29b: {  	v53 =	vld [tilespmem:s19+$0xBA00]  }
0x29c: {  	v54 =	vld [tilespmem:s19+$0xB9D0]  }
0x29d: {  	v55 =	vld [tilespmem:s19+$0xB9E0]  }
0x29e: {  	v56 =	vld [tilespmem:s19+$0xB9F0]  }
0x29f: {  	v57 =	vld [tilespmem:s19+$0xBA20]  }
0x2a0: {  	v20 =	vld [tilespmem:s19+$0xBA10]  }
0x2a1: {  	v21 =	vld [tilespmem:s19+$0xBA40]  }
0x2a2: {  	v1 =	vadd.f32 v7, v1;
	v3 =	vadd.f32 v38, v3;
	v58 =	vld [tilespmem:s19+$0xBA30]  }
0x2a3: {  	v2 =	vadd.f32 v5, v2;
	v61 =	vld [tilespmem:s18+$0x0];
	v59 =	vadd.f32 v53, v55  }
0x2a4: {  	v0 =	vadd.f32 v39, v0;
	v60 =	vadd.f32 v56, v54  }
0x2a5: {  	v3 =	vadd.f32 v9, v3;
	v62 =	vadd.f32 v57, v59  }
0x2a6: {  	v1 =	vadd.f32 v8, v1;
	v63 =	vadd.f32 v20, v60  }
0x2a7: {  	v2 =	vadd.f32 v46, v2;
	[tilespmem:s1+$0xFFFFFFF0] =	vst v52;
	v5 =	vadd.f32 v21, v62  }
0x2a8: {  	v0 =	vadd.f32 v47, v0;
	[tilespmem:s1+$0x0] =	vst v61;
	v4 =	vadd.f32 v58, v63  }
0x2a9: {  	s0 =	sadd.s32 s15, s10;
	v3 =	vadd.f32 v13, v3;
	v2 =	vadd.f32 v52, v2;
	[tilespmem:s1+$0xFFFFFFE0] =	vst v5  }
0x2aa: {  	s0 =	smul.u32 $0x190, s0;
	v1 =	vadd.f32 v12, v1;
	v0 =	vadd.f32 v61, v0;
	[tilespmem:s1+$0xFFFFFFD0] =	vst v4  }
0x2ab: {  	v3 =	vadd.f32 v4, v3;
	[tilespmem:$0x16AB0] =	vst v2  }
0x2ac: {  	s0 =	sadd.s32 s29, s0;
	v1 =	vadd.f32 v5, v1;
	[tilespmem:$0x16AC0] =	vst v0  }
.Ltmp12:
0x2ad: {  	s0 =	sadd.s32 $0x640, s0;
	[tilespmem:$0x16A90] =	vst v3;
	(pc) =	sbr.rel @p0 .LBB2_24-.Ltmp12, $4  }
0x2ae: {  	s26 =	rddreg [dreg:$0x5];
	s25 =	sshll.u32 s16, $0x3;
	s22 =	simm.s32 $0x136D0;
	[tilespmem:$0x16AA0] =	vst v1  }
0x2af: {  	[hbm4b:s0+s4] =	stream.linear.scatter [tilespmem:s22], [sflag:$0x4], $0x3200, $0x38;
	[tilespmem:$0x1E2D0] =	vst v63  }
0x2b0: {  	s31 =	simm.s32 $0x168D0;
	s0 =	sadd.s32 s26, s25  }
0x2b1: {  	[hbm4b:s0+s4] =	stream.linear.scatter [tilespmem:s31], [sflag:$0x5], $0x200, $0x38;
	[tilespmem:$0x1E2D0] =	vst v63  }
0x2b2: {  	s0 =	rddreg [dreg:$0x12]  }
0x2b3: {  	s0 =	sadd.s32 s15, s0  }
0x2b4: {  	s1 =	smul.u32 $0x19, s0;
	_ =	sdelay $0x1  }
0x2b5: {  	s2 =	simm.s32 $0x320;
	s0 =	smul.u32 $0x32, s0;
	s1 =	sadd.s32 s5, s1  }
0x2b6: {  	[tilespmem:s2], [sflag:$0x7] =	stream.linear.gather [hbm4b:s1+s4], $0x320, $0x38;
	[tilespmem:$0x1E2D0] =	vst v63  }
0x2b7: {  	_ =	swait.ge [sflag:s24], $0x320  }
0x2b8: {  	s0 =	sshrl.u32 s0, $0x3;
	[sflag:s24] =	ssyncset.done $0x0  }
0x2b9: {  	s0 =	sadd.s32 s6, s0;
	[sflag:s24] =	ssyncadd.s32 $0xFFFFFCE0  }
0x2ba: {  	[tilespmem:s30], [sflag:$0x7] =	stream.linear.gather [hbm4b:s0+s4], $0xC8, $0x38;
	[tilespmem:$0x1E2D0] =	vst v63  }
0x2bb: {  	_ =	swait.ge [sflag:s24], $0xC8  }
0x2bc: {  	[sflag:s24] =	ssyncset.done $0x0  }
0x2bd: {  	s25 =	simm.s32 $0x6ED0;
	[sflag:s24] =	ssyncadd.s32 $0xFFFFFF38  }
0x2be: {  	[tilespmem:s25], [sflag:$0x2] =	stream.indirect.gather [hbm4b:s7+s28], $0x20, s2, s28, $0xb8;
	[tilespmem:$0x1E2D0] =	vst v63  }
0x2bf: {  	s26 =	simm.s32 $0x3A0;
	s31 =	simm.s32 $0x7ED0  }
0x2c0: {  	[tilespmem:s31], [sflag:$0x2] =	stream.indirect.gather [hbm4b:s7+s28], $0x20, s26, s28, $0xb8;
	[tilespmem:$0x1E2D0] =	vst v63  }
0x2c1: {  	s3 =	simm.s32 $0x8ED0;
	s2 =	simm.s32 $0x420  }
0x2c2: {  	[tilespmem:s3], [sflag:$0x2] =	stream.indirect.gather [hbm4b:s7+s28], $0x20, s2, s28, $0xb8;
	[tilespmem:$0x1E2D0] =	vst v63  }
0x2c3: {  	s9 =	simm.s32 $0x4A0;
	s12 =	simm.s32 $0x9ED0  }
0x2c4: {  	[tilespmem:s12], [sflag:$0x2] =	stream.indirect.gather [hbm4b:s7+s28], $0x20, s9, s28, $0xb8;
	[tilespmem:$0x1E2D0] =	vst v63  }
0x2c5: {  	s16 =	simm.s32 $0xAED0;
	s15 =	simm.s32 $0x520  }
0x2c6: {  	[tilespmem:s16], [sflag:$0x2] =	stream.indirect.gather [hbm4b:s7+s28], $0x20, s15, s28, $0xb8;
	[tilespmem:$0x1E2D0] =	vst v63  }
0x2c7: {  	s17 =	simm.s32 $0x5A0;
	s18 =	simm.s32 $0xBED0  }
0x2c8: {  	[tilespmem:s18], [sflag:$0x2] =	stream.indirect.gather [hbm4b:s7+s28], $0x20, s17, s28, $0xb8;
	[tilespmem:$0x1E2D0] =	vst v63  }
0x2c9: {  	s19 =	simm.s32 $0x20;
	s20 =	simm.s32 $0x620;
	s21 =	simm.s32 $0xCED0  }
0x2ca: {  	[tilespmem:s21], [sflag:$0x2] =	stream.indirect.gather [hbm4b:s7+s19], $0x20, s20, s19, $0xb8;
	[tilespmem:$0x1E2D0] =	vst v63  }
.Ltmp13:
0x2cb: {  	_ = 	snop;
	(pc) =	sbr.rel .LBB2_6-.Ltmp13, $4  }
0x2cc: {  	s22 =	simm.s32 $0xEBD0;
	s14 =	sadd.s32 $0x1, s14  }
0x2cd: {  	[tilespmem:s22], [sflag:$0x2] =	stream.indirect.gather [hbm4b:s8+s28], $0x20, s30, s28, $0xb8;
	[tilespmem:$0x1E2D0] =	vst v63  }
0x2ce: {  	s25 =	simm.s32 $0x48;
	s26 =	simm.s32 $0x788;
	s31 =	simm.s32 $0xFBD0  }
0x2cf: {  	[tilespmem:s31], [sflag:$0x2] =	stream.indirect.gather [hbm4b:s8+s25], $0x20, s26, s25, $0xb8;
	[tilespmem:$0x1E2D0] =	vst v63  }
.LBB2_25:
0x2d0: {  	_ =	sfence.sel $0x180000  }
0x2d1: {  	[bflag:$0x0] =	sbarrier.arrive $0xFFFF  }
0x2d2: {  	_ =	strace $0x90000047  }
0x2d3: {  	s0 =	stileid.u32;
	[bflag:$0x2] =	sbarrier.arrive $0xFFFF  }
0x2d4: {  	p0 =	sne.s32 s0, $0x0;
	s0 =	rddreg [dreg:$0x6]  }
0x2d5: {  	s0 =	sadd.s32 @!p0 $0x100000, s0  }
0x2d6: {  	[sflag:s0] =	ssyncadd.tile.s32 @!p0 $0x1;
	_ =	shalt  }
.Lfunc_end2:
_tile_overlayer_lowered:
.L_overlay_start_2:
0x2d7: {  	(tag) =	ssettag $0x2  }
0x2d8: {  	s0 =	rddreg [dreg:$0x0];
	s2 =	stileid.u32  }
0x2d9: {  	s1 =	rddreg [dreg:$0x1];
	p0 =	sne.s32 s2, $0x0  }
0x2da: {  	s3 =	rddreg [dreg:$0x2];
	[bflag:$0x3] =	sbarrier.arrive $0xFFFF;
	s2 =	simm.s32 @!p0 $0x1C07  }
0x2db: {  	[timem:s3], [sflag:s2] =	dma.local @!p0 [hbm:s0], s1  }
0x2dc: {  	s0 =	simm.s32 @!p0 $0x7  }
0x2dd: {  	_ =	swait.ge @!p0 [sflag:s0], s1  }
0x2de: {  	s1 =	ssub.s32 @!p0 $0x0, s1;
	[sflag:s0] =	ssyncset.done @!p0 $0x0  }
0x2df: {  	[sflag:s0] =	ssyncadd.s32 @!p0 s1  }
0x2e0: {  	[bflag:$0x3] =	sbarrier.arrive $0xFFFF  }
0x2e1: {  	_ =	shalt  }

// kernel: sparse-core-data-format-call.cloned.1.call-start
scs
called_computation_lowered:
.L_overlay_start_0:
0x0: {  	s2 =	sld [smem:$0x3FD9]  }
0x1: {  	s3 =	sld [smem:$0x3FFE];
	_ =	sdelay $0x1  }
0x2: {  	s1 =	srdreg.scid  }
0x3: {  	s0 =	sand.u32 $0x1, s1  }
0x4: {  	s15 =	sshll.u32 s0, $0xA;
	s2 =	sadd.s32 s3, s2  }
0x5: {  	s2 =	sadd.s32 s2, s15  }
0x6: {  	[smem:$0x3FC0] =	sst s2  }
0x7: {  	_ = 	snop  }
0x8: {  	s2 =	sld [smem:$0x3FD0];
	_ =	sdelay $0x2  }
0x9: {  	s16 =	simm.s32 $0xA;
	s4 =	simm.s32 $0x10  }
0xa: {  	[smem:s4], [sflag:s16] =	dma.local [hbm:s2], $0x1  }
0xb: {  	_ =	swait.eq [sflag:s16], $0x1  }
0xc: {  	[sflag:s16] =	ssyncset.done $0x0  }
0xd: {  	[sflag:s16] =	ssyncadd.s32 $0xFFFFFFFF  }
0xe: {  	s17 =	sld [smem:$0x11];
	(tm) =	ssettm $0x1  }
0xf: {  	s18 =	sld [smem:$0x3FFB];
	_ =	sdelay $0x3  }
0x10: {  	_ =	strace s18  }
0x11: {  	s3 =	sld [smem:$0x3FFC];
	_ =	sdelay $0x3  }
0x12: {  	_ =	strace s3  }
0x13: {  	s3 =	sld [smem:$0x3FFD];
	_ =	sdelay $0x3  }
0x14: {  	_ =	strace s3  }
0x15: {  	_ =	strace $0x8FFFFFFF  }
0x16: {  	s19 =	sld [smem:$0x3FDB];
	_ =	sdelay $0x1  }
0x17: {  	s20 =	simm.s32 $_scs_section_size  }
0x18: {  	s5 =	simm.s32 $_size__tile_overlayer_lowered;
	s6 =	simm.s32 $_tile_overlayer_lowered  }
0x19: {  	s23 =	simm.s32 $0x1BFF;
	s22 =	sshll.u32 s6, $0x1;
	s3 =	sadd.s32 s20, s19  }
0x1a: {  	s7 =	simm.s32 $0x0;
	s21 =	sshll.u32 s5, $0x1;
	s5 =	sadd.s32 s22, s3  }
0x1b: {  	[timem:s7], [sflag:s23] =	dma.local [hbm:s5], s21  }
0x1c: {  	_ =	swait.ge [sflag:s23], s21  }
0x1d: {  	s4 =	ssub.s32 $0x0, s21;
	[sflag:s23] =	ssyncset.done $0x0  }
0x1e: {  	[sflag:s23] =	ssyncadd.s32 s4;
	_ =	sdelay $0x1  }
0x1f: {  	s24 =	simm.s32 $0x1B8B  }
0x20: {  	_ =	swait.ge [sflag:s24], $0x1  }
0x21: {  	[sflag:s24] =	ssyncset.done $0x0  }
0x22: {  	s26 =	simm.s32 $0x1B8E;
	s25 =	sld [smem:$0x3FFE];
	[sflag:s24] =	ssyncadd.s32 $0xFFFFFFFF  }
0x23: {  	s27 =	simm.s32 $execute0_lowered;
	[smem:$0x3FD2] =	sst s26  }
0x24: {  	s5 =	sshll.u32 s27, $0x1;
	_ =	strace $0x80000049;
	[dreg:$0x1] =	wrdreg $0xFFFFFFFF  }
0x25: {  	s28 =	simm.s32 $_size_execute0_lowered;
	s3 =	sadd.s32 s3, s5;
	[dreg:$0x0] =	wrdreg $0x0  }
0x26: {  	s5 =	sshll.u32 s28, $0x1;
	[dreg:$0x2] =	wrdreg s3  }
0x27: {  	[dreg:$0x3] =	wrdreg s5  }
0x28: {  	[dreg:$0x4] =	wrdreg $0xC0  }
0x29: {  	_ =	task [dreg:s7], $0x5FFFF  }
0x2a: {  	[dreg:$0x1] =	wrdreg $0xFFFFFFFF  }
0x2b: {  	[dreg:$0x0] =	wrdreg $0x60  }
0x2c: {  	[dreg:$0x2] =	wrdreg s25  }
0x2d: {  	[dreg:$0x3] =	wrdreg s17  }
0x2e: {  	[dreg:$0x4] =	wrdreg $0x9  }
0x2f: {  	_ =	task.clear_ibuf [dreg:s7], $0x5FFFF;
	_ =	strace $0x90000049  }
0x30: {  	s29 =	simm.s32 $0x9;
	_ =	strace $0x8000004B  }
0x31: {  	_ =	swait.ge [sflag:s29], $0x1  }
0x32: {  	[sflag:s29] =	ssyncadd.s32 $0xFFFFFFFF  }
0x33: {  	_ =	strace $0x9000004B  }
0x34: {  	_ =	sfence  }
0x35: {  	s30 =	sld [smem:$0x0];
	_ =	sdelay $0x2  }
0x36: {  	s31 =	sshll.u32 s1, $0xD;
	s1 =	sshrl.u32 s1, $0x2  }
0x37: {  	s3 =	sand.u32 $0x4000, s31;
	s1 =	sadd.s32 s1, s30  }
0x38: {  	s0 =	sor.u32 s3, s0;
	s1 =	sshll.u32 s1, $0x11  }
0x39: {  	s0 =	sor.u32 s1, s0  }
0x3a: {  	s0 =	sadd.s32 $0x8F2B, s0  }
0x3b: {  	[sflag:s0] =	ssyncadd.remote.s32 $0x1  }
0x3c: {  	_ =	sfence.sel $0xFFFF  }
0x3d: {  	[dreg:$0x0] =	wrdreg $0xFFFFFFFF;
	(pc) =	sbr.abs _section_cstart, $3  }
0x3e: {  	[dreg:$0x1] =	wrdreg $0xFFFFFFFF  }
0x3f: {  	_ =	task.clear_ibuf [dreg:s7], $0x2FFFF;
	_ =	strace $0x9FFFFFFF  }
0x40: {  	(tm) =	ssettm $0x7FFFFFFF  }
0x41: {  	_ =	shalt  }
tec
execute0_lowered:
.L_overlay_start_1:
0x0: {  	(tag) =	ssettag $0x1  }
0x1: {  	s0 =	srdreg.scid  }
0x2: {  	s1 =	sshll.u32 s0, $0x4  }
0x3: {  	s0 =	stileid.u32;
	s1 =	sand.u32 $0x10, s1  }
0x4: {  	s1 =	sor.u32 s0, s1  }
0x5: {  	s6 =	rddreg [dreg:$0x0];
	s4 =	simm.s32 $0x1;
	s2 =	sshll.u32 s1, $0x7  }
0x6: {  	s7 =	simm.s32 $0x2;
	s12 =	simm.s32 $0x0;
	s1 =	ssub.s32 $0x1000, s2  }
0x7: {  	s8 =	simm.s32 $0x8000;
	s13 =	simm.s32 $0x0;
	s3 =	sand.u32 $0xF80, s1  }
0x8: {  	s9 =	simm.s32 $0x0;
	s5 =	sshrl.u32 s1, $0xC;
	p0 =	sne.s32 s3, $0x0  }
.Ltmp0:
0x9: {  	s1 =	rddreg [dreg:$0x2];
	s4 =	simm.s32 @!p0 $0x0;
	(pc) =	sbr.rel .LBB1_1-.Ltmp0, $4  }
0xa: {  	s11 =	simm.s32 $0x0;
	s3 =	rddreg [dreg:$0x1];
	s5 =	sadd.s32 s4, s5  }
0xb: {  	_ =	strace $0x8000004A;
	s4 =	simm.s32 $0x1;
	s5 =	smul.u32 $0x32, s5  }
0xc: {  	s6 =	sadd.s32 $0x3600, s6;
	s10 =	smov.u32 s2;
	[sflag:s4] =	ssyncpa.u1 $0x0  }
0xd: {  	p0 =	por $0x0, $0x0;
	[sflag:s7] =	ssyncpa.u1 $0x0;
	s7 =	sor.u32 $0x1, s5  }
.LBB1_4:
0xe: {  	s16 =	sshll.u32 s13, $0x3;
	s17 =	sand.u32 $0x78, s13  }
0xf: {  	s30 =	sand.u32 $0x7E00, s13;
	s12 =	sshll.u32 s12, $0xF;
	s16 =	sand.u32 $0xC00, s16  }
0x10: {  	[tilespmem:s15+$0x810 ss:$0x81] =	vst.msk $0xffff, v2;
	s31 =	sand.u32 $0x7, s13;
	s16 =	sor.u32 s17, s16;
	s17 =	sadd.s32 s3, s30  }
0x11: {  	[tilespmem:s15+$0x1020 ss:$0x81] =	vst.msk $0xffff, v0;
	s13 =	sshll.u32 s31, $0x12;
	s12 =	sadd.s32 s12, s17;
	s16 =	sshrl.u32 s16, $0x3  }
0x12: {  	[tilespmem:s15+$0x0 ss:$0x81] =	vst.msk $0xffff, v1;
	s13 =	sor.u32 $0x400, s13;
	s12 =	sadd.s32 s16, s12  }
0x13: {  	[hbm4b:s12+s13] =	stream.strided.scatter [tilespmem:s14], [sflag:$0x2], $0x2000, s8, s13, $0x20;
	[tilespmem:$0x8080] =	vst v63  }
.LBB1_5:
0x14: {  	s14 =	sadd.s32 $0x1, s9  }
0x15: {  	s12 =	sadd.s32 $0x1000, s10;
	s16 =	smov.u32 s10;
	p2 =	sgt.s32 s14, $0x31  }
0x16: {  	s16 =	smov.u32 @p2 s12  }
0x17: {  	s14 =	simm.s32 @p2 $0x0;
	p2 =	sgt.s32 s16, $0xFFF  }
0x18: {  	s16 =	smov.u32 @p2 s2;
	p2 =	sne.s32 s11, s7  }
.Ltmp1:
0x19: {  	p1 =	slt.u32 s11, $0x2;
	(pc) =	sbr.rel @!p2 .LBB1_6-.Ltmp1, $4  }
0x1a: {  	s15 =	simm.s32 @!p1 $0x2  }
0x1b: {  	s13 =	smov.u32 s10;
	p0 =	por !p0, !p0;
	_ =	swait.ge @!p1 [sflag:s15], $0x2000  }
0x1c: {  	s12 =	smov.u32 s9;
	[sflag:s15] =	ssyncset.done @!p1 $0x0;
	s9 =	smov.u32 s14  }
0x1d: {  	s11 =	sadd.s32 $0x1, s11;
	[sflag:s15] =	ssyncadd.s32 @!p1 $0xFFFFE000;
	s10 =	smov.u32 s16  }
.LBB1_1:
0x1e: {  	p1 =	sge.u32 s11, s5  }
0x1f: {  	s14 =	sand.u32 @!p1 $0x1FFFFFF, s9  }
0x20: {  	s15 =	smulhi.u32 @!p1 $0x4924925, s14;
	_ =	sdelay $0x1  }
0x21: {  	s15 =	smul.u32 @!p1 $0x38, s15  }
0x22: {  	s16 =	sxor.u32 @!p1 $0xFFFFFFFF, s11;
	s17 =	smul.u32 @!p1 $0x380, s10  }
0x23: {  	s31 =	sadd.s32 $0xFFFFFFFF, s11;
	s16 =	sshll.u32 @!p1 s16, $0xD;
	s14 =	ssub.s32 @!p1 s14, s15  }
0x24: {  	s15 =	sand.u32 @!p1 $0x2000, s16;
	s16 =	sadd.s32 @!p1 s6, s17;
	s14 =	sshll.u32 @!p1 s14, $0x4  }
0x25: {  	s17 =	simm.s32 @!p1 $0x1C00;
	s14 =	sadd.s32 @!p1 s14, s16;
	s16 =	simm.s32 @!p1 $0x40  }
0x26: {  	[tilespmem:s15], [sflag:$0x1] =	stream.strided.gather @!p1 [hbm4b:s14+s16], $0x2000, s17, s16, $0x38;
	[tilespmem:$0x8080] =	vst v63  }
0x27: {  	p1 =	sge.u32 s31, s5  }
.Ltmp2:
0x28: {  	_ = 	snop;
	(pc) =	sbr.rel @p1 .LBB1_5-.Ltmp2, $1  }
0x29: {  	_ =	sdelay $0x3  }
0x2a: {  	s14 =	simm.s32 $0x1  }
0x2b: {  	_ =	swait.ge [sflag:s4], $0x2000;
	s14 =	simm.s32 @!p0 $0x0  }
0x2c: {  	[sflag:s4] =	ssyncset.done $0x0;
	s15 =	sshll.u32 s14, $0xD  }
0x2d: {  	[sflag:s4] =	ssyncadd.s32 $0xFFFFE000;
	s18 =	sor.u32 $0x20, s15  }
0x2e: {  	s14 =	smul.u32 $0x8100, s14;
	v3 =	vld [tilespmem:s18+$0x10]  }
0x2f: {  	s30 =	sand.u32 $0x1, s11;
	v2 =	vld [tilespmem:s18+$0xFFFFFFF0]  }
0x30: {  	s15 =	smul.u32 $0x8100, s30;
	s14 =	sshrl.u32 s14, $0x2;
	v0 =	vld [tilespmem:s18+$0x0]  }
0x31: {  	v1 =	vld [tilespmem:s18+$0xFFFFFFE0];
	s16 =	sor.u32 $0x4000, s14  }
0x32: {  	s31 =	sshrl.u32 s15, $0x2;
	s15 =	sadd.s32 $0x0, s16  }
0x33: {  	s17 =	simm.s32 $0x4;
	s18 =	sadd.s32 $0x40, s18;
	s14 =	sor.u32 $0x4000, s31;
	[tilespmem:s15+$0x1830 ss:$0x81] =	vst.msk $0xffff, v3  }
.LBB1_3:
0x34: {  	v3 =	vld [tilespmem:s18+$0x10];
	p1 =	sne.s32 s17, $0x1FC;
	[tilespmem:s15+$0x810 ss:$0x81] =	vst.msk $0xffff, v2;
	s19 =	smov.u32 s17;
	s17 =	sadd.s32 $0x4, s17  }
.Ltmp3:
0x35: {  	v2 =	vld [tilespmem:s18+$0xFFFFFFF0];
	[tilespmem:s15+$0x1020 ss:$0x81] =	vst.msk $0xffff, v0;
	(pc) =	sbr.rel @p1 .LBB1_3-.Ltmp3, $4  }
0x36: {  	v0 =	vld [tilespmem:s18+$0x0];
	[tilespmem:s15+$0x0 ss:$0x81] =	vst.msk $0xffff, v1  }
0x37: {  	s15 =	sshra.s32 s19, $0x2;
	v1 =	vld [tilespmem:s18+$0xFFFFFFE0]  }
0x38: {  	s15 =	sadd.s32 s15, s16  }
0x39: {  	s18 =	sadd.s32 $0x40, s18;
	[tilespmem:s15+$0x1830 ss:$0x81] =	vst.msk $0xffff, v3  }
.Ltmp4:
0x3a: {  	_ = 	snop;
	(pc) =	sbr.rel .LBB1_4-.Ltmp4, $1  }
0x3b: {  	_ =	sdelay $0x3  }
.LBB1_6:
0x3c: {  	_ =	sfence.sel $0x180000  }
0x3d: {  	s2 =	simm.s32 $0x1;
	[bflag:$0x0] =	sbarrier.arrive $0xFFFF  }
0x3e: {  	s31 =	simm.s32 $0x2;
	[sflag:s2] =	ssyncpa.u1 $0x1  }
0x3f: {  	[sflag:s31] =	ssyncpa.u1 $0x1  }
0x40: {  	p0 =	sne.s32 s0, $0x0;
	_ =	strace $0x9000004A  }
0x41: {  	s0 =	sadd.s32 @!p0 $0x100000, s1;
	[bflag:$0x2] =	sbarrier.arrive $0xFFFF  }
0x42: {  	[sflag:s0] =	ssyncadd.tile.s32 @!p0 $0x1;
	_ =	shalt  }
.Lfunc_end1:
_tile_overlayer_lowered:
.L_overlay_start_2:
0x43: {  	(tag) =	ssettag $0x2  }
0x44: {  	s0 =	rddreg [dreg:$0x0];
	s2 =	stileid.u32  }
0x45: {  	s1 =	rddreg [dreg:$0x1];
	p0 =	sne.s32 s2, $0x0  }
0x46: {  	s3 =	rddreg [dreg:$0x2];
	[bflag:$0x3] =	sbarrier.arrive $0xFFFF;
	s2 =	simm.s32 @!p0 $0x1C01  }
0x47: {  	[timem:s3], [sflag:s2] =	dma.local @!p0 [hbm:s0], s1  }
0x48: {  	s0 =	simm.s32 @!p0 $0x1  }
0x49: {  	_ =	swait.ge @!p0 [sflag:s0], s1  }
0x4a: {  	s1 =	ssub.s32 @!p0 $0x0, s1;
	[sflag:s0] =	ssyncset.done @!p0 $0x0  }
0x4b: {  	[sflag:s0] =	ssyncadd.s32 @!p0 s1  }
0x4c: {  	[bflag:$0x3] =	sbarrier.arrive $0xFFFF  }
0x4d: {  	_ =	shalt  }

</sc_bundles>
